<compile_context>
chip_gen: v7x
topology: tpu7x:2x2x1
jax: 0.10.2.dev20260603
libtpu: 0.0.44.dev20260713+nightly
codegen_flags: <defaults>
</compile_context>

<pallas_src>
import functools

import jax
import jax.numpy as jnp
from jax import lax
from jax.experimental import pallas as pl
from jax.experimental.pallas import tpu as pltpu
from jax.experimental.pallas import tpu_sc as plsc

_IGNORE = -1
_THRESH = 0.7
_MIN_KEPT = 65535

_B, _C, _H, _W = 8, 19, 512, 512
_N = _B * _H * _W
_ROWS = 256

_NW = 32
_PER_W = _N // _NW
_LANES = 16
_CHROWS = 16
_ROWS_W = _PER_W // _W
_NCHUNK = _ROWS_W // _CHROWS


def _ce_body(score_ref, target_ref, loss_ref, nvalid_ref):
    b = pl.program_id(0)
    r = pl.program_id(1)

    @pl.when(jnp.logical_and(b == 0, r == 0))
    def _():
        nvalid_ref[0, 0] = 0

    t = target_ref[0]

    s0 = score_ref[0, 0]
    acc = jnp.exp(s0)
    st = s0
    for c in range(1, _C):
        sc = score_ref[0, c]
        acc = acc + jnp.exp(sc)
        st = jnp.where(t == c, sc, st)
    lse = jnp.log(acc)

    valid = t != _IGNORE
    loss_ref[0] = jnp.where(valid, lse - st, -jnp.inf)
    nvalid_ref[0, 0] += jnp.sum(valid.astype(jnp.int32))


def _ce_pass(score, target):
    return pl.pallas_call(
        _ce_body,
        grid=(_B, _H // _ROWS),
        in_specs=[
            pl.BlockSpec((1, _C, _ROWS, _W), lambda b, r: (b, 0, r, 0)),
            pl.BlockSpec((1, _ROWS, _W), lambda b, r: (b, r, 0)),
        ],
        out_specs=[
            pl.BlockSpec((1, _ROWS, _W), lambda b, r: (b, r, 0)),
            pl.BlockSpec((1, 1), lambda b, r: (0, 0),
                         memory_space=pltpu.SMEM),
        ],
        out_shape=[
            jax.ShapeDtypeStruct((_B, _H, _W), jnp.float32),
            jax.ShapeDtypeStruct((1, 1), jnp.int32),
        ],
    )(score, target)


@functools.partial(
    pl.kernel,
    mesh=plsc.VectorSubcoreMesh(core_axis_name="c", subcore_axis_name="s"),
    out_type=[
        jax.ShapeDtypeStruct((_NW * _LANES,), jnp.float32),
        jax.ShapeDtypeStruct((_NW * _LANES,), jnp.int32),
    ],
    scratch_types=[
        pltpu.VMEM((_CHROWS, _W), jnp.float32),
        pltpu.VMEM((_LANES,), jnp.float32),
        pltpu.VMEM((_LANES,), jnp.float32),
        pltpu.VMEM((_LANES,), jnp.int32),
    ],
)
def _sc_stat(l_hbm, tau_hbm, sum_out, cnt_out, buf, tau_v, sum_v, cnt_v):
    wid = lax.axis_index("s") * 2 + lax.axis_index("c")
    img = wid // 4
    row0 = (wid % 4) * _ROWS_W
    pltpu.sync_copy(tau_hbm, tau_v)

    def chunk_body(ci, carry):
        s_acc, c_acc = carry
        pltpu.sync_copy(l_hbm.at[img, pl.ds(row0 + ci * _CHROWS, _CHROWS)],
                        buf)

        def row_body(r, inner):
            s2, c2 = inner
            tau = tau_v[...]
            zf = jnp.zeros((_LANES,), jnp.float32)
            oi = jnp.ones((_LANES,), jnp.int32)
            zi = jnp.zeros((_LANES,), jnp.int32)
            for u in range(_W // _LANES):
                v = buf[r, pl.ds(u * _LANES, _LANES)]
                gt = v > tau
                s2 = s2 + jnp.where(gt, v, zf)
                c2 = c2 + jnp.where(gt, oi, zi)
            return (s2, c2)

        return lax.fori_loop(0, _CHROWS, row_body, (s_acc, c_acc))

    s_acc, c_acc = lax.fori_loop(
        0, _NCHUNK, chunk_body,
        (jnp.zeros((_LANES,), jnp.float32), jnp.zeros((_LANES,), jnp.int32)))

    sum_v[...] = s_acc
    cnt_v[...] = c_acc
    pltpu.sync_copy(sum_v, sum_out.at[pl.ds(wid * _LANES, _LANES)])
    pltpu.sync_copy(cnt_v, cnt_out.at[pl.ds(wid * _LANES, _LANES)])


def _stat(loss_map, tau_scalar):
    tau_arr = jnp.full((_LANES,), tau_scalar, jnp.float32)
    s_part, c_part = _sc_stat(loss_map, tau_arr)
    return jnp.sum(s_part), jnp.sum(c_part)


def _f32_key(x):
    u = lax.bitcast_convert_type(x, jnp.uint32)
    return jnp.where((u & jnp.uint32(0x80000000)) != 0,
                     ~u, u | jnp.uint32(0x80000000))


def _key_to_f32(k):
    bits = jnp.where((k & jnp.uint32(0x80000000)) != 0,
                     k ^ jnp.uint32(0x80000000), ~k)
    return lax.bitcast_convert_type(bits, jnp.float32)


def kernel(score, target):
    loss_map, nvalid = _ce_pass(score, target)
    n_valid = nvalid[0, 0]

    tau0 = -jnp.log(jnp.float32(_THRESH))
    sum0, cnt0 = _stat(loss_map, tau0)

    idx = jnp.minimum(jnp.int32(_MIN_KEPT), n_valid - 1)

    def case_thresh(_):
        return sum0 / jnp.maximum(cnt0, 1).astype(jnp.float32)

    def case_order_stat(_):
        lo = _f32_key(jnp.float32(-1.0))
        hi = _f32_key(jnp.float32(jnp.inf))

        def cond(st):
            lo_, hi_ = st
            return lo_ < hi_

        def body(st):
            lo_, hi_ = st
            mid = lo_ + (hi_ - lo_) // jnp.uint32(2)
            _, c = _stat(loss_map, _key_to_f32(mid))
            go_left = c <= idx
            return (jnp.where(go_left, lo_, mid + jnp.uint32(1)),
                    jnp.where(go_left, mid, hi_))

        lo, hi = lax.while_loop(cond, body, (lo, hi))
        v_star = _key_to_f32(lo)
        s_keep, c_keep = _stat(loss_map, v_star)
        return s_keep / jnp.maximum(c_keep, 1).astype(jnp.float32)

    return lax.cond(cnt0 > idx, case_thresh, case_order_stat, None)

# --- scband reference (transcript-rebuilt; emitter-appended) ---
"""Pipeline reference for scband-ohem-celoss-2542620639463 (READ-ONLY COPY).

The authoritative reference and input builder live on the scoring server;
editing this copy changes nothing except your own understanding.
"""

import jax, jax.numpy as jnp
import numpy as np

IGNORE_LABEL = -1
THRESH = 0.7
MIN_KEPT = 65535


def setup_inputs(seed: int = 0) -> dict:
    key = jax.random.key(seed)
    k1, k2 = jax.random.split(key)
    score = jax.random.normal(k1, (8, 19, 512, 512), dtype=jnp.float32)
    target = jax.random.randint(k2, (8, 512, 512), 0, 19, dtype=jnp.int32)
    return {"score": score, "target": target}


def reference(score, target):
    # F.softmax(score, dim=1) and per-pixel CE (reduction='none', ignore_index)
    logp = jax.nn.log_softmax(score, axis=1)
    pred = jnp.exp(logp)

    mask = (target != IGNORE_LABEL)
    tmp_target = jnp.where(target == IGNORE_LABEL, 0, target)
    tt = tmp_target[:, None, :, :]

    # per-pixel cross-entropy losses; ignored pixels get 0 (as in torch ignore_index)
    pixel_losses = -jnp.take_along_axis(logp, tt, axis=1)[:, 0]
    pixel_losses = jnp.where(mask, pixel_losses, 0.0)

    # pred.gather(1, tmp_target.unsqueeze(1))
    pred_t = jnp.take_along_axis(pred, tt, axis=1)[:, 0]

    pred_flat = pred_t.reshape(-1)
    mask_flat = mask.reshape(-1)
    losses_flat = pixel_losses.reshape(-1)

    # Emulate pred[mask].sort(): push masked-out entries to the end with +inf
    pred_masked = jnp.where(mask_flat, pred_flat, jnp.inf)
    ind = jnp.argsort(pred_masked)
    pred_sorted = pred_masked[ind]
    losses_sorted = losses_flat[ind]

    n_valid = jnp.sum(mask_flat)
    idx = jnp.minimum(MIN_KEPT, n_valid - 1)
    min_value = pred_sorted[idx]
    threshold = jnp.maximum(min_value, THRESH)

    # pixel_losses[pred < threshold]; masked-out entries have pred=inf -> excluded
    keep = pred_sorted < threshold
    n_keep = jnp.maximum(jnp.sum(keep), 1)
    loss = jnp.sum(losses_sorted * keep.astype(losses_sorted.dtype)) / n_keep.astype(losses_sorted.dtype)
    return loss

if __name__ == "__main__":
    import jax
    _d = setup_inputs()
    print(jax.jit(kernel)(*tuple(_d.values())))

</pallas_src>

<mosaic_0001>
#map = affine_map<(d0, d1) -> (0, 0, 0)>
#map1 = affine_map<(d0, d1) -> (0)>
module attributes {stable_mosaic.version = 14 : i64} {
  func.func @_sc_stat(%arg0: i32, %arg1: i32, %arg2: memref<8x512x512xf32, #tpu.memory_space<hbm>>, %arg3: memref<16xf32, #tpu.memory_space<hbm>>, %arg4: memref<512xf32, #tpu.memory_space<hbm>>, %arg5: memref<512xi32, #tpu.memory_space<hbm>>, %arg6: memref<16x512xf32, #tpu.memory_space<vmem>>, %arg7: memref<16xf32, #tpu.memory_space<vmem>>, %arg8: memref<16xf32, #tpu.memory_space<vmem>>, %arg9: memref<16xi32, #tpu.memory_space<vmem>>) attributes {dimension_semantics = [#tpu.dimension_semantics<core_parallel>, #tpu.dimension_semantics<subcore_parallel>], iteration_bounds = array<i64: 2, 16>, scalar_prefetch = 0 : i64, scratch_operands = 4 : i64, tpu.core_type = #tpu.core_type<sc_vector_subcore>, window_params = [{transform_indices = #map}, {transform_indices = #map1}, {transform_indices = #map1}, {transform_indices = #map1}]} {
    %mul3A = arith.constant 2 : i32
    %mul3A_0 = arith.muli %arg1, %mul3A : i32
    %add3A = arith.addi %mul3A_0, %arg0 : i32
    %jit3A = arith.constant 4 : i32
    %div3A = arith.divsi %add3A, %jit3A : i32
    %sign3A = arith.constant 0 : i32
    %sign3A_1 = arith.cmpi sgt, %add3A, %sign3A : i32
    %sign3A_2 = arith.extui %sign3A_1 : i1 to i32
    %sign3A_3 = arith.constant 0 : i32
    %sign3A_4 = arith.cmpi slt, %add3A, %sign3A_3 : i32
    %sign3A_5 = arith.extui %sign3A_4 : i1 to i32
    %sign3A_6 = arith.subi %sign3A_2, %sign3A_5 : i32
    %sign3A_7 = arith.constant 0 : i32
    %sign3A_8 = arith.cmpi sgt, %jit3A, %sign3A_7 : i32
    %sign3A_9 = arith.extui %sign3A_8 : i1 to i32
    %sign3A_10 = arith.constant 0 : i32
    %sign3A_11 = arith.cmpi slt, %jit3A, %sign3A_10 : i32
    %sign3A_12 = arith.extui %sign3A_11 : i1 to i32
    %sign3A_13 = arith.subi %sign3A_9, %sign3A_12 : i32
    %ne3A = arith.cmpi ne, %sign3A_6, %sign3A_13 : i32
    %rem3A = arith.remsi %add3A, %jit3A : i32
    %ne3A_14 = arith.constant 0 : i32
    %ne3A_15 = arith.cmpi ne, %rem3A, %ne3A_14 : i32
    %and3A = arith.andi %ne3A, %ne3A_15 : i1
    %sub3A = arith.constant 1 : i32
    %sub3A_16 = arith.subi %div3A, %sub3A : i32
    %select_n3A = arith.select %and3A, %sub3A_16, %div3A : i32
    %jit3A_17 = arith.constant 4 : i32
    %eq3A = arith.constant 0 : i32
    %eq3A_18 = arith.cmpi eq, %jit3A_17, %eq3A : i32
    %jit3A_19 = arith.constant 1 : i32
    %select_n3A_20 = arith.select %eq3A_18, %jit3A_19, %jit3A_17 : i32
    %rem3A_21 = arith.remsi %add3A, %select_n3A_20 : i32
    %ne3A_22 = arith.constant 0 : i32
    %ne3A_23 = arith.cmpi ne, %rem3A_21, %ne3A_22 : i32
    %lt3A = arith.constant 0 : i32
    %lt3A_24 = arith.cmpi slt, %rem3A_21, %lt3A : i32
    %lt3A_25 = arith.constant 0 : i32
    %lt3A_26 = arith.cmpi slt, %select_n3A_20, %lt3A_25 : i32
    %ne3A_27 = arith.xori %lt3A_24, %lt3A_26 : i1
    %and3A_28 = arith.andi %ne3A_27, %ne3A_23 : i1
    %add3A_29 = arith.addi %rem3A_21, %select_n3A_20 : i32
    %select_n3A_30 = arith.select %and3A_28, %add3A_29, %rem3A_21 : i32
    %mul3A_31 = arith.constant 128 : i32
    %mul3A_32 = arith.muli %select_n3A_30, %mul3A_31 : i32
    "tpu.region"() ({
      %run_scoped3A = tpu.sem_alloc : memref<!tpu.dma_semaphore, #tpu.memory_space<semaphore_mem>>
      tpu.enqueue_dma source(%arg3 : memref<16xf32, #tpu.memory_space<hbm>>) target(%arg7 : memref<16xf32, #tpu.memory_space<vmem>>) target_semaphore(%run_scoped3A : memref<!tpu.dma_semaphore, #tpu.memory_space<semaphore_mem>>)
      tpu.wait_dma2 semaphore(%run_scoped3A : memref<!tpu.dma_semaphore, #tpu.memory_space<semaphore_mem>>) src(%arg3 : memref<16xf32, #tpu.memory_space<hbm>>) dst(%arg7 : memref<16xf32, #tpu.memory_space<vmem>>)
      tpu.yield
    }) : () -> ()
    %broadcast_in_dim3A = arith.constant 0.000000e+00 : f32
    %broadcast_in_dim3A_33 = vector.broadcast %broadcast_in_dim3A : f32 to vector<16xf32>
    %broadcast_in_dim3A_34 = arith.constant 0 : i32
    %broadcast_in_dim3A_35 = vector.broadcast %broadcast_in_dim3A_34 : i32 to vector<16xi32>
    %scan3A = arith.constant 0 : i32
    %scan3A_36 = arith.constant 8 : i32
    %scan3A_37 = arith.addi %scan3A, %scan3A_36 : i32
    %scan3A_38 = arith.constant 1 : i32
    %scan3A_39:2 = scf.for %scan3A_52 = %scan3A to %scan3A_37 step %scan3A_38 iter_args(%scan3A_53 = %broadcast_in_dim3A_33, %scan3A_54 = %broadcast_in_dim3A_35) -> (vector<16xf32>, vector<16xi32>)  : i32 {
      %mul3A_55 = arith.constant 16 : i32
      %mul3A_56 = arith.muli %scan3A_52, %mul3A_55 : i32
      %add3A_57 = arith.addi %mul3A_32, %mul3A_56 : i32
      "tpu.region"() ({
        %run_scoped3A = tpu.sem_alloc : memref<!tpu.dma_semaphore, #tpu.memory_space<semaphore_mem>>
        %dma_start3A = arith.constant 0 : i32
        %dma_start3A_64 = tpu.memref_slice %arg2[%select_n3A, %add3A_57, %dma_start3A] : memref<8x512x512xf32, #tpu.memory_space<hbm>> -> memref<1x16x512xf32, #tpu.memory_space<hbm>>
        %dma_start3A_65 = tpu.memref_squeeze %dma_start3A_64 : memref<1x16x512xf32, #tpu.memory_space<hbm>> -> memref<16x512xf32, #tpu.memory_space<hbm>>
        %dma_start3A_66 = arith.constant 0 : i32
        %dma_start3A_67 = tpu.memref_slice %arg2[%select_n3A, %add3A_57, %dma_start3A_66] : memref<8x512x512xf32, #tpu.memory_space<hbm>> -> memref<1x16x512xf32, #tpu.memory_space<hbm>>
        %dma_start3A_68 = tpu.memref_squeeze %dma_start3A_67 : memref<1x16x512xf32, #tpu.memory_space<hbm>> -> memref<16x512xf32, #tpu.memory_space<hbm>>
        tpu.enqueue_dma source(%dma_start3A_68 : memref<16x512xf32, #tpu.memory_space<hbm>>) target(%arg6 : memref<16x512xf32, #tpu.memory_space<vmem>>) target_semaphore(%run_scoped3A : memref<!tpu.dma_semaphore, #tpu.memory_space<semaphore_mem>>)
        %dma_wait3A = arith.constant 0 : i32
        %dma_wait3A_69 = tpu.memref_slice %arg2[%select_n3A, %add3A_57, %dma_wait3A] : memref<8x512x512xf32, #tpu.memory_space<hbm>> -> memref<1x16x512xf32, #tpu.memory_space<hbm>>
        %dma_wait3A_70 = tpu.memref_squeeze %dma_wait3A_69 : memref<1x16x512xf32, #tpu.memory_space<hbm>> -> memref<16x512xf32, #tpu.memory_space<hbm>>
        %dma_wait3A_71 = arith.constant 0 : i32
        %dma_wait3A_72 = tpu.memref_slice %arg2[%select_n3A, %add3A_57, %dma_wait3A_71] : memref<8x512x512xf32, #tpu.memory_space<hbm>> -> memref<1x16x512xf32, #tpu.memory_space<hbm>>
        %dma_wait3A_73 = tpu.memref_squeeze %dma_wait3A_72 : memref<1x16x512xf32, #tpu.memory_space<hbm>> -> memref<16x512xf32, #tpu.memory_space<hbm>>
        tpu.wait_dma2 semaphore(%run_scoped3A : memref<!tpu.dma_semaphore, #tpu.memory_space<semaphore_mem>>) src(%dma_wait3A_73 : memref<16x512xf32, #tpu.memory_space<hbm>>) dst(%arg6 : memref<16x512xf32, #tpu.memory_space<vmem>>)
        tpu.yield
      }) : () -> ()
      %scan3A_58 = arith.constant 0 : i32
      %scan3A_59 = arith.constant 16 : i32
      %scan3A_60 = arith.addi %scan3A_58, %scan3A_59 : i32
      %scan3A_61 = arith.constant 1 : i32
      %scan3A_62:2 = scf.for %scan3A_64 = %scan3A_58 to %scan3A_60 step %scan3A_61 iter_args(%scan3A_65 = %scan3A_53, %scan3A_66 = %scan3A_54) -> (vector<16xf32>, vector<16xi32>)  : i32 {
        %get3A = arith.constant 0 : index
        %get3A_67 = tpu.vector_load %arg7[%get3A] {strides = array<i32>} : memref<16xf32, #tpu.memory_space<vmem>>, vector<16xf32>,
        %get3A_68 = vector.shape_cast %get3A_67 : vector<16xf32> to vector<16xf32>
        %broadcast_in_dim3A_69 = arith.constant 0.000000e+00 : f32
        %broadcast_in_dim3A_70 = vector.broadcast %broadcast_in_dim3A_69 : f32 to vector<16xf32>
        %broadcast_in_dim3A_71 = arith.constant 1 : i32
        %broadcast_in_dim3A_72 = vector.broadcast %broadcast_in_dim3A_71 : i32 to vector<16xi32>
        %broadcast_in_dim3A_73 = arith.constant 0 : i32
        %broadcast_in_dim3A_74 = vector.broadcast %broadcast_in_dim3A_73 : i32 to vector<16xi32>
        %get3A_75 = arith.index_cast %scan3A_64 : i32 to index
        %get3A_76 = arith.constant 0 : index
        %get3A_77 = tpu.vector_load %arg6[%get3A_75, %get3A_76] {strides = array<i32>} : memref<16x512xf32, #tpu.memory_space<vmem>>, vector<1x16xf32>,
        %get3A_78 = vector.shape_cast %get3A_77 : vector<1x16xf32> to vector<16xf32>
        %gt3A = arith.cmpf ogt, %get3A_78, %get3A_68 : vector<16xf32>
        %select_n3A_79 = arith.select %gt3A, %get3A_78, %broadcast_in_dim3A_70 : vector<16xi1>, vector<16xf32>
        %add3A_80 = arith.addf %scan3A_65, %select_n3A_79 : vector<16xf32>
        %select_n3A_81 = arith.select %gt3A, %broadcast_in_dim3A_72, %broadcast_in_dim3A_74 : vector<16xi1>, vector<16xi32>
        %add3A_82 = arith.addi %scan3A_66, %select_n3A_81 : vector<16xi32>
        %get3A_83 = arith.index_cast %scan3A_64 : i32 to index
        %get3A_84 = arith.constant 16 : index
        %get3A_85 = tpu.vector_load %arg6[%get3A_83, %get3A_84] {strides = array<i32>} : memref<16x512xf32, #tpu.memory_space<vmem>>, vector<1x16xf32>,
        %get3A_86 = vector.shape_cast %get3A_85 : vector<1x16xf32> to vector<16xf32>
        %gt3A_87 = arith.cmpf ogt, %get3A_86, %get3A_68 : vector<16xf32>
        %select_n3A_88 = arith.select %gt3A_87, %get3A_86, %broadcast_in_dim3A_70 : vector<16xi1>, vector<16xf32>
        %add3A_89 = arith.addf %add3A_80, %select_n3A_88 : vector<16xf32>
        %select_n3A_90 = arith.select %gt3A_87, %broadcast_in_dim3A_72, %broadcast_in_dim3A_74 : vector<16xi1>, vector<16xi32>
        %add3A_91 = arith.addi %add3A_82, %select_n3A_90 : vector<16xi32>
        %get3A_92 = arith.index_cast %scan3A_64 : i32 to index
        %get3A_93 = arith.constant 32 : index
        %get3A_94 = tpu.vector_load %arg6[%get3A_92, %get3A_93] {strides = array<i32>} : memref<16x512xf32, #tpu.memory_space<vmem>>, vector<1x16xf32>,
        %get3A_95 = vector.shape_cast %get3A_94 : vector<1x16xf32> to vector<16xf32>
        %gt3A_96 = arith.cmpf ogt, %get3A_95, %get3A_68 : vector<16xf32>
        %select_n3A_97 = arith.select %gt3A_96, %get3A_95, %broadcast_in_dim3A_70 : vector<16xi1>, vector<16xf32>
        %add3A_98 = arith.addf %add3A_89, %select_n3A_97 : vector<16xf32>
        %select_n3A_99 = arith.select %gt3A_96, %broadcast_in_dim3A_72, %broadcast_in_dim3A_74 : vector<16xi1>, vector<16xi32>
        %add3A_100 = arith.addi %add3A_91, %select_n3A_99 : vector<16xi32>
        %get3A_101 = arith.index_cast %scan3A_64 : i32 to index
        %get3A_102 = arith.constant 48 : index
        %get3A_103 = tpu.vector_load %arg6[%get3A_101, %get3A_102] {strides = array<i32>} : memref<16x512xf32, #tpu.memory_space<vmem>>, vector<1x16xf32>,
        %get3A_104 = vector.shape_cast %get3A_103 : vector<1x16xf32> to vector<16xf32>
        %gt3A_105 = arith.cmpf ogt, %get3A_104, %get3A_68 : vector<16xf32>
        %select_n3A_106 = arith.select %gt3A_105, %get3A_104, %broadcast_in_dim3A_70 : vector<16xi1>, vector<16xf32>
        %add3A_107 = arith.addf %add3A_98, %select_n3A_106 : vector<16xf32>
        %select_n3A_108 = arith.select %gt3A_105, %broadcast_in_dim3A_72, %broadcast_in_dim3A_74 : vector<16xi1>, vector<16xi32>
        %add3A_109 = arith.addi %add3A_100, %select_n3A_108 : vector<16xi32>
        %get3A_110 = arith.index_cast %scan3A_64 : i32 to index
        %get3A_111 = arith.constant 64 : index
        %get3A_112 = tpu.vector_load %arg6[%get3A_110, %get3A_111] {strides = array<i32>} : memref<16x512xf32, #tpu.memory_space<vmem>>, vector<1x16xf32>,
        %get3A_113 = vector.shape_cast %get3A_112 : vector<1x16xf32> to vector<16xf32>
        %gt3A_114 = arith.cmpf ogt, %get3A_113, %get3A_68 : vector<16xf32>
        %select_n3A_115 = arith.select %gt3A_114, %get3A_113, %broadcast_in_dim3A_70 : vector<16xi1>, vector<16xf32>
        %add3A_116 = arith.addf %add3A_107, %select_n3A_115 : vector<16xf32>
        %select_n3A_117 = arith.select %gt3A_114, %broadcast_in_dim3A_72, %broadcast_in_dim3A_74 : vector<16xi1>, vector<16xi32>
        %add3A_118 = arith.addi %add3A_109, %select_n3A_117 : vector<16xi32>
        %get3A_119 = arith.index_cast %scan3A_64 : i32 to index
        %get3A_120 = arith.constant 80 : index
        %get3A_121 = tpu.vector_load %arg6[%get3A_119, %get3A_120] {strides = array<i32>} : memref<16x512xf32, #tpu.memory_space<vmem>>, vector<1x16xf32>,
        %get3A_122 = vector.shape_cast %get3A_121 : vector<1x16xf32> to vector<16xf32>
        %gt3A_123 = arith.cmpf ogt, %get3A_122, %get3A_68 : vector<16xf32>
        %select_n3A_124 = arith.select %gt3A_123, %get3A_122, %broadcast_in_dim3A_70 : vector<16xi1>, vector<16xf32>
        %add3A_125 = arith.addf %add3A_116, %select_n3A_124 : vector<16xf32>
        %select_n3A_126 = arith.select %gt3A_123, %broadcast_in_dim3A_72, %broadcast_in_dim3A_74 : vector<16xi1>, vector<16xi32>
        %add3A_127 = arith.addi %add3A_118, %select_n3A_126 : vector<16xi32>
        %get3A_128 = arith.index_cast %scan3A_64 : i32 to index
        %get3A_129 = arith.constant 96 : index
        %get3A_130 = tpu.vector_load %arg6[%get3A_128, %get3A_129] {strides = array<i32>} : memref<16x512xf32, #tpu.memory_space<vmem>>, vector<1x16xf32>,
        %get3A_131 = vector.shape_cast %get3A_130 : vector<1x16xf32> to vector<16xf32>
        %gt3A_132 = arith.cmpf ogt, %get3A_131, %get3A_68 : vector<16xf32>
        %select_n3A_133 = arith.select %gt3A_132, %get3A_131, %broadcast_in_dim3A_70 : vector<16xi1>, vector<16xf32>
        %add3A_134 = arith.addf %add3A_125, %select_n3A_133 : vector<16xf32>
        %select_n3A_135 = arith.select %gt3A_132, %broadcast_in_dim3A_72, %broadcast_in_dim3A_74 : vector<16xi1>, vector<16xi32>
        %add3A_136 = arith.addi %add3A_127, %select_n3A_135 : vector<16xi32>
        %get3A_137 = arith.index_cast %scan3A_64 : i32 to index
        %get3A_138 = arith.constant 112 : index
        %get3A_139 = tpu.vector_load %arg6[%get3A_137, %get3A_138] {strides = array<i32>} : memref<16x512xf32, #tpu.memory_space<vmem>>, vector<1x16xf32>,
        %get3A_140 = vector.shape_cast %get3A_139 : vector<1x16xf32> to vector<16xf32>
        %gt3A_141 = arith.cmpf ogt, %get3A_140, %get3A_68 : vector<16xf32>
        %select_n3A_142 = arith.select %gt3A_141, %get3A_140, %broadcast_in_dim3A_70 : vector<16xi1>, vector<16xf32>
        %add3A_143 = arith.addf %add3A_134, %select_n3A_142 : vector<16xf32>
        %select_n3A_144 = arith.select %gt3A_141, %broadcast_in_dim3A_72, %broadcast_in_dim3A_74 : vector<16xi1>, vector<16xi32>
        %add3A_145 = arith.addi %add3A_136, %select_n3A_144 : vector<16xi32>
        %get3A_146 = arith.index_cast %scan3A_64 : i32 to index
        %get3A_147 = arith.constant 128 : index
        %get3A_148 = tpu.vector_load %arg6[%get3A_146, %get3A_147] {strides = array<i32>} : memref<16x512xf32, #tpu.memory_space<vmem>>, vector<1x16xf32>,
        %get3A_149 = vector.shape_cast %get3A_148 : vector<1x16xf32> to vector<16xf32>
        %gt3A_150 = arith.cmpf ogt, %get3A_149, %get3A_68 : vector<16xf32>
        %select_n3A_151 = arith.select %gt3A_150, %get3A_149, %broadcast_in_dim3A_70 : vector<16xi1>, vector<16xf32>
        %add3A_152 = arith.addf %add3A_143, %select_n3A_151 : vector<16xf32>
        %select_n3A_153 = arith.select %gt3A_150, %broadcast_in_dim3A_72, %broadcast_in_dim3A_74 : vector<16xi1>, vector<16xi32>
        %add3A_154 = arith.addi %add3A_145, %select_n3A_153 : vector<16xi32>
        %get3A_155 = arith.index_cast %scan3A_64 : i32 to index
        %get3A_156 = arith.constant 144 : index
        %get3A_157 = tpu.vector_load %arg6[%get3A_155, %get3A_156] {strides = array<i32>} : memref<16x512xf32, #tpu.memory_space<vmem>>, vector<1x16xf32>,
        %get3A_158 = vector.shape_cast %get3A_157 : vector<1x16xf32> to vector<16xf32>
        %gt3A_159 = arith.cmpf ogt, %get3A_158, %get3A_68 : vector<16xf32>
        %select_n3A_160 = arith.select %gt3A_159, %get3A_158, %broadcast_in_dim3A_70 : vector<16xi1>, vector<16xf32>
        %add3A_161 = arith.addf %add3A_152, %select_n3A_160 : vector<16xf32>
        %select_n3A_162 = arith.select %gt3A_159, %broadcast_in_dim3A_72, %broadcast_in_dim3A_74 : vector<16xi1>, vector<16xi32>
        %add3A_163 = arith.addi %add3A_154, %select_n3A_162 : vector<16xi32>
        %get3A_164 = arith.index_cast %scan3A_64 : i32 to index
        %get3A_165 = arith.constant 160 : index
        %get3A_166 = tpu.vector_load %arg6[%get3A_164, %get3A_165] {strides = array<i32>} : memref<16x512xf32, #tpu.memory_space<vmem>>, vector<1x16xf32>,
        %get3A_167 = vector.shape_cast %get3A_166 : vector<1x16xf32> to vector<16xf32>
        %gt3A_168 = arith.cmpf ogt, %get3A_167, %get3A_68 : vector<16xf32>
        %select_n3A_169 = arith.select %gt3A_168, %get3A_167, %broadcast_in_dim3A_70 : vector<16xi1>, vector<16xf32>
        %add3A_170 = arith.addf %add3A_161, %select_n3A_169 : vector<16xf32>
        %select_n3A_171 = arith.select %gt3A_168, %broadcast_in_dim3A_72, %broadcast_in_dim3A_74 : vector<16xi1>, vector<16xi32>
        %add3A_172 = arith.addi %add3A_163, %select_n3A_171 : vector<16xi32>
        %get3A_173 = arith.index_cast %scan3A_64 : i32 to index
        %get3A_174 = arith.constant 176 : index
        %get3A_175 = tpu.vector_load %arg6[%get3A_173, %get3A_174] {strides = array<i32>} : memref<16x512xf32, #tpu.memory_space<vmem>>, vector<1x16xf32>,
        %get3A_176 = vector.shape_cast %get3A_175 : vector<1x16xf32> to vector<16xf32>
        %gt3A_177 = arith.cmpf ogt, %get3A_176, %get3A_68 : vector<16xf32>
        %select_n3A_178 = arith.select %gt3A_177, %get3A_176, %broadcast_in_dim3A_70 : vector<16xi1>, vector<16xf32>
        %add3A_179 = arith.addf %add3A_170, %select_n3A_178 : vector<16xf32>
        %select_n3A_180 = arith.select %gt3A_177, %broadcast_in_dim3A_72, %broadcast_in_dim3A_74 : vector<16xi1>, vector<16xi32>
        %add3A_181 = arith.addi %add3A_172, %select_n3A_180 : vector<16xi32>
        %get3A_182 = arith.index_cast %scan3A_64 : i32 to index
        %get3A_183 = arith.constant 192 : index
        %get3A_184 = tpu.vector_load %arg6[%get3A_182, %get3A_183] {strides = array<i32>} : memref<16x512xf32, #tpu.memory_space<vmem>>, vector<1x16xf32>,
        %get3A_185 = vector.shape_cast %get3A_184 : vector<1x16xf32> to vector<16xf32>
        %gt3A_186 = arith.cmpf ogt, %get3A_185, %get3A_68 : vector<16xf32>
        %select_n3A_187 = arith.select %gt3A_186, %get3A_185, %broadcast_in_dim3A_70 : vector<16xi1>, vector<16xf32>
        %add3A_188 = arith.addf %add3A_179, %select_n3A_187 : vector<16xf32>
        %select_n3A_189 = arith.select %gt3A_186, %broadcast_in_dim3A_72, %broadcast_in_dim3A_74 : vector<16xi1>, vector<16xi32>
        %add3A_190 = arith.addi %add3A_181, %select_n3A_189 : vector<16xi32>
        %get3A_191 = arith.index_cast %scan3A_64 : i32 to index
        %get3A_192 = arith.constant 208 : index
        %get3A_193 = tpu.vector_load %arg6[%get3A_191, %get3A_192] {strides = array<i32>} : memref<16x512xf32, #tpu.memory_space<vmem>>, vector<1x16xf32>,
        %get3A_194 = vector.shape_cast %get3A_193 : vector<1x16xf32> to vector<16xf32>
        %gt3A_195 = arith.cmpf ogt, %get3A_194, %get3A_68 : vector<16xf32>
        %select_n3A_196 = arith.select %gt3A_195, %get3A_194, %broadcast_in_dim3A_70 : vector<16xi1>, vector<16xf32>
        %add3A_197 = arith.addf %add3A_188, %select_n3A_196 : vector<16xf32>
        %select_n3A_198 = arith.select %gt3A_195, %broadcast_in_dim3A_72, %broadcast_in_dim3A_74 : vector<16xi1>, vector<16xi32>
        %add3A_199 = arith.addi %add3A_190, %select_n3A_198 : vector<16xi32>
        %get3A_200 = arith.index_cast %scan3A_64 : i32 to index
        %get3A_201 = arith.constant 224 : index
        %get3A_202 = tpu.vector_load %arg6[%get3A_200, %get3A_201] {strides = array<i32>} : memref<16x512xf32, #tpu.memory_space<vmem>>, vector<1x16xf32>,
        %get3A_203 = vector.shape_cast %get3A_202 : vector<1x16xf32> to vector<16xf32>
        %gt3A_204 = arith.cmpf ogt, %get3A_203, %get3A_68 : vector<16xf32>
        %select_n3A_205 = arith.select %gt3A_204, %get3A_203, %broadcast_in_dim3A_70 : vector<16xi1>, vector<16xf32>
        %add3A_206 = arith.addf %add3A_197, %select_n3A_205 : vector<16xf32>
        %select_n3A_207 = arith.select %gt3A_204, %broadcast_in_dim3A_72, %broadcast_in_dim3A_74 : vector<16xi1>, vector<16xi32>
        %add3A_208 = arith.addi %add3A_199, %select_n3A_207 : vector<16xi32>
        %get3A_209 = arith.index_cast %scan3A_64 : i32 to index
        %get3A_210 = arith.constant 240 : index
        %get3A_211 = tpu.vector_load %arg6[%get3A_209, %get3A_210] {strides = array<i32>} : memref<16x512xf32, #tpu.memory_space<vmem>>, vector<1x16xf32>,
        %get3A_212 = vector.shape_cast %get3A_211 : vector<1x16xf32> to vector<16xf32>
        %gt3A_213 = arith.cmpf ogt, %get3A_212, %get3A_68 : vector<16xf32>
        %select_n3A_214 = arith.select %gt3A_213, %get3A_212, %broadcast_in_dim3A_70 : vector<16xi1>, vector<16xf32>
        %add3A_215 = arith.addf %add3A_206, %select_n3A_214 : vector<16xf32>
        %select_n3A_216 = arith.select %gt3A_213, %broadcast_in_dim3A_72, %broadcast_in_dim3A_74 : vector<16xi1>, vector<16xi32>
        %add3A_217 = arith.addi %add3A_208, %select_n3A_216 : vector<16xi32>
        %get3A_218 = arith.index_cast %scan3A_64 : i32 to index
        %get3A_219 = arith.constant 256 : index
        %get3A_220 = tpu.vector_load %arg6[%get3A_218, %get3A_219] {strides = array<i32>} : memref<16x512xf32, #tpu.memory_space<vmem>>, vector<1x16xf32>,
        %get3A_221 = vector.shape_cast %get3A_220 : vector<1x16xf32> to vector<16xf32>
        %gt3A_222 = arith.cmpf ogt, %get3A_221, %get3A_68 : vector<16xf32>
        %select_n3A_223 = arith.select %gt3A_222, %get3A_221, %broadcast_in_dim3A_70 : vector<16xi1>, vector<16xf32>
        %add3A_224 = arith.addf %add3A_215, %select_n3A_223 : vector<16xf32>
        %select_n3A_225 = arith.select %gt3A_222, %broadcast_in_dim3A_72, %broadcast_in_dim3A_74 : vector<16xi1>, vector<16xi32>
        %add3A_226 = arith.addi %add3A_217, %select_n3A_225 : vector<16xi32>
        %get3A_227 = arith.index_cast %scan3A_64 : i32 to index
        %get3A_228 = arith.constant 272 : index
        %get3A_229 = tpu.vector_load %arg6[%get3A_227, %get3A_228] {strides = array<i32>} : memref<16x512xf32, #tpu.memory_space<vmem>>, vector<1x16xf32>,
        %get3A_230 = vector.shape_cast %get3A_229 : vector<1x16xf32> to vector<16xf32>
        %gt3A_231 = arith.cmpf ogt, %get3A_230, %get3A_68 : vector<16xf32>
        %select_n3A_232 = arith.select %gt3A_231, %get3A_230, %broadcast_in_dim3A_70 : vector<16xi1>, vector<16xf32>
        %add3A_233 = arith.addf %add3A_224, %select_n3A_232 : vector<16xf32>
        %select_n3A_234 = arith.select %gt3A_231, %broadcast_in_dim3A_72, %broadcast_in_dim3A_74 : vector<16xi1>, vector<16xi32>
        %add3A_235 = arith.addi %add3A_226, %select_n3A_234 : vector<16xi32>
        %get3A_236 = arith.index_cast %scan3A_64 : i32 to index
        %get3A_237 = arith.constant 288 : index
        %get3A_238 = tpu.vector_load %arg6[%get3A_236, %get3A_237] {strides = array<i32>} : memref<16x512xf32, #tpu.memory_space<vmem>>, vector<1x16xf32>,
        %get3A_239 = vector.shape_cast %get3A_238 : vector<1x16xf32> to vector<16xf32>
        %gt3A_240 = arith.cmpf ogt, %get3A_239, %get3A_68 : vector<16xf32>
        %select_n3A_241 = arith.select %gt3A_240, %get3A_239, %broadcast_in_dim3A_70 : vector<16xi1>, vector<16xf32>
        %add3A_242 = arith.addf %add3A_233, %select_n3A_241 : vector<16xf32>
        %select_n3A_243 = arith.select %gt3A_240, %broadcast_in_dim3A_72, %broadcast_in_dim3A_74 : vector<16xi1>, vector<16xi32>
        %add3A_244 = arith.addi %add3A_235, %select_n3A_243 : vector<16xi32>
        %get3A_245 = arith.index_cast %scan3A_64 : i32 to index
        %get3A_246 = arith.constant 304 : index
        %get3A_247 = tpu.vector_load %arg6[%get3A_245, %get3A_246] {strides = array<i32>} : memref<16x512xf32, #tpu.memory_space<vmem>>, vector<1x16xf32>,
        %get3A_248 = vector.shape_cast %get3A_247 : vector<1x16xf32> to vector<16xf32>
        %gt3A_249 = arith.cmpf ogt, %get3A_248, %get3A_68 : vector<16xf32>
        %select_n3A_250 = arith.select %gt3A_249, %get3A_248, %broadcast_in_dim3A_70 : vector<16xi1>, vector<16xf32>
        %add3A_251 = arith.addf %add3A_242, %select_n3A_250 : vector<16xf32>
        %select_n3A_252 = arith.select %gt3A_249, %broadcast_in_dim3A_72, %broadcast_in_dim3A_74 : vector<16xi1>, vector<16xi32>
        %add3A_253 = arith.addi %add3A_244, %select_n3A_252 : vector<16xi32>
        %get3A_254 = arith.index_cast %scan3A_64 : i32 to index
        %get3A_255 = arith.constant 320 : index
        %get3A_256 = tpu.vector_load %arg6[%get3A_254, %get3A_255] {strides = array<i32>} : memref<16x512xf32, #tpu.memory_space<vmem>>, vector<1x16xf32>,
        %get3A_257 = vector.shape_cast %get3A_256 : vector<1x16xf32> to vector<16xf32>
        %gt3A_258 = arith.cmpf ogt, %get3A_257, %get3A_68 : vector<16xf32>
        %select_n3A_259 = arith.select %gt3A_258, %get3A_257, %broadcast_in_dim3A_70 : vector<16xi1>, vector<16xf32>
        %add3A_260 = arith.addf %add3A_251, %select_n3A_259 : vector<16xf32>
        %select_n3A_261 = arith.select %gt3A_258, %broadcast_in_dim3A_72, %broadcast_in_dim3A_74 : vector<16xi1>, vector<16xi32>
        %add3A_262 = arith.addi %add3A_253, %select_n3A_261 : vector<16xi32>
        %get3A_263 = arith.index_cast %scan3A_64 : i32 to index
        %get3A_264 = arith.constant 336 : index
        %get3A_265 = tpu.vector_load %arg6[%get3A_263, %get3A_264] {strides = array<i32>} : memref<16x512xf32, #tpu.memory_space<vmem>>, vector<1x16xf32>,
        %get3A_266 = vector.shape_cast %get3A_265 : vector<1x16xf32> to vector<16xf32>
        %gt3A_267 = arith.cmpf ogt, %get3A_266, %get3A_68 : vector<16xf32>
        %select_n3A_268 = arith.select %gt3A_267, %get3A_266, %broadcast_in_dim3A_70 : vector<16xi1>, vector<16xf32>
        %add3A_269 = arith.addf %add3A_260, %select_n3A_268 : vector<16xf32>
        %select_n3A_270 = arith.select %gt3A_267, %broadcast_in_dim3A_72, %broadcast_in_dim3A_74 : vector<16xi1>, vector<16xi32>
        %add3A_271 = arith.addi %add3A_262, %select_n3A_270 : vector<16xi32>
        %get3A_272 = arith.index_cast %scan3A_64 : i32 to index
        %get3A_273 = arith.constant 352 : index
        %get3A_274 = tpu.vector_load %arg6[%get3A_272, %get3A_273] {strides = array<i32>} : memref<16x512xf32, #tpu.memory_space<vmem>>, vector<1x16xf32>,
        %get3A_275 = vector.shape_cast %get3A_274 : vector<1x16xf32> to vector<16xf32>
        %gt3A_276 = arith.cmpf ogt, %get3A_275, %get3A_68 : vector<16xf32>
        %select_n3A_277 = arith.select %gt3A_276, %get3A_275, %broadcast_in_dim3A_70 : vector<16xi1>, vector<16xf32>
        %add3A_278 = arith.addf %add3A_269, %select_n3A_277 : vector<16xf32>
        %select_n3A_279 = arith.select %gt3A_276, %broadcast_in_dim3A_72, %broadcast_in_dim3A_74 : vector<16xi1>, vector<16xi32>
        %add3A_280 = arith.addi %add3A_271, %select_n3A_279 : vector<16xi32>
        %get3A_281 = arith.index_cast %scan3A_64 : i32 to index
        %get3A_282 = arith.constant 368 : index
        %get3A_283 = tpu.vector_load %arg6[%get3A_281, %get3A_282] {strides = array<i32>} : memref<16x512xf32, #tpu.memory_space<vmem>>, vector<1x16xf32>,
        %get3A_284 = vector.shape_cast %get3A_283 : vector<1x16xf32> to vector<16xf32>
        %gt3A_285 = arith.cmpf ogt, %get3A_284, %get3A_68 : vector<16xf32>
        %select_n3A_286 = arith.select %gt3A_285, %get3A_284, %broadcast_in_dim3A_70 : vector<16xi1>, vector<16xf32>
        %add3A_287 = arith.addf %add3A_278, %select_n3A_286 : vector<16xf32>
        %select_n3A_288 = arith.select %gt3A_285, %broadcast_in_dim3A_72, %broadcast_in_dim3A_74 : vector<16xi1>, vector<16xi32>
        %add3A_289 = arith.addi %add3A_280, %select_n3A_288 : vector<16xi32>
        %get3A_290 = arith.index_cast %scan3A_64 : i32 to index
        %get3A_291 = arith.constant 384 : index
        %get3A_292 = tpu.vector_load %arg6[%get3A_290, %get3A_291] {strides = array<i32>} : memref<16x512xf32, #tpu.memory_space<vmem>>, vector<1x16xf32>,
        %get3A_293 = vector.shape_cast %get3A_292 : vector<1x16xf32> to vector<16xf32>
        %gt3A_294 = arith.cmpf ogt, %get3A_293, %get3A_68 : vector<16xf32>
        %select_n3A_295 = arith.select %gt3A_294, %get3A_293, %broadcast_in_dim3A_70 : vector<16xi1>, vector<16xf32>
        %add3A_296 = arith.addf %add3A_287, %select_n3A_295 : vector<16xf32>
        %select_n3A_297 = arith.select %gt3A_294, %broadcast_in_dim3A_72, %broadcast_in_dim3A_74 : vector<16xi1>, vector<16xi32>
        %add3A_298 = arith.addi %add3A_289, %select_n3A_297 : vector<16xi32>
        %get3A_299 = arith.index_cast %scan3A_64 : i32 to index
        %get3A_300 = arith.constant 400 : index
        %get3A_301 = tpu.vector_load %arg6[%get3A_299, %get3A_300] {strides = array<i32>} : memref<16x512xf32, #tpu.memory_space<vmem>>, vector<1x16xf32>,
        %get3A_302 = vector.shape_cast %get3A_301 : vector<1x16xf32> to vector<16xf32>
        %gt3A_303 = arith.cmpf ogt, %get3A_302, %get3A_68 : vector<16xf32>
        %select_n3A_304 = arith.select %gt3A_303, %get3A_302, %broadcast_in_dim3A_70 : vector<16xi1>, vector<16xf32>
        %add3A_305 = arith.addf %add3A_296, %select_n3A_304 : vector<16xf32>
        %select_n3A_306 = arith.select %gt3A_303, %broadcast_in_dim3A_72, %broadcast_in_dim3A_74 : vector<16xi1>, vector<16xi32>
        %add3A_307 = arith.addi %add3A_298, %select_n3A_306 : vector<16xi32>
        %get3A_308 = arith.index_cast %scan3A_64 : i32 to index
        %get3A_309 = arith.constant 416 : index
        %get3A_310 = tpu.vector_load %arg6[%get3A_308, %get3A_309] {strides = array<i32>} : memref<16x512xf32, #tpu.memory_space<vmem>>, vector<1x16xf32>,
        %get3A_311 = vector.shape_cast %get3A_310 : vector<1x16xf32> to vector<16xf32>
        %gt3A_312 = arith.cmpf ogt, %get3A_311, %get3A_68 : vector<16xf32>
        %select_n3A_313 = arith.select %gt3A_312, %get3A_311, %broadcast_in_dim3A_70 : vector<16xi1>, vector<16xf32>
        %add3A_314 = arith.addf %add3A_305, %select_n3A_313 : vector<16xf32>
        %select_n3A_315 = arith.select %gt3A_312, %broadcast_in_dim3A_72, %broadcast_in_dim3A_74 : vector<16xi1>, vector<16xi32>
        %add3A_316 = arith.addi %add3A_307, %select_n3A_315 : vector<16xi32>
        %get3A_317 = arith.index_cast %scan3A_64 : i32 to index
        %get3A_318 = arith.constant 432 : index
        %get3A_319 = tpu.vector_load %arg6[%get3A_317, %get3A_318] {strides = array<i32>} : memref<16x512xf32, #tpu.memory_space<vmem>>, vector<1x16xf32>,
        %get3A_320 = vector.shape_cast %get3A_319 : vector<1x16xf32> to vector<16xf32>
        %gt3A_321 = arith.cmpf ogt, %get3A_320, %get3A_68 : vector<16xf32>
        %select_n3A_322 = arith.select %gt3A_321, %get3A_320, %broadcast_in_dim3A_70 : vector<16xi1>, vector<16xf32>
        %add3A_323 = arith.addf %add3A_314, %select_n3A_322 : vector<16xf32>
        %select_n3A_324 = arith.select %gt3A_321, %broadcast_in_dim3A_72, %broadcast_in_dim3A_74 : vector<16xi1>, vector<16xi32>
        %add3A_325 = arith.addi %add3A_316, %select_n3A_324 : vector<16xi32>
        %get3A_326 = arith.index_cast %scan3A_64 : i32 to index
        %get3A_327 = arith.constant 448 : index
        %get3A_328 = tpu.vector_load %arg6[%get3A_326, %get3A_327] {strides = array<i32>} : memref<16x512xf32, #tpu.memory_space<vmem>>, vector<1x16xf32>,
        %get3A_329 = vector.shape_cast %get3A_328 : vector<1x16xf32> to vector<16xf32>
        %gt3A_330 = arith.cmpf ogt, %get3A_329, %get3A_68 : vector<16xf32>
        %select_n3A_331 = arith.select %gt3A_330, %get3A_329, %broadcast_in_dim3A_70 : vector<16xi1>, vector<16xf32>
        %add3A_332 = arith.addf %add3A_323, %select_n3A_331 : vector<16xf32>
        %select_n3A_333 = arith.select %gt3A_330, %broadcast_in_dim3A_72, %broadcast_in_dim3A_74 : vector<16xi1>, vector<16xi32>
        %add3A_334 = arith.addi %add3A_325, %select_n3A_333 : vector<16xi32>
        %get3A_335 = arith.index_cast %scan3A_64 : i32 to index
        %get3A_336 = arith.constant 464 : index
        %get3A_337 = tpu.vector_load %arg6[%get3A_335, %get3A_336] {strides = array<i32>} : memref<16x512xf32, #tpu.memory_space<vmem>>, vector<1x16xf32>,
        %get3A_338 = vector.shape_cast %get3A_337 : vector<1x16xf32> to vector<16xf32>
        %gt3A_339 = arith.cmpf ogt, %get3A_338, %get3A_68 : vector<16xf32>
        %select_n3A_340 = arith.select %gt3A_339, %get3A_338, %broadcast_in_dim3A_70 : vector<16xi1>, vector<16xf32>
        %add3A_341 = arith.addf %add3A_332, %select_n3A_340 : vector<16xf32>
        %select_n3A_342 = arith.select %gt3A_339, %broadcast_in_dim3A_72, %broadcast_in_dim3A_74 : vector<16xi1>, vector<16xi32>
        %add3A_343 = arith.addi %add3A_334, %select_n3A_342 : vector<16xi32>
        %get3A_344 = arith.index_cast %scan3A_64 : i32 to index
        %get3A_345 = arith.constant 480 : index
        %get3A_346 = tpu.vector_load %arg6[%get3A_344, %get3A_345] {strides = array<i32>} : memref<16x512xf32, #tpu.memory_space<vmem>>, vector<1x16xf32>,
        %get3A_347 = vector.shape_cast %get3A_346 : vector<1x16xf32> to vector<16xf32>
        %gt3A_348 = arith.cmpf ogt, %get3A_347, %get3A_68 : vector<16xf32>
        %select_n3A_349 = arith.select %gt3A_348, %get3A_347, %broadcast_in_dim3A_70 : vector<16xi1>, vector<16xf32>
        %add3A_350 = arith.addf %add3A_341, %select_n3A_349 : vector<16xf32>
        %select_n3A_351 = arith.select %gt3A_348, %broadcast_in_dim3A_72, %broadcast_in_dim3A_74 : vector<16xi1>, vector<16xi32>
        %add3A_352 = arith.addi %add3A_343, %select_n3A_351 : vector<16xi32>
        %get3A_353 = arith.index_cast %scan3A_64 : i32 to index
        %get3A_354 = arith.constant 496 : index
        %get3A_355 = tpu.vector_load %arg6[%get3A_353, %get3A_354] {strides = array<i32>} : memref<16x512xf32, #tpu.memory_space<vmem>>, vector<1x16xf32>,
        %get3A_356 = vector.shape_cast %get3A_355 : vector<1x16xf32> to vector<16xf32>
        %gt3A_357 = arith.cmpf ogt, %get3A_356, %get3A_68 : vector<16xf32>
        %select_n3A_358 = arith.select %gt3A_357, %get3A_356, %broadcast_in_dim3A_70 : vector<16xi1>, vector<16xf32>
        %add3A_359 = arith.addf %add3A_350, %select_n3A_358 : vector<16xf32>
        %select_n3A_360 = arith.select %gt3A_357, %broadcast_in_dim3A_72, %broadcast_in_dim3A_74 : vector<16xi1>, vector<16xi32>
        %add3A_361 = arith.addi %add3A_352, %select_n3A_360 : vector<16xi32>
        scf.yield %add3A_359, %add3A_361 : vector<16xf32>, vector<16xi32>
      }
      %scan3A_63 = arith.constant 16 : i32
      scf.yield %scan3A_62#0, %scan3A_62#1 : vector<16xf32>, vector<16xi32>
    }
    %scan3A_40 = arith.constant 8 : i32
    %swap3A = arith.constant 0 : index
    %swap3A_41 = tpu.vector_load %arg8[%swap3A] {strides = array<i32>} : memref<16xf32, #tpu.memory_space<vmem>>, vector<16xf32>,
    %swap3A_42 = vector.shape_cast %swap3A_41 : vector<16xf32> to vector<16xf32>
    %swap3A_43 = vector.shape_cast %scan3A_39#0 : vector<16xf32> to vector<16xf32>
    tpu.vector_store %arg8[%swap3A], %swap3A_43 {strides = array<i32>} : memref<16xf32, #tpu.memory_space<vmem>>, vector<16xf32>,
    %swap3A_44 = arith.constant 0 : index
    %swap3A_45 = tpu.vector_load %arg9[%swap3A_44] {strides = array<i32>} : memref<16xi32, #tpu.memory_space<vmem>>, vector<16xi32>,
    %swap3A_46 = vector.shape_cast %swap3A_45 : vector<16xi32> to vector<16xi32>
    %swap3A_47 = vector.shape_cast %scan3A_39#1 : vector<16xi32> to vector<16xi32>
    tpu.vector_store %arg9[%swap3A_44], %swap3A_47 {strides = array<i32>} : memref<16xi32, #tpu.memory_space<vmem>>, vector<16xi32>,
    %mul3A_48 = arith.constant 16 : i32
    %mul3A_49 = arith.muli %add3A, %mul3A_48 : i32
    "tpu.region"() ({
      %run_scoped3A = tpu.sem_alloc : memref<!tpu.dma_semaphore, #tpu.memory_space<semaphore_mem>>
      %dma_start3A = tpu.memref_slice %arg4[%mul3A_49] : memref<512xf32, #tpu.memory_space<hbm>> -> memref<16xf32, #tpu.memory_space<hbm>>
      %dma_start3A_52 = tpu.memref_slice %arg4[%mul3A_49] : memref<512xf32, #tpu.memory_space<hbm>> -> memref<16xf32, #tpu.memory_space<hbm>>
      tpu.enqueue_dma source(%arg8 : memref<16xf32, #tpu.memory_space<vmem>>) target(%dma_start3A_52 : memref<16xf32, #tpu.memory_space<hbm>>) target_semaphore(%run_scoped3A : memref<!tpu.dma_semaphore, #tpu.memory_space<semaphore_mem>>)
      %dma_wait3A = tpu.memref_slice %arg4[%mul3A_49] : memref<512xf32, #tpu.memory_space<hbm>> -> memref<16xf32, #tpu.memory_space<hbm>>
      %dma_wait3A_53 = tpu.memref_slice %arg4[%mul3A_49] : memref<512xf32, #tpu.memory_space<hbm>> -> memref<16xf32, #tpu.memory_space<hbm>>
      tpu.wait_dma2 semaphore(%run_scoped3A : memref<!tpu.dma_semaphore, #tpu.memory_space<semaphore_mem>>) src(%arg8 : memref<16xf32, #tpu.memory_space<vmem>>) dst(%dma_wait3A_53 : memref<16xf32, #tpu.memory_space<hbm>>)
      tpu.yield
    }) : () -> ()
    %mul3A_50 = arith.constant 16 : i32
    %mul3A_51 = arith.muli %add3A, %mul3A_50 : i32
    "tpu.region"() ({
      %run_scoped3A = tpu.sem_alloc : memref<!tpu.dma_semaphore, #tpu.memory_space<semaphore_mem>>
      %dma_start3A = tpu.memref_slice %arg5[%mul3A_51] : memref<512xi32, #tpu.memory_space<hbm>> -> memref<16xi32, #tpu.memory_space<hbm>>
      %dma_start3A_52 = tpu.memref_slice %arg5[%mul3A_51] : memref<512xi32, #tpu.memory_space<hbm>> -> memref<16xi32, #tpu.memory_space<hbm>>
      tpu.enqueue_dma source(%arg9 : memref<16xi32, #tpu.memory_space<vmem>>) target(%dma_start3A_52 : memref<16xi32, #tpu.memory_space<hbm>>) target_semaphore(%run_scoped3A : memref<!tpu.dma_semaphore, #tpu.memory_space<semaphore_mem>>)
      %dma_wait3A = tpu.memref_slice %arg5[%mul3A_51] : memref<512xi32, #tpu.memory_space<hbm>> -> memref<16xi32, #tpu.memory_space<hbm>>
      %dma_wait3A_53 = tpu.memref_slice %arg5[%mul3A_51] : memref<512xi32, #tpu.memory_space<hbm>> -> memref<16xi32, #tpu.memory_space<hbm>>
      tpu.wait_dma2 semaphore(%run_scoped3A : memref<!tpu.dma_semaphore, #tpu.memory_space<semaphore_mem>>) src(%arg9 : memref<16xi32, #tpu.memory_space<vmem>>) dst(%dma_wait3A_53 : memref<16xi32, #tpu.memory_space<hbm>>)
      tpu.yield
    }) : () -> ()
    return
  }
}

#map = affine_map<(d0, d1) -> (0, 0, 0)>
#map1 = affine_map<(d0, d1) -> (0)>
module attributes {stable_mosaic.version = 14 : i64} {
  func.func @_sc_stat(%arg0: i32, %arg1: i32, %arg2: memref<8x512x512xf32, #tpu.memory_space<hbm>>, %arg3: memref<16xf32, #tpu.memory_space<hbm>>, %arg4: memref<512xf32, #tpu.memory_space<hbm>>, %arg5: memref<512xi32, #tpu.memory_space<hbm>>, %arg6: memref<16x512xf32, #tpu.memory_space<vmem>>, %arg7: memref<16xf32, #tpu.memory_space<vmem>>, %arg8: memref<16xf32, #tpu.memory_space<vmem>>, %arg9: memref<16xi32, #tpu.memory_space<vmem>>) attributes {dimension_semantics = [#tpu.dimension_semantics<core_parallel>, #tpu.dimension_semantics<subcore_parallel>], iteration_bounds = array<i64: 2, 16>, scalar_prefetch = 0 : i64, scratch_operands = 4 : i64, tpu.core_type = #tpu.core_type<sc_vector_subcore>, window_params = [{transform_indices = #map}, {transform_indices = #map1}, {transform_indices = #map1}, {transform_indices = #map1}]} {
    %mul3A = arith.constant 2 : i32
    %mul3A_0 = arith.muli %arg1, %mul3A : i32
    %add3A = arith.addi %mul3A_0, %arg0 : i32
    %jit3A = arith.constant 4 : i32
    %div3A = arith.divsi %add3A, %jit3A : i32
    %sign3A = arith.constant 0 : i32
    %sign3A_1 = arith.cmpi sgt, %add3A, %sign3A : i32
    %sign3A_2 = arith.extui %sign3A_1 : i1 to i32
    %sign3A_3 = arith.constant 0 : i32
    %sign3A_4 = arith.cmpi slt, %add3A, %sign3A_3 : i32
    %sign3A_5 = arith.extui %sign3A_4 : i1 to i32
    %sign3A_6 = arith.subi %sign3A_2, %sign3A_5 : i32
    %sign3A_7 = arith.constant 0 : i32
    %sign3A_8 = arith.cmpi sgt, %jit3A, %sign3A_7 : i32
    %sign3A_9 = arith.extui %sign3A_8 : i1 to i32
    %sign3A_10 = arith.constant 0 : i32
    %sign3A_11 = arith.cmpi slt, %jit3A, %sign3A_10 : i32
    %sign3A_12 = arith.extui %sign3A_11 : i1 to i32
    %sign3A_13 = arith.subi %sign3A_9, %sign3A_12 : i32
    %ne3A = arith.cmpi ne, %sign3A_6, %sign3A_13 : i32
    %rem3A = arith.remsi %add3A, %jit3A : i32
    %ne3A_14 = arith.constant 0 : i32
    %ne3A_15 = arith.cmpi ne, %rem3A, %ne3A_14 : i32
    %and3A = arith.andi %ne3A, %ne3A_15 : i1
    %sub3A = arith.constant 1 : i32
    %sub3A_16 = arith.subi %div3A, %sub3A : i32
    %select_n3A = arith.select %and3A, %sub3A_16, %div3A : i32
    %jit3A_17 = arith.constant 4 : i32
    %eq3A = arith.constant 0 : i32
    %eq3A_18 = arith.cmpi eq, %jit3A_17, %eq3A : i32
    %jit3A_19 = arith.constant 1 : i32
    %select_n3A_20 = arith.select %eq3A_18, %jit3A_19, %jit3A_17 : i32
    %rem3A_21 = arith.remsi %add3A, %select_n3A_20 : i32
    %ne3A_22 = arith.constant 0 : i32
    %ne3A_23 = arith.cmpi ne, %rem3A_21, %ne3A_22 : i32
    %lt3A = arith.constant 0 : i32
    %lt3A_24 = arith.cmpi slt, %rem3A_21, %lt3A : i32
    %lt3A_25 = arith.constant 0 : i32
    %lt3A_26 = arith.cmpi slt, %select_n3A_20, %lt3A_25 : i32
    %ne3A_27 = arith.xori %lt3A_24, %lt3A_26 : i1
    %and3A_28 = arith.andi %ne3A_27, %ne3A_23 : i1
    %add3A_29 = arith.addi %rem3A_21, %select_n3A_20 : i32
    %select_n3A_30 = arith.select %and3A_28, %add3A_29, %rem3A_21 : i32
    %mul3A_31 = arith.constant 128 : i32
    %mul3A_32 = arith.muli %select_n3A_30, %mul3A_31 : i32
    "tpu.region"() ({
      %run_scoped3A = tpu.sem_alloc : memref<!tpu.dma_semaphore, #tpu.memory_space<semaphore_mem>>
      tpu.enqueue_dma source(%arg3 : memref<16xf32, #tpu.memory_space<hbm>>) target(%arg7 : memref<16xf32, #tpu.memory_space<vmem>>) target_semaphore(%run_scoped3A : memref<!tpu.dma_semaphore, #tpu.memory_space<semaphore_mem>>)
      tpu.wait_dma2 semaphore(%run_scoped3A : memref<!tpu.dma_semaphore, #tpu.memory_space<semaphore_mem>>) src(%arg3 : memref<16xf32, #tpu.memory_space<hbm>>) dst(%arg7 : memref<16xf32, #tpu.memory_space<vmem>>)
      tpu.yield
    }) : () -> ()
    %broadcast_in_dim3A = arith.constant 0.000000e+00 : f32
    %broadcast_in_dim3A_33 = vector.broadcast %broadcast_in_dim3A : f32 to vector<16xf32>
    %broadcast_in_dim3A_34 = arith.constant 0 : i32
    %broadcast_in_dim3A_35 = vector.broadcast %broadcast_in_dim3A_34 : i32 to vector<16xi32>
    %scan3A = arith.constant 0 : i32
    %scan3A_36 = arith.constant 8 : i32
    %scan3A_37 = arith.addi %scan3A, %scan3A_36 : i32
    %scan3A_38 = arith.constant 1 : i32
    %scan3A_39:2 = scf.for %scan3A_52 = %scan3A to %scan3A_37 step %scan3A_38 iter_args(%scan3A_53 = %broadcast_in_dim3A_33, %scan3A_54 = %broadcast_in_dim3A_35) -> (vector<16xf32>, vector<16xi32>)  : i32 {
      %mul3A_55 = arith.constant 16 : i32
      %mul3A_56 = arith.muli %scan3A_52, %mul3A_55 : i32
      %add3A_57 = arith.addi %mul3A_32, %mul3A_56 : i32
      "tpu.region"() ({
        %run_scoped3A = tpu.sem_alloc : memref<!tpu.dma_semaphore, #tpu.memory_space<semaphore_mem>>
        %dma_start3A = arith.constant 0 : i32
        %dma_start3A_64 = tpu.memref_slice %arg2[%select_n3A, %add3A_57, %dma_start3A] : memref<8x512x512xf32, #tpu.memory_space<hbm>> -> memref<1x16x512xf32, #tpu.memory_space<hbm>>
        %dma_start3A_65 = tpu.memref_squeeze %dma_start3A_64 : memref<1x16x512xf32, #tpu.memory_space<hbm>> -> memref<16x512xf32, #tpu.memory_space<hbm>>
        %dma_start3A_66 = arith.constant 0 : i32
        %dma_start3A_67 = tpu.memref_slice %arg2[%select_n3A, %add3A_57, %dma_start3A_66] : memref<8x512x512xf32, #tpu.memory_space<hbm>> -> memref<1x16x512xf32, #tpu.memory_space<hbm>>
        %dma_start3A_68 = tpu.memref_squeeze %dma_start3A_67 : memref<1x16x512xf32, #tpu.memory_space<hbm>> -> memref<16x512xf32, #tpu.memory_space<hbm>>
        tpu.enqueue_dma source(%dma_start3A_68 : memref<16x512xf32, #tpu.memory_space<hbm>>) target(%arg6 : memref<16x512xf32, #tpu.memory_space<vmem>>) target_semaphore(%run_scoped3A : memref<!tpu.dma_semaphore, #tpu.memory_space<semaphore_mem>>)
        %dma_wait3A = arith.constant 0 : i32
        %dma_wait3A_69 = tpu.memref_slice %arg2[%select_n3A, %add3A_57, %dma_wait3A] : memref<8x512x512xf32, #tpu.memory_space<hbm>> -> memref<1x16x512xf32, #tpu.memory_space<hbm>>
        %dma_wait3A_70 = tpu.memref_squeeze %dma_wait3A_69 : memref<1x16x512xf32, #tpu.memory_space<hbm>> -> memref<16x512xf32, #tpu.memory_space<hbm>>
        %dma_wait3A_71 = arith.constant 0 : i32
        %dma_wait3A_72 = tpu.memref_slice %arg2[%select_n3A, %add3A_57, %dma_wait3A_71] : memref<8x512x512xf32, #tpu.memory_space<hbm>> -> memref<1x16x512xf32, #tpu.memory_space<hbm>>
        %dma_wait3A_73 = tpu.memref_squeeze %dma_wait3A_72 : memref<1x16x512xf32, #tpu.memory_space<hbm>> -> memref<16x512xf32, #tpu.memory_space<hbm>>
        tpu.wait_dma2 semaphore(%run_scoped3A : memref<!tpu.dma_semaphore, #tpu.memory_space<semaphore_mem>>) src(%dma_wait3A_73 : memref<16x512xf32, #tpu.memory_space<hbm>>) dst(%arg6 : memref<16x512xf32, #tpu.memory_space<vmem>>)
        tpu.yield
      }) : () -> ()
      %scan3A_58 = arith.constant 0 : i32
      %scan3A_59 = arith.constant 16 : i32
      %scan3A_60 = arith.addi %scan3A_58, %scan3A_59 : i32
      %scan3A_61 = arith.constant 1 : i32
      %scan3A_62:2 = scf.for %scan3A_64 = %scan3A_58 to %scan3A_60 step %scan3A_61 iter_args(%scan3A_65 = %scan3A_53, %scan3A_66 = %scan3A_54) -> (vector<16xf32>, vector<16xi32>)  : i32 {
        %get3A = arith.constant 0 : index
        %get3A_67 = tpu.vector_load %arg7[%get3A] {strides = array<i32>} : memref<16xf32, #tpu.memory_space<vmem>>, vector<16xf32>,
        %get3A_68 = vector.shape_cast %get3A_67 : vector<16xf32> to vector<16xf32>
        %broadcast_in_dim3A_69 = arith.constant 0.000000e+00 : f32
        %broadcast_in_dim3A_70 = vector.broadcast %broadcast_in_dim3A_69 : f32 to vector<16xf32>
        %broadcast_in_dim3A_71 = arith.constant 1 : i32
        %broadcast_in_dim3A_72 = vector.broadcast %broadcast_in_dim3A_71 : i32 to vector<16xi32>
        %broadcast_in_dim3A_73 = arith.constant 0 : i32
        %broadcast_in_dim3A_74 = vector.broadcast %broadcast_in_dim3A_73 : i32 to vector<16xi32>
        %get3A_75 = arith.index_cast %scan3A_64 : i32 to index
        %get3A_76 = arith.constant 0 : index
        %get3A_77 = tpu.vector_load %arg6[%get3A_75, %get3A_76] {strides = array<i32>} : memref<16x512xf32, #tpu.memory_space<vmem>>, vector<1x16xf32>,
        %get3A_78 = vector.shape_cast %get3A_77 : vector<1x16xf32> to vector<16xf32>
        %gt3A = arith.cmpf ogt, %get3A_78, %get3A_68 : vector<16xf32>
        %select_n3A_79 = arith.select %gt3A, %get3A_78, %broadcast_in_dim3A_70 : vector<16xi1>, vector<16xf32>
        %add3A_80 = arith.addf %scan3A_65, %select_n3A_79 : vector<16xf32>
        %select_n3A_81 = arith.select %gt3A, %broadcast_in_dim3A_72, %broadcast_in_dim3A_74 : vector<16xi1>, vector<16xi32>
        %add3A_82 = arith.addi %scan3A_66, %select_n3A_81 : vector<16xi32>
        %get3A_83 = arith.index_cast %scan3A_64 : i32 to index
        %get3A_84 = arith.constant 16 : index
        %get3A_85 = tpu.vector_load %arg6[%get3A_83, %get3A_84] {strides = array<i32>} : memref<16x512xf32, #tpu.memory_space<vmem>>, vector<1x16xf32>,
        %get3A_86 = vector.shape_cast %get3A_85 : vector<1x16xf32> to vector<16xf32>
        %gt3A_87 = arith.cmpf ogt, %get3A_86, %get3A_68 : vector<16xf32>
        %select_n3A_88 = arith.select %gt3A_87, %get3A_86, %broadcast_in_dim3A_70 : vector<16xi1>, vector<16xf32>
        %add3A_89 = arith.addf %add3A_80, %select_n3A_88 : vector<16xf32>
        %select_n3A_90 = arith.select %gt3A_87, %broadcast_in_dim3A_72, %broadcast_in_dim3A_74 : vector<16xi1>, vector<16xi32>
        %add3A_91 = arith.addi %add3A_82, %select_n3A_90 : vector<16xi32>
        %get3A_92 = arith.index_cast %scan3A_64 : i32 to index
        %get3A_93 = arith.constant 32 : index
        %get3A_94 = tpu.vector_load %arg6[%get3A_92, %get3A_93] {strides = array<i32>} : memref<16x512xf32, #tpu.memory_space<vmem>>, vector<1x16xf32>,
        %get3A_95 = vector.shape_cast %get3A_94 : vector<1x16xf32> to vector<16xf32>
        %gt3A_96 = arith.cmpf ogt, %get3A_95, %get3A_68 : vector<16xf32>
        %select_n3A_97 = arith.select %gt3A_96, %get3A_95, %broadcast_in_dim3A_70 : vector<16xi1>, vector<16xf32>
        %add3A_98 = arith.addf %add3A_89, %select_n3A_97 : vector<16xf32>
        %select_n3A_99 = arith.select %gt3A_96, %broadcast_in_dim3A_72, %broadcast_in_dim3A_74 : vector<16xi1>, vector<16xi32>
        %add3A_100 = arith.addi %add3A_91, %select_n3A_99 : vector<16xi32>
        %get3A_101 = arith.index_cast %scan3A_64 : i32 to index
        %get3A_102 = arith.constant 48 : index
        %get3A_103 = tpu.vector_load %arg6[%get3A_101, %get3A_102] {strides = array<i32>} : memref<16x512xf32, #tpu.memory_space<vmem>>, vector<1x16xf32>,
        %get3A_104 = vector.shape_cast %get3A_103 : vector<1x16xf32> to vector<16xf32>
        %gt3A_105 = arith.cmpf ogt, %get3A_104, %get3A_68 : vector<16xf32>
        %select_n3A_106 = arith.select %gt3A_105, %get3A_104, %broadcast_in_dim3A_70 : vector<16xi1>, vector<16xf32>
        %add3A_107 = arith.addf %add3A_98, %select_n3A_106 : vector<16xf32>
        %select_n3A_108 = arith.select %gt3A_105, %broadcast_in_dim3A_72, %broadcast_in_dim3A_74 : vector<16xi1>, vector<16xi32>
        %add3A_109 = arith.addi %add3A_100, %select_n3A_108 : vector<16xi32>
        %get3A_110 = arith.index_cast %scan3A_64 : i32 to index
        %get3A_111 = arith.constant 64 : index
        %get3A_112 = tpu.vector_load %arg6[%get3A_110, %get3A_111] {strides = array<i32>} : memref<16x512xf32, #tpu.memory_space<vmem>>, vector<1x16xf32>,
        %get3A_113 = vector.shape_cast %get3A_112 : vector<1x16xf32> to vector<16xf32>
        %gt3A_114 = arith.cmpf ogt, %get3A_113, %get3A_68 : vector<16xf32>
        %select_n3A_115 = arith.select %gt3A_114, %get3A_113, %broadcast_in_dim3A_70 : vector<16xi1>, vector<16xf32>
        %add3A_116 = arith.addf %add3A_107, %select_n3A_115 : vector<16xf32>
        %select_n3A_117 = arith.select %gt3A_114, %broadcast_in_dim3A_72, %broadcast_in_dim3A_74 : vector<16xi1>, vector<16xi32>
        %add3A_118 = arith.addi %add3A_109, %select_n3A_117 : vector<16xi32>
        %get3A_119 = arith.index_cast %scan3A_64 : i32 to index
        %get3A_120 = arith.constant 80 : index
        %get3A_121 = tpu.vector_load %arg6[%get3A_119, %get3A_120] {strides = array<i32>} : memref<16x512xf32, #tpu.memory_space<vmem>>, vector<1x16xf32>,
        %get3A_122 = vector.shape_cast %get3A_121 : vector<1x16xf32> to vector<16xf32>
        %gt3A_123 = arith.cmpf ogt, %get3A_122, %get3A_68 : vector<16xf32>
        %select_n3A_124 = arith.select %gt3A_123, %get3A_122, %broadcast_in_dim3A_70 : vector<16xi1>, vector<16xf32>
        %add3A_125 = arith.addf %add3A_116, %select_n3A_124 : vector<16xf32>
        %select_n3A_126 = arith.select %gt3A_123, %broadcast_in_dim3A_72, %broadcast_in_dim3A_74 : vector<16xi1>, vector<16xi32>
        %add3A_127 = arith.addi %add3A_118, %select_n3A_126 : vector<16xi32>
        %get3A_128 = arith.index_cast %scan3A_64 : i32 to index
        %get3A_129 = arith.constant 96 : index
        %get3A_130 = tpu.vector_load %arg6[%get3A_128, %get3A_129] {strides = array<i32>} : memref<16x512xf32, #tpu.memory_space<vmem>>, vector<1x16xf32>,
        %get3A_131 = vector.shape_cast %get3A_130 : vector<1x16xf32> to vector<16xf32>
        %gt3A_132 = arith.cmpf ogt, %get3A_131, %get3A_68 : vector<16xf32>
        %select_n3A_133 = arith.select %gt3A_132, %get3A_131, %broadcast_in_dim3A_70 : vector<16xi1>, vector<16xf32>
        %add3A_134 = arith.addf %add3A_125, %select_n3A_133 : vector<16xf32>
        %select_n3A_135 = arith.select %gt3A_132, %broadcast_in_dim3A_72, %broadcast_in_dim3A_74 : vector<16xi1>, vector<16xi32>
        %add3A_136 = arith.addi %add3A_127, %select_n3A_135 : vector<16xi32>
        %get3A_137 = arith.index_cast %scan3A_64 : i32 to index
        %get3A_138 = arith.constant 112 : index
        %get3A_139 = tpu.vector_load %arg6[%get3A_137, %get3A_138] {strides = array<i32>} : memref<16x512xf32, #tpu.memory_space<vmem>>, vector<1x16xf32>,
        %get3A_140 = vector.shape_cast %get3A_139 : vector<1x16xf32> to vector<16xf32>
        %gt3A_141 = arith.cmpf ogt, %get3A_140, %get3A_68 : vector<16xf32>
        %select_n3A_142 = arith.select %gt3A_141, %get3A_140, %broadcast_in_dim3A_70 : vector<16xi1>, vector<16xf32>
        %add3A_143 = arith.addf %add3A_134, %select_n3A_142 : vector<16xf32>
        %select_n3A_144 = arith.select %gt3A_141, %broadcast_in_dim3A_72, %broadcast_in_dim3A_74 : vector<16xi1>, vector<16xi32>
        %add3A_145 = arith.addi %add3A_136, %select_n3A_144 : vector<16xi32>
        %get3A_146 = arith.index_cast %scan3A_64 : i32 to index
        %get3A_147 = arith.constant 128 : index
        %get3A_148 = tpu.vector_load %arg6[%get3A_146, %get3A_147] {strides = array<i32>} : memref<16x512xf32, #tpu.memory_space<vmem>>, vector<1x16xf32>,
        %get3A_149 = vector.shape_cast %get3A_148 : vector<1x16xf32> to vector<16xf32>
        %gt3A_150 = arith.cmpf ogt, %get3A_149, %get3A_68 : vector<16xf32>
        %select_n3A_151 = arith.select %gt3A_150, %get3A_149, %broadcast_in_dim3A_70 : vector<16xi1>, vector<16xf32>
        %add3A_152 = arith.addf %add3A_143, %select_n3A_151 : vector<16xf32>
        %select_n3A_153 = arith.select %gt3A_150, %broadcast_in_dim3A_72, %broadcast_in_dim3A_74 : vector<16xi1>, vector<16xi32>
        %add3A_154 = arith.addi %add3A_145, %select_n3A_153 : vector<16xi32>
        %get3A_155 = arith.index_cast %scan3A_64 : i32 to index
        %get3A_156 = arith.constant 144 : index
        %get3A_157 = tpu.vector_load %arg6[%get3A_155, %get3A_156] {strides = array<i32>} : memref<16x512xf32, #tpu.memory_space<vmem>>, vector<1x16xf32>,
        %get3A_158 = vector.shape_cast %get3A_157 : vector<1x16xf32> to vector<16xf32>
        %gt3A_159 = arith.cmpf ogt, %get3A_158, %get3A_68 : vector<16xf32>
        %select_n3A_160 = arith.select %gt3A_159, %get3A_158, %broadcast_in_dim3A_70 : vector<16xi1>, vector<16xf32>
        %add3A_161 = arith.addf %add3A_152, %select_n3A_160 : vector<16xf32>
        %select_n3A_162 = arith.select %gt3A_159, %broadcast_in_dim3A_72, %broadcast_in_dim3A_74 : vector<16xi1>, vector<16xi32>
        %add3A_163 = arith.addi %add3A_154, %select_n3A_162 : vector<16xi32>
        %get3A_164 = arith.index_cast %scan3A_64 : i32 to index
        %get3A_165 = arith.constant 160 : index
        %get3A_166 = tpu.vector_load %arg6[%get3A_164, %get3A_165] {strides = array<i32>} : memref<16x512xf32, #tpu.memory_space<vmem>>, vector<1x16xf32>,
        %get3A_167 = vector.shape_cast %get3A_166 : vector<1x16xf32> to vector<16xf32>
        %gt3A_168 = arith.cmpf ogt, %get3A_167, %get3A_68 : vector<16xf32>
        %select_n3A_169 = arith.select %gt3A_168, %get3A_167, %broadcast_in_dim3A_70 : vector<16xi1>, vector<16xf32>
        %add3A_170 = arith.addf %add3A_161, %select_n3A_169 : vector<16xf32>
        %select_n3A_171 = arith.select %gt3A_168, %broadcast_in_dim3A_72, %broadcast_in_dim3A_74 : vector<16xi1>, vector<16xi32>
        %add3A_172 = arith.addi %add3A_163, %select_n3A_171 : vector<16xi32>
        %get3A_173 = arith.index_cast %scan3A_64 : i32 to index
        %get3A_174 = arith.constant 176 : index
        %get3A_175 = tpu.vector_load %arg6[%get3A_173, %get3A_174] {strides = array<i32>} : memref<16x512xf32, #tpu.memory_space<vmem>>, vector<1x16xf32>,
        %get3A_176 = vector.shape_cast %get3A_175 : vector<1x16xf32> to vector<16xf32>
        %gt3A_177 = arith.cmpf ogt, %get3A_176, %get3A_68 : vector<16xf32>
        %select_n3A_178 = arith.select %gt3A_177, %get3A_176, %broadcast_in_dim3A_70 : vector<16xi1>, vector<16xf32>
        %add3A_179 = arith.addf %add3A_170, %select_n3A_178 : vector<16xf32>
        %select_n3A_180 = arith.select %gt3A_177, %broadcast_in_dim3A_72, %broadcast_in_dim3A_74 : vector<16xi1>, vector<16xi32>
        %add3A_181 = arith.addi %add3A_172, %select_n3A_180 : vector<16xi32>
        %get3A_182 = arith.index_cast %scan3A_64 : i32 to index
        %get3A_183 = arith.constant 192 : index
        %get3A_184 = tpu.vector_load %arg6[%get3A_182, %get3A_183] {strides = array<i32>} : memref<16x512xf32, #tpu.memory_space<vmem>>, vector<1x16xf32>,
        %get3A_185 = vector.shape_cast %get3A_184 : vector<1x16xf32> to vector<16xf32>
        %gt3A_186 = arith.cmpf ogt, %get3A_185, %get3A_68 : vector<16xf32>
        %select_n3A_187 = arith.select %gt3A_186, %get3A_185, %broadcast_in_dim3A_70 : vector<16xi1>, vector<16xf32>
        %add3A_188 = arith.addf %add3A_179, %select_n3A_187 : vector<16xf32>
        %select_n3A_189 = arith.select %gt3A_186, %broadcast_in_dim3A_72, %broadcast_in_dim3A_74 : vector<16xi1>, vector<16xi32>
        %add3A_190 = arith.addi %add3A_181, %select_n3A_189 : vector<16xi32>
        %get3A_191 = arith.index_cast %scan3A_64 : i32 to index
        %get3A_192 = arith.constant 208 : index
        %get3A_193 = tpu.vector_load %arg6[%get3A_191, %get3A_192] {strides = array<i32>} : memref<16x512xf32, #tpu.memory_space<vmem>>, vector<1x16xf32>,
        %get3A_194 = vector.shape_cast %get3A_193 : vector<1x16xf32> to vector<16xf32>
        %gt3A_195 = arith.cmpf ogt, %get3A_194, %get3A_68 : vector<16xf32>
        %select_n3A_196 = arith.select %gt3A_195, %get3A_194, %broadcast_in_dim3A_70 : vector<16xi1>, vector<16xf32>
        %add3A_197 = arith.addf %add3A_188, %select_n3A_196 : vector<16xf32>
        %select_n3A_198 = arith.select %gt3A_195, %broadcast_in_dim3A_72, %broadcast_in_dim3A_74 : vector<16xi1>, vector<16xi32>
        %add3A_199 = arith.addi %add3A_190, %select_n3A_198 : vector<16xi32>
        %get3A_200 = arith.index_cast %scan3A_64 : i32 to index
        %get3A_201 = arith.constant 224 : index
        %get3A_202 = tpu.vector_load %arg6[%get3A_200, %get3A_201] {strides = array<i32>} : memref<16x512xf32, #tpu.memory_space<vmem>>, vector<1x16xf32>,
        %get3A_203 = vector.shape_cast %get3A_202 : vector<1x16xf32> to vector<16xf32>
        %gt3A_204 = arith.cmpf ogt, %get3A_203, %get3A_68 : vector<16xf32>
        %select_n3A_205 = arith.select %gt3A_204, %get3A_203, %broadcast_in_dim3A_70 : vector<16xi1>, vector<16xf32>
        %add3A_206 = arith.addf %add3A_197, %select_n3A_205 : vector<16xf32>
        %select_n3A_207 = arith.select %gt3A_204, %broadcast_in_dim3A_72, %broadcast_in_dim3A_74 : vector<16xi1>, vector<16xi32>
        %add3A_208 = arith.addi %add3A_199, %select_n3A_207 : vector<16xi32>
        %get3A_209 = arith.index_cast %scan3A_64 : i32 to index
        %get3A_210 = arith.constant 240 : index
        %get3A_211 = tpu.vector_load %arg6[%get3A_209, %get3A_210] {strides = array<i32>} : memref<16x512xf32, #tpu.memory_space<vmem>>, vector<1x16xf32>,
        %get3A_212 = vector.shape_cast %get3A_211 : vector<1x16xf32> to vector<16xf32>
        %gt3A_213 = arith.cmpf ogt, %get3A_212, %get3A_68 : vector<16xf32>
        %select_n3A_214 = arith.select %gt3A_213, %get3A_212, %broadcast_in_dim3A_70 : vector<16xi1>, vector<16xf32>
        %add3A_215 = arith.addf %add3A_206, %select_n3A_214 : vector<16xf32>
        %select_n3A_216 = arith.select %gt3A_213, %broadcast_in_dim3A_72, %broadcast_in_dim3A_74 : vector<16xi1>, vector<16xi32>
        %add3A_217 = arith.addi %add3A_208, %select_n3A_216 : vector<16xi32>
        %get3A_218 = arith.index_cast %scan3A_64 : i32 to index
        %get3A_219 = arith.constant 256 : index
        %get3A_220 = tpu.vector_load %arg6[%get3A_218, %get3A_219] {strides = array<i32>} : memref<16x512xf32, #tpu.memory_space<vmem>>, vector<1x16xf32>,
        %get3A_221 = vector.shape_cast %get3A_220 : vector<1x16xf32> to vector<16xf32>
        %gt3A_222 = arith.cmpf ogt, %get3A_221, %get3A_68 : vector<16xf32>
        %select_n3A_223 = arith.select %gt3A_222, %get3A_221, %broadcast_in_dim3A_70 : vector<16xi1>, vector<16xf32>
        %add3A_224 = arith.addf %add3A_215, %select_n3A_223 : vector<16xf32>
        %select_n3A_225 = arith.select %gt3A_222, %broadcast_in_dim3A_72, %broadcast_in_dim3A_74 : vector<16xi1>, vector<16xi32>
        %add3A_226 = arith.addi %add3A_217, %select_n3A_225 : vector<16xi32>
        %get3A_227 = arith.index_cast %scan3A_64 : i32 to index
        %get3A_228 = arith.constant 272 : index
        %get3A_229 = tpu.vector_load %arg6[%get3A_227, %get3A_228] {strides = array<i32>} : memref<16x512xf32, #tpu.memory_space<vmem>>, vector<1x16xf32>,
        %get3A_230 = vector.shape_cast %get3A_229 : vector<1x16xf32> to vector<16xf32>
        %gt3A_231 = arith.cmpf ogt, %get3A_230, %get3A_68 : vector<16xf32>
        %select_n3A_232 = arith.select %gt3A_231, %get3A_230, %broadcast_in_dim3A_70 : vector<16xi1>, vector<16xf32>
        %add3A_233 = arith.addf %add3A_224, %select_n3A_232 : vector<16xf32>
        %select_n3A_234 = arith.select %gt3A_231, %broadcast_in_dim3A_72, %broadcast_in_dim3A_74 : vector<16xi1>, vector<16xi32>
        %add3A_235 = arith.addi %add3A_226, %select_n3A_234 : vector<16xi32>
        %get3A_236 = arith.index_cast %scan3A_64 : i32 to index
        %get3A_237 = arith.constant 288 : index
        %get3A_238 = tpu.vector_load %arg6[%get3A_236, %get3A_237] {strides = array<i32>} : memref<16x512xf32, #tpu.memory_space<vmem>>, vector<1x16xf32>,
        %get3A_239 = vector.shape_cast %get3A_238 : vector<1x16xf32> to vector<16xf32>
        %gt3A_240 = arith.cmpf ogt, %get3A_239, %get3A_68 : vector<16xf32>
        %select_n3A_241 = arith.select %gt3A_240, %get3A_239, %broadcast_in_dim3A_70 : vector<16xi1>, vector<16xf32>
        %add3A_242 = arith.addf %add3A_233, %select_n3A_241 : vector<16xf32>
        %select_n3A_243 = arith.select %gt3A_240, %broadcast_in_dim3A_72, %broadcast_in_dim3A_74 : vector<16xi1>, vector<16xi32>
        %add3A_244 = arith.addi %add3A_235, %select_n3A_243 : vector<16xi32>
        %get3A_245 = arith.index_cast %scan3A_64 : i32 to index
        %get3A_246 = arith.constant 304 : index
        %get3A_247 = tpu.vector_load %arg6[%get3A_245, %get3A_246] {strides = array<i32>} : memref<16x512xf32, #tpu.memory_space<vmem>>, vector<1x16xf32>,
        %get3A_248 = vector.shape_cast %get3A_247 : vector<1x16xf32> to vector<16xf32>
        %gt3A_249 = arith.cmpf ogt, %get3A_248, %get3A_68 : vector<16xf32>
        %select_n3A_250 = arith.select %gt3A_249, %get3A_248, %broadcast_in_dim3A_70 : vector<16xi1>, vector<16xf32>
        %add3A_251 = arith.addf %add3A_242, %select_n3A_250 : vector<16xf32>
        %select_n3A_252 = arith.select %gt3A_249, %broadcast_in_dim3A_72, %broadcast_in_dim3A_74 : vector<16xi1>, vector<16xi32>
        %add3A_253 = arith.addi %add3A_244, %select_n3A_252 : vector<16xi32>
        %get3A_254 = arith.index_cast %scan3A_64 : i32 to index
        %get3A_255 = arith.constant 320 : index
        %get3A_256 = tpu.vector_load %arg6[%get3A_254, %get3A_255] {strides = array<i32>} : memref<16x512xf32, #tpu.memory_space<vmem>>, vector<1x16xf32>,
        %get3A_257 = vector.shape_cast %get3A_256 : vector<1x16xf32> to vector<16xf32>
        %gt3A_258 = arith.cmpf ogt, %get3A_257, %get3A_68 : vector<16xf32>
        %select_n3A_259 = arith.select %gt3A_258, %get3A_257, %broadcast_in_dim3A_70 : vector<16xi1>, vector<16xf32>
        %add3A_260 = arith.addf %add3A_251, %select_n3A_259 : vector<16xf32>
        %select_n3A_261 = arith.select %gt3A_258, %broadcast_in_dim3A_72, %broadcast_in_dim3A_74 : vector<16xi1>, vector<16xi32>
        %add3A_262 = arith.addi %add3A_253, %select_n3A_261 : vector<16xi32>
        %get3A_263 = arith.index_cast %scan3A_64 : i32 to index
        %get3A_264 = arith.constant 336 : index
        %get3A_265 = tpu.vector_load %arg6[%get3A_263, %get3A_264] {strides = array<i32>} : memref<16x512xf32, #tpu.memory_space<vmem>>, vector<1x16xf32>,
        %get3A_266 = vector.shape_cast %get3A_265 : vector<1x16xf32> to vector<16xf32>
        %gt3A_267 = arith.cmpf ogt, %get3A_266, %get3A_68 : vector<16xf32>
        %select_n3A_268 = arith.select %gt3A_267, %get3A_266, %broadcast_in_dim3A_70 : vector<16xi1>, vector<16xf32>
        %add3A_269 = arith.addf %add3A_260, %select_n3A_268 : vector<16xf32>
        %select_n3A_270 = arith.select %gt3A_267, %broadcast_in_dim3A_72, %broadcast_in_dim3A_74 : vector<16xi1>, vector<16xi32>
        %add3A_271 = arith.addi %add3A_262, %select_n3A_270 : vector<16xi32>
        %get3A_272 = arith.index_cast %scan3A_64 : i32 to index
        %get3A_273 = arith.constant 352 : index
        %get3A_274 = tpu.vector_load %arg6[%get3A_272, %get3A_273] {strides = array<i32>} : memref<16x512xf32, #tpu.memory_space<vmem>>, vector<1x16xf32>,
        %get3A_275 = vector.shape_cast %get3A_274 : vector<1x16xf32> to vector<16xf32>
        %gt3A_276 = arith.cmpf ogt, %get3A_275, %get3A_68 : vector<16xf32>
        %select_n3A_277 = arith.select %gt3A_276, %get3A_275, %broadcast_in_dim3A_70 : vector<16xi1>, vector<16xf32>
        %add3A_278 = arith.addf %add3A_269, %select_n3A_277 : vector<16xf32>
        %select_n3A_279 = arith.select %gt3A_276, %broadcast_in_dim3A_72, %broadcast_in_dim3A_74 : vector<16xi1>, vector<16xi32>
        %add3A_280 = arith.addi %add3A_271, %select_n3A_279 : vector<16xi32>
        %get3A_281 = arith.index_cast %scan3A_64 : i32 to index
        %get3A_282 = arith.constant 368 : index
        %get3A_283 = tpu.vector_load %arg6[%get3A_281, %get3A_282] {strides = array<i32>} : memref<16x512xf32, #tpu.memory_space<vmem>>, vector<1x16xf32>,
        %get3A_284 = vector.shape_cast %get3A_283 : vector<1x16xf32> to vector<16xf32>
        %gt3A_285 = arith.cmpf ogt, %get3A_284, %get3A_68 : vector<16xf32>
        %select_n3A_286 = arith.select %gt3A_285, %get3A_284, %broadcast_in_dim3A_70 : vector<16xi1>, vector<16xf32>
        %add3A_287 = arith.addf %add3A_278, %select_n3A_286 : vector<16xf32>
        %select_n3A_288 = arith.select %gt3A_285, %broadcast_in_dim3A_72, %broadcast_in_dim3A_74 : vector<16xi1>, vector<16xi32>
        %add3A_289 = arith.addi %add3A_280, %select_n3A_288 : vector<16xi32>
        %get3A_290 = arith.index_cast %scan3A_64 : i32 to index
        %get3A_291 = arith.constant 384 : index
        %get3A_292 = tpu.vector_load %arg6[%get3A_290, %get3A_291] {strides = array<i32>} : memref<16x512xf32, #tpu.memory_space<vmem>>, vector<1x16xf32>,
        %get3A_293 = vector.shape_cast %get3A_292 : vector<1x16xf32> to vector<16xf32>
        %gt3A_294 = arith.cmpf ogt, %get3A_293, %get3A_68 : vector<16xf32>
        %select_n3A_295 = arith.select %gt3A_294, %get3A_293, %broadcast_in_dim3A_70 : vector<16xi1>, vector<16xf32>
        %add3A_296 = arith.addf %add3A_287, %select_n3A_295 : vector<16xf32>
        %select_n3A_297 = arith.select %gt3A_294, %broadcast_in_dim3A_72, %broadcast_in_dim3A_74 : vector<16xi1>, vector<16xi32>
        %add3A_298 = arith.addi %add3A_289, %select_n3A_297 : vector<16xi32>
        %get3A_299 = arith.index_cast %scan3A_64 : i32 to index
        %get3A_300 = arith.constant 400 : index
        %get3A_301 = tpu.vector_load %arg6[%get3A_299, %get3A_300] {strides = array<i32>} : memref<16x512xf32, #tpu.memory_space<vmem>>, vector<1x16xf32>,
        %get3A_302 = vector.shape_cast %get3A_301 : vector<1x16xf32> to vector<16xf32>
        %gt3A_303 = arith.cmpf ogt, %get3A_302, %get3A_68 : vector<16xf32>
        %select_n3A_304 = arith.select %gt3A_303, %get3A_302, %broadcast_in_dim3A_70 : vector<16xi1>, vector<16xf32>
        %add3A_305 = arith.addf %add3A_296, %select_n3A_304 : vector<16xf32>
        %select_n3A_306 = arith.select %gt3A_303, %broadcast_in_dim3A_72, %broadcast_in_dim3A_74 : vector<16xi1>, vector<16xi32>
        %add3A_307 = arith.addi %add3A_298, %select_n3A_306 : vector<16xi32>
        %get3A_308 = arith.index_cast %scan3A_64 : i32 to index
        %get3A_309 = arith.constant 416 : index
        %get3A_310 = tpu.vector_load %arg6[%get3A_308, %get3A_309] {strides = array<i32>} : memref<16x512xf32, #tpu.memory_space<vmem>>, vector<1x16xf32>,
        %get3A_311 = vector.shape_cast %get3A_310 : vector<1x16xf32> to vector<16xf32>
        %gt3A_312 = arith.cmpf ogt, %get3A_311, %get3A_68 : vector<16xf32>
        %select_n3A_313 = arith.select %gt3A_312, %get3A_311, %broadcast_in_dim3A_70 : vector<16xi1>, vector<16xf32>
        %add3A_314 = arith.addf %add3A_305, %select_n3A_313 : vector<16xf32>
        %select_n3A_315 = arith.select %gt3A_312, %broadcast_in_dim3A_72, %broadcast_in_dim3A_74 : vector<16xi1>, vector<16xi32>
        %add3A_316 = arith.addi %add3A_307, %select_n3A_315 : vector<16xi32>
        %get3A_317 = arith.index_cast %scan3A_64 : i32 to index
        %get3A_318 = arith.constant 432 : index
        %get3A_319 = tpu.vector_load %arg6[%get3A_317, %get3A_318] {strides = array<i32>} : memref<16x512xf32, #tpu.memory_space<vmem>>, vector<1x16xf32>,
        %get3A_320 = vector.shape_cast %get3A_319 : vector<1x16xf32> to vector<16xf32>
        %gt3A_321 = arith.cmpf ogt, %get3A_320, %get3A_68 : vector<16xf32>
        %select_n3A_322 = arith.select %gt3A_321, %get3A_320, %broadcast_in_dim3A_70 : vector<16xi1>, vector<16xf32>
        %add3A_323 = arith.addf %add3A_314, %select_n3A_322 : vector<16xf32>
        %select_n3A_324 = arith.select %gt3A_321, %broadcast_in_dim3A_72, %broadcast_in_dim3A_74 : vector<16xi1>, vector<16xi32>
        %add3A_325 = arith.addi %add3A_316, %select_n3A_324 : vector<16xi32>
        %get3A_326 = arith.index_cast %scan3A_64 : i32 to index
        %get3A_327 = arith.constant 448 : index
        %get3A_328 = tpu.vector_load %arg6[%get3A_326, %get3A_327] {strides = array<i32>} : memref<16x512xf32, #tpu.memory_space<vmem>>, vector<1x16xf32>,
        %get3A_329 = vector.shape_cast %get3A_328 : vector<1x16xf32> to vector<16xf32>
        %gt3A_330 = arith.cmpf ogt, %get3A_329, %get3A_68 : vector<16xf32>
        %select_n3A_331 = arith.select %gt3A_330, %get3A_329, %broadcast_in_dim3A_70 : vector<16xi1>, vector<16xf32>
        %add3A_332 = arith.addf %add3A_323, %select_n3A_331 : vector<16xf32>
        %select_n3A_333 = arith.select %gt3A_330, %broadcast_in_dim3A_72, %broadcast_in_dim3A_74 : vector<16xi1>, vector<16xi32>
        %add3A_334 = arith.addi %add3A_325, %select_n3A_333 : vector<16xi32>
        %get3A_335 = arith.index_cast %scan3A_64 : i32 to index
        %get3A_336 = arith.constant 464 : index
        %get3A_337 = tpu.vector_load %arg6[%get3A_335, %get3A_336] {strides = array<i32>} : memref<16x512xf32, #tpu.memory_space<vmem>>, vector<1x16xf32>,
        %get3A_338 = vector.shape_cast %get3A_337 : vector<1x16xf32> to vector<16xf32>
        %gt3A_339 = arith.cmpf ogt, %get3A_338, %get3A_68 : vector<16xf32>
        %select_n3A_340 = arith.select %gt3A_339, %get3A_338, %broadcast_in_dim3A_70 : vector<16xi1>, vector<16xf32>
        %add3A_341 = arith.addf %add3A_332, %select_n3A_340 : vector<16xf32>
        %select_n3A_342 = arith.select %gt3A_339, %broadcast_in_dim3A_72, %broadcast_in_dim3A_74 : vector<16xi1>, vector<16xi32>
        %add3A_343 = arith.addi %add3A_334, %select_n3A_342 : vector<16xi32>
        %get3A_344 = arith.index_cast %scan3A_64 : i32 to index
        %get3A_345 = arith.constant 480 : index
        %get3A_346 = tpu.vector_load %arg6[%get3A_344, %get3A_345] {strides = array<i32>} : memref<16x512xf32, #tpu.memory_space<vmem>>, vector<1x16xf32>,
        %get3A_347 = vector.shape_cast %get3A_346 : vector<1x16xf32> to vector<16xf32>
        %gt3A_348 = arith.cmpf ogt, %get3A_347, %get3A_68 : vector<16xf32>
        %select_n3A_349 = arith.select %gt3A_348, %get3A_347, %broadcast_in_dim3A_70 : vector<16xi1>, vector<16xf32>
        %add3A_350 = arith.addf %add3A_341, %select_n3A_349 : vector<16xf32>
        %select_n3A_351 = arith.select %gt3A_348, %broadcast_in_dim3A_72, %broadcast_in_dim3A_74 : vector<16xi1>, vector<16xi32>
        %add3A_352 = arith.addi %add3A_343, %select_n3A_351 : vector<16xi32>
        %get3A_353 = arith.index_cast %scan3A_64 : i32 to index
        %get3A_354 = arith.constant 496 : index
        %get3A_355 = tpu.vector_load %arg6[%get3A_353, %get3A_354] {strides = array<i32>} : memref<16x512xf32, #tpu.memory_space<vmem>>, vector<1x16xf32>,
        %get3A_356 = vector.shape_cast %get3A_355 : vector<1x16xf32> to vector<16xf32>
        %gt3A_357 = arith.cmpf ogt, %get3A_356, %get3A_68 : vector<16xf32>
        %select_n3A_358 = arith.select %gt3A_357, %get3A_356, %broadcast_in_dim3A_70 : vector<16xi1>, vector<16xf32>
        %add3A_359 = arith.addf %add3A_350, %select_n3A_358 : vector<16xf32>
        %select_n3A_360 = arith.select %gt3A_357, %broadcast_in_dim3A_72, %broadcast_in_dim3A_74 : vector<16xi1>, vector<16xi32>
        %add3A_361 = arith.addi %add3A_352, %select_n3A_360 : vector<16xi32>
        scf.yield %add3A_359, %add3A_361 : vector<16xf32>, vector<16xi32>
      }
      %scan3A_63 = arith.constant 16 : i32
      scf.yield %scan3A_62#0, %scan3A_62#1 : vector<16xf32>, vector<16xi32>
    }
    %scan3A_40 = arith.constant 8 : i32
    %swap3A = arith.constant 0 : index
    %swap3A_41 = tpu.vector_load %arg8[%swap3A] {strides = array<i32>} : memref<16xf32, #tpu.memory_space<vmem>>, vector<16xf32>,
    %swap3A_42 = vector.shape_cast %swap3A_41 : vector<16xf32> to vector<16xf32>
    %swap3A_43 = vector.shape_cast %scan3A_39#0 : vector<16xf32> to vector<16xf32>
    tpu.vector_store %arg8[%swap3A], %swap3A_43 {strides = array<i32>} : memref<16xf32, #tpu.memory_space<vmem>>, vector<16xf32>,
    %swap3A_44 = arith.constant 0 : index
    %swap3A_45 = tpu.vector_load %arg9[%swap3A_44] {strides = array<i32>} : memref<16xi32, #tpu.memory_space<vmem>>, vector<16xi32>,
    %swap3A_46 = vector.shape_cast %swap3A_45 : vector<16xi32> to vector<16xi32>
    %swap3A_47 = vector.shape_cast %scan3A_39#1 : vector<16xi32> to vector<16xi32>
    tpu.vector_store %arg9[%swap3A_44], %swap3A_47 {strides = array<i32>} : memref<16xi32, #tpu.memory_space<vmem>>, vector<16xi32>,
    %mul3A_48 = arith.constant 16 : i32
    %mul3A_49 = arith.muli %add3A, %mul3A_48 : i32
    "tpu.region"() ({
      %run_scoped3A = tpu.sem_alloc : memref<!tpu.dma_semaphore, #tpu.memory_space<semaphore_mem>>
      %dma_start3A = tpu.memref_slice %arg4[%mul3A_49] : memref<512xf32, #tpu.memory_space<hbm>> -> memref<16xf32, #tpu.memory_space<hbm>>
      %dma_start3A_52 = tpu.memref_slice %arg4[%mul3A_49] : memref<512xf32, #tpu.memory_space<hbm>> -> memref<16xf32, #tpu.memory_space<hbm>>
      tpu.enqueue_dma source(%arg8 : memref<16xf32, #tpu.memory_space<vmem>>) target(%dma_start3A_52 : memref<16xf32, #tpu.memory_space<hbm>>) target_semaphore(%run_scoped3A : memref<!tpu.dma_semaphore, #tpu.memory_space<semaphore_mem>>)
      %dma_wait3A = tpu.memref_slice %arg4[%mul3A_49] : memref<512xf32, #tpu.memory_space<hbm>> -> memref<16xf32, #tpu.memory_space<hbm>>
      %dma_wait3A_53 = tpu.memref_slice %arg4[%mul3A_49] : memref<512xf32, #tpu.memory_space<hbm>> -> memref<16xf32, #tpu.memory_space<hbm>>
      tpu.wait_dma2 semaphore(%run_scoped3A : memref<!tpu.dma_semaphore, #tpu.memory_space<semaphore_mem>>) src(%arg8 : memref<16xf32, #tpu.memory_space<vmem>>) dst(%dma_wait3A_53 : memref<16xf32, #tpu.memory_space<hbm>>)
      tpu.yield
    }) : () -> ()
    %mul3A_50 = arith.constant 16 : i32
    %mul3A_51 = arith.muli %add3A, %mul3A_50 : i32
    "tpu.region"() ({
      %run_scoped3A = tpu.sem_alloc : memref<!tpu.dma_semaphore, #tpu.memory_space<semaphore_mem>>
      %dma_start3A = tpu.memref_slice %arg5[%mul3A_51] : memref<512xi32, #tpu.memory_space<hbm>> -> memref<16xi32, #tpu.memory_space<hbm>>
      %dma_start3A_52 = tpu.memref_slice %arg5[%mul3A_51] : memref<512xi32, #tpu.memory_space<hbm>> -> memref<16xi32, #tpu.memory_space<hbm>>
      tpu.enqueue_dma source(%arg9 : memref<16xi32, #tpu.memory_space<vmem>>) target(%dma_start3A_52 : memref<16xi32, #tpu.memory_space<hbm>>) target_semaphore(%run_scoped3A : memref<!tpu.dma_semaphore, #tpu.memory_space<semaphore_mem>>)
      %dma_wait3A = tpu.memref_slice %arg5[%mul3A_51] : memref<512xi32, #tpu.memory_space<hbm>> -> memref<16xi32, #tpu.memory_space<hbm>>
      %dma_wait3A_53 = tpu.memref_slice %arg5[%mul3A_51] : memref<512xi32, #tpu.memory_space<hbm>> -> memref<16xi32, #tpu.memory_space<hbm>>
      tpu.wait_dma2 semaphore(%run_scoped3A : memref<!tpu.dma_semaphore, #tpu.memory_space<semaphore_mem>>) src(%arg9 : memref<16xi32, #tpu.memory_space<vmem>>) dst(%dma_wait3A_53 : memref<16xi32, #tpu.memory_space<hbm>>)
      tpu.yield
    }) : () -> ()
    return
  }
}

#map = affine_map<(d0, d1) -> (0, 0, 0)>
#map1 = affine_map<(d0, d1) -> (0)>
module attributes {stable_mosaic.version = 14 : i64} {
  func.func @_sc_stat(%arg0: i32, %arg1: i32, %arg2: memref<8x512x512xf32, #tpu.memory_space<hbm>>, %arg3: memref<16xf32, #tpu.memory_space<hbm>>, %arg4: memref<512xf32, #tpu.memory_space<hbm>>, %arg5: memref<512xi32, #tpu.memory_space<hbm>>, %arg6: memref<16x512xf32, #tpu.memory_space<vmem>>, %arg7: memref<16xf32, #tpu.memory_space<vmem>>, %arg8: memref<16xf32, #tpu.memory_space<vmem>>, %arg9: memref<16xi32, #tpu.memory_space<vmem>>) attributes {dimension_semantics = [#tpu.dimension_semantics<core_parallel>, #tpu.dimension_semantics<subcore_parallel>], iteration_bounds = array<i64: 2, 16>, scalar_prefetch = 0 : i64, scratch_operands = 4 : i64, tpu.core_type = #tpu.core_type<sc_vector_subcore>, window_params = [{transform_indices = #map}, {transform_indices = #map1}, {transform_indices = #map1}, {transform_indices = #map1}]} {
    %mul3A = arith.constant 2 : i32
    %mul3A_0 = arith.muli %arg1, %mul3A : i32
    %add3A = arith.addi %mul3A_0, %arg0 : i32
    %jit3A = arith.constant 4 : i32
    %div3A = arith.divsi %add3A, %jit3A : i32
    %sign3A = arith.constant 0 : i32
    %sign3A_1 = arith.cmpi sgt, %add3A, %sign3A : i32
    %sign3A_2 = arith.extui %sign3A_1 : i1 to i32
    %sign3A_3 = arith.constant 0 : i32
    %sign3A_4 = arith.cmpi slt, %add3A, %sign3A_3 : i32
    %sign3A_5 = arith.extui %sign3A_4 : i1 to i32
    %sign3A_6 = arith.subi %sign3A_2, %sign3A_5 : i32
    %sign3A_7 = arith.constant 0 : i32
    %sign3A_8 = arith.cmpi sgt, %jit3A, %sign3A_7 : i32
    %sign3A_9 = arith.extui %sign3A_8 : i1 to i32
    %sign3A_10 = arith.constant 0 : i32
    %sign3A_11 = arith.cmpi slt, %jit3A, %sign3A_10 : i32
    %sign3A_12 = arith.extui %sign3A_11 : i1 to i32
    %sign3A_13 = arith.subi %sign3A_9, %sign3A_12 : i32
    %ne3A = arith.cmpi ne, %sign3A_6, %sign3A_13 : i32
    %rem3A = arith.remsi %add3A, %jit3A : i32
    %ne3A_14 = arith.constant 0 : i32
    %ne3A_15 = arith.cmpi ne, %rem3A, %ne3A_14 : i32
    %and3A = arith.andi %ne3A, %ne3A_15 : i1
    %sub3A = arith.constant 1 : i32
    %sub3A_16 = arith.subi %div3A, %sub3A : i32
    %select_n3A = arith.select %and3A, %sub3A_16, %div3A : i32
    %jit3A_17 = arith.constant 4 : i32
    %eq3A = arith.constant 0 : i32
    %eq3A_18 = arith.cmpi eq, %jit3A_17, %eq3A : i32
    %jit3A_19 = arith.constant 1 : i32
    %select_n3A_20 = arith.select %eq3A_18, %jit3A_19, %jit3A_17 : i32
    %rem3A_21 = arith.remsi %add3A, %select_n3A_20 : i32
    %ne3A_22 = arith.constant 0 : i32
    %ne3A_23 = arith.cmpi ne, %rem3A_21, %ne3A_22 : i32
    %lt3A = arith.constant 0 : i32
    %lt3A_24 = arith.cmpi slt, %rem3A_21, %lt3A : i32
    %lt3A_25 = arith.constant 0 : i32
    %lt3A_26 = arith.cmpi slt, %select_n3A_20, %lt3A_25 : i32
    %ne3A_27 = arith.xori %lt3A_24, %lt3A_26 : i1
    %and3A_28 = arith.andi %ne3A_27, %ne3A_23 : i1
    %add3A_29 = arith.addi %rem3A_21, %select_n3A_20 : i32
    %select_n3A_30 = arith.select %and3A_28, %add3A_29, %rem3A_21 : i32
    %mul3A_31 = arith.constant 128 : i32
    %mul3A_32 = arith.muli %select_n3A_30, %mul3A_31 : i32
    "tpu.region"() ({
      %run_scoped3A = tpu.sem_alloc : memref<!tpu.dma_semaphore, #tpu.memory_space<semaphore_mem>>
      tpu.enqueue_dma source(%arg3 : memref<16xf32, #tpu.memory_space<hbm>>) target(%arg7 : memref<16xf32, #tpu.memory_space<vmem>>) target_semaphore(%run_scoped3A : memref<!tpu.dma_semaphore, #tpu.memory_space<semaphore_mem>>)
      tpu.wait_dma2 semaphore(%run_scoped3A : memref<!tpu.dma_semaphore, #tpu.memory_space<semaphore_mem>>) src(%arg3 : memref<16xf32, #tpu.memory_space<hbm>>) dst(%arg7 : memref<16xf32, #tpu.memory_space<vmem>>)
      tpu.yield
    }) : () -> ()
    %broadcast_in_dim3A = arith.constant 0.000000e+00 : f32
    %broadcast_in_dim3A_33 = vector.broadcast %broadcast_in_dim3A : f32 to vector<16xf32>
    %broadcast_in_dim3A_34 = arith.constant 0 : i32
    %broadcast_in_dim3A_35 = vector.broadcast %broadcast_in_dim3A_34 : i32 to vector<16xi32>
    %scan3A = arith.constant 0 : i32
    %scan3A_36 = arith.constant 8 : i32
    %scan3A_37 = arith.addi %scan3A, %scan3A_36 : i32
    %scan3A_38 = arith.constant 1 : i32
    %scan3A_39:2 = scf.for %scan3A_52 = %scan3A to %scan3A_37 step %scan3A_38 iter_args(%scan3A_53 = %broadcast_in_dim3A_33, %scan3A_54 = %broadcast_in_dim3A_35) -> (vector<16xf32>, vector<16xi32>)  : i32 {
      %mul3A_55 = arith.constant 16 : i32
      %mul3A_56 = arith.muli %scan3A_52, %mul3A_55 : i32
      %add3A_57 = arith.addi %mul3A_32, %mul3A_56 : i32
      "tpu.region"() ({
        %run_scoped3A = tpu.sem_alloc : memref<!tpu.dma_semaphore, #tpu.memory_space<semaphore_mem>>
        %dma_start3A = arith.constant 0 : i32
        %dma_start3A_64 = tpu.memref_slice %arg2[%select_n3A, %add3A_57, %dma_start3A] : memref<8x512x512xf32, #tpu.memory_space<hbm>> -> memref<1x16x512xf32, #tpu.memory_space<hbm>>
        %dma_start3A_65 = tpu.memref_squeeze %dma_start3A_64 : memref<1x16x512xf32, #tpu.memory_space<hbm>> -> memref<16x512xf32, #tpu.memory_space<hbm>>
        %dma_start3A_66 = arith.constant 0 : i32
        %dma_start3A_67 = tpu.memref_slice %arg2[%select_n3A, %add3A_57, %dma_start3A_66] : memref<8x512x512xf32, #tpu.memory_space<hbm>> -> memref<1x16x512xf32, #tpu.memory_space<hbm>>
        %dma_start3A_68 = tpu.memref_squeeze %dma_start3A_67 : memref<1x16x512xf32, #tpu.memory_space<hbm>> -> memref<16x512xf32, #tpu.memory_space<hbm>>
        tpu.enqueue_dma source(%dma_start3A_68 : memref<16x512xf32, #tpu.memory_space<hbm>>) target(%arg6 : memref<16x512xf32, #tpu.memory_space<vmem>>) target_semaphore(%run_scoped3A : memref<!tpu.dma_semaphore, #tpu.memory_space<semaphore_mem>>)
        %dma_wait3A = arith.constant 0 : i32
        %dma_wait3A_69 = tpu.memref_slice %arg2[%select_n3A, %add3A_57, %dma_wait3A] : memref<8x512x512xf32, #tpu.memory_space<hbm>> -> memref<1x16x512xf32, #tpu.memory_space<hbm>>
        %dma_wait3A_70 = tpu.memref_squeeze %dma_wait3A_69 : memref<1x16x512xf32, #tpu.memory_space<hbm>> -> memref<16x512xf32, #tpu.memory_space<hbm>>
        %dma_wait3A_71 = arith.constant 0 : i32
        %dma_wait3A_72 = tpu.memref_slice %arg2[%select_n3A, %add3A_57, %dma_wait3A_71] : memref<8x512x512xf32, #tpu.memory_space<hbm>> -> memref<1x16x512xf32, #tpu.memory_space<hbm>>
        %dma_wait3A_73 = tpu.memref_squeeze %dma_wait3A_72 : memref<1x16x512xf32, #tpu.memory_space<hbm>> -> memref<16x512xf32, #tpu.memory_space<hbm>>
        tpu.wait_dma2 semaphore(%run_scoped3A : memref<!tpu.dma_semaphore, #tpu.memory_space<semaphore_mem>>) src(%dma_wait3A_73 : memref<16x512xf32, #tpu.memory_space<hbm>>) dst(%arg6 : memref<16x512xf32, #tpu.memory_space<vmem>>)
        tpu.yield
      }) : () -> ()
      %scan3A_58 = arith.constant 0 : i32
      %scan3A_59 = arith.constant 16 : i32
      %scan3A_60 = arith.addi %scan3A_58, %scan3A_59 : i32
      %scan3A_61 = arith.constant 1 : i32
      %scan3A_62:2 = scf.for %scan3A_64 = %scan3A_58 to %scan3A_60 step %scan3A_61 iter_args(%scan3A_65 = %scan3A_53, %scan3A_66 = %scan3A_54) -> (vector<16xf32>, vector<16xi32>)  : i32 {
        %get3A = arith.constant 0 : index
        %get3A_67 = tpu.vector_load %arg7[%get3A] {strides = array<i32>} : memref<16xf32, #tpu.memory_space<vmem>>, vector<16xf32>,
        %get3A_68 = vector.shape_cast %get3A_67 : vector<16xf32> to vector<16xf32>
        %broadcast_in_dim3A_69 = arith.constant 0.000000e+00 : f32
        %broadcast_in_dim3A_70 = vector.broadcast %broadcast_in_dim3A_69 : f32 to vector<16xf32>
        %broadcast_in_dim3A_71 = arith.constant 1 : i32
        %broadcast_in_dim3A_72 = vector.broadcast %broadcast_in_dim3A_71 : i32 to vector<16xi32>
        %broadcast_in_dim3A_73 = arith.constant 0 : i32
        %broadcast_in_dim3A_74 = vector.broadcast %broadcast_in_dim3A_73 : i32 to vector<16xi32>
        %get3A_75 = arith.index_cast %scan3A_64 : i32 to index
        %get3A_76 = arith.constant 0 : index
        %get3A_77 = tpu.vector_load %arg6[%get3A_75, %get3A_76] {strides = array<i32>} : memref<16x512xf32, #tpu.memory_space<vmem>>, vector<1x16xf32>,
        %get3A_78 = vector.shape_cast %get3A_77 : vector<1x16xf32> to vector<16xf32>
        %gt3A = arith.cmpf ogt, %get3A_78, %get3A_68 : vector<16xf32>
        %select_n3A_79 = arith.select %gt3A, %get3A_78, %broadcast_in_dim3A_70 : vector<16xi1>, vector<16xf32>
        %add3A_80 = arith.addf %scan3A_65, %select_n3A_79 : vector<16xf32>
        %select_n3A_81 = arith.select %gt3A, %broadcast_in_dim3A_72, %broadcast_in_dim3A_74 : vector<16xi1>, vector<16xi32>
        %add3A_82 = arith.addi %scan3A_66, %select_n3A_81 : vector<16xi32>
        %get3A_83 = arith.index_cast %scan3A_64 : i32 to index
        %get3A_84 = arith.constant 16 : index
        %get3A_85 = tpu.vector_load %arg6[%get3A_83, %get3A_84] {strides = array<i32>} : memref<16x512xf32, #tpu.memory_space<vmem>>, vector<1x16xf32>,
        %get3A_86 = vector.shape_cast %get3A_85 : vector<1x16xf32> to vector<16xf32>
        %gt3A_87 = arith.cmpf ogt, %get3A_86, %get3A_68 : vector<16xf32>
        %select_n3A_88 = arith.select %gt3A_87, %get3A_86, %broadcast_in_dim3A_70 : vector<16xi1>, vector<16xf32>
        %add3A_89 = arith.addf %add3A_80, %select_n3A_88 : vector<16xf32>
        %select_n3A_90 = arith.select %gt3A_87, %broadcast_in_dim3A_72, %broadcast_in_dim3A_74 : vector<16xi1>, vector<16xi32>
        %add3A_91 = arith.addi %add3A_82, %select_n3A_90 : vector<16xi32>
        %get3A_92 = arith.index_cast %scan3A_64 : i32 to index
        %get3A_93 = arith.constant 32 : index
        %get3A_94 = tpu.vector_load %arg6[%get3A_92, %get3A_93] {strides = array<i32>} : memref<16x512xf32, #tpu.memory_space<vmem>>, vector<1x16xf32>,
        %get3A_95 = vector.shape_cast %get3A_94 : vector<1x16xf32> to vector<16xf32>
        %gt3A_96 = arith.cmpf ogt, %get3A_95, %get3A_68 : vector<16xf32>
        %select_n3A_97 = arith.select %gt3A_96, %get3A_95, %broadcast_in_dim3A_70 : vector<16xi1>, vector<16xf32>
        %add3A_98 = arith.addf %add3A_89, %select_n3A_97 : vector<16xf32>
        %select_n3A_99 = arith.select %gt3A_96, %broadcast_in_dim3A_72, %broadcast_in_dim3A_74 : vector<16xi1>, vector<16xi32>
        %add3A_100 = arith.addi %add3A_91, %select_n3A_99 : vector<16xi32>
        %get3A_101 = arith.index_cast %scan3A_64 : i32 to index
        %get3A_102 = arith.constant 48 : index
        %get3A_103 = tpu.vector_load %arg6[%get3A_101, %get3A_102] {strides = array<i32>} : memref<16x512xf32, #tpu.memory_space<vmem>>, vector<1x16xf32>,
        %get3A_104 = vector.shape_cast %get3A_103 : vector<1x16xf32> to vector<16xf32>
        %gt3A_105 = arith.cmpf ogt, %get3A_104, %get3A_68 : vector<16xf32>
        %select_n3A_106 = arith.select %gt3A_105, %get3A_104, %broadcast_in_dim3A_70 : vector<16xi1>, vector<16xf32>
        %add3A_107 = arith.addf %add3A_98, %select_n3A_106 : vector<16xf32>
        %select_n3A_108 = arith.select %gt3A_105, %broadcast_in_dim3A_72, %broadcast_in_dim3A_74 : vector<16xi1>, vector<16xi32>
        %add3A_109 = arith.addi %add3A_100, %select_n3A_108 : vector<16xi32>
        %get3A_110 = arith.index_cast %scan3A_64 : i32 to index
        %get3A_111 = arith.constant 64 : index
        %get3A_112 = tpu.vector_load %arg6[%get3A_110, %get3A_111] {strides = array<i32>} : memref<16x512xf32, #tpu.memory_space<vmem>>, vector<1x16xf32>,
        %get3A_113 = vector.shape_cast %get3A_112 : vector<1x16xf32> to vector<16xf32>
        %gt3A_114 = arith.cmpf ogt, %get3A_113, %get3A_68 : vector<16xf32>
        %select_n3A_115 = arith.select %gt3A_114, %get3A_113, %broadcast_in_dim3A_70 : vector<16xi1>, vector<16xf32>
        %add3A_116 = arith.addf %add3A_107, %select_n3A_115 : vector<16xf32>
        %select_n3A_117 = arith.select %gt3A_114, %broadcast_in_dim3A_72, %broadcast_in_dim3A_74 : vector<16xi1>, vector<16xi32>
        %add3A_118 = arith.addi %add3A_109, %select_n3A_117 : vector<16xi32>
        %get3A_119 = arith.index_cast %scan3A_64 : i32 to index
        %get3A_120 = arith.constant 80 : index
        %get3A_121 = tpu.vector_load %arg6[%get3A_119, %get3A_120] {strides = array<i32>} : memref<16x512xf32, #tpu.memory_space<vmem>>, vector<1x16xf32>,
        %get3A_122 = vector.shape_cast %get3A_121 : vector<1x16xf32> to vector<16xf32>
        %gt3A_123 = arith.cmpf ogt, %get3A_122, %get3A_68 : vector<16xf32>
        %select_n3A_124 = arith.select %gt3A_123, %get3A_122, %broadcast_in_dim3A_70 : vector<16xi1>, vector<16xf32>
        %add3A_125 = arith.addf %add3A_116, %select_n3A_124 : vector<16xf32>
        %select_n3A_126 = arith.select %gt3A_123, %broadcast_in_dim3A_72, %broadcast_in_dim3A_74 : vector<16xi1>, vector<16xi32>
        %add3A_127 = arith.addi %add3A_118, %select_n3A_126 : vector<16xi32>
        %get3A_128 = arith.index_cast %scan3A_64 : i32 to index
        %get3A_129 = arith.constant 96 : index
        %get3A_130 = tpu.vector_load %arg6[%get3A_128, %get3A_129] {strides = array<i32>} : memref<16x512xf32, #tpu.memory_space<vmem>>, vector<1x16xf32>,
        %get3A_131 = vector.shape_cast %get3A_130 : vector<1x16xf32> to vector<16xf32>
        %gt3A_132 = arith.cmpf ogt, %get3A_131, %get3A_68 : vector<16xf32>
        %select_n3A_133 = arith.select %gt3A_132, %get3A_131, %broadcast_in_dim3A_70 : vector<16xi1>, vector<16xf32>
        %add3A_134 = arith.addf %add3A_125, %select_n3A_133 : vector<16xf32>
        %select_n3A_135 = arith.select %gt3A_132, %broadcast_in_dim3A_72, %broadcast_in_dim3A_74 : vector<16xi1>, vector<16xi32>
        %add3A_136 = arith.addi %add3A_127, %select_n3A_135 : vector<16xi32>
        %get3A_137 = arith.index_cast %scan3A_64 : i32 to index
        %get3A_138 = arith.constant 112 : index
        %get3A_139 = tpu.vector_load %arg6[%get3A_137, %get3A_138] {strides = array<i32>} : memref<16x512xf32, #tpu.memory_space<vmem>>, vector<1x16xf32>,
        %get3A_140 = vector.shape_cast %get3A_139 : vector<1x16xf32> to vector<16xf32>
        %gt3A_141 = arith.cmpf ogt, %get3A_140, %get3A_68 : vector<16xf32>
        %select_n3A_142 = arith.select %gt3A_141, %get3A_140, %broadcast_in_dim3A_70 : vector<16xi1>, vector<16xf32>
        %add3A_143 = arith.addf %add3A_134, %select_n3A_142 : vector<16xf32>
        %select_n3A_144 = arith.select %gt3A_141, %broadcast_in_dim3A_72, %broadcast_in_dim3A_74 : vector<16xi1>, vector<16xi32>
        %add3A_145 = arith.addi %add3A_136, %select_n3A_144 : vector<16xi32>
        %get3A_146 = arith.index_cast %scan3A_64 : i32 to index
        %get3A_147 = arith.constant 128 : index
        %get3A_148 = tpu.vector_load %arg6[%get3A_146, %get3A_147] {strides = array<i32>} : memref<16x512xf32, #tpu.memory_space<vmem>>, vector<1x16xf32>,
        %get3A_149 = vector.shape_cast %get3A_148 : vector<1x16xf32> to vector<16xf32>
        %gt3A_150 = arith.cmpf ogt, %get3A_149, %get3A_68 : vector<16xf32>
        %select_n3A_151 = arith.select %gt3A_150, %get3A_149, %broadcast_in_dim3A_70 : vector<16xi1>, vector<16xf32>
        %add3A_152 = arith.addf %add3A_143, %select_n3A_151 : vector<16xf32>
        %select_n3A_153 = arith.select %gt3A_150, %broadcast_in_dim3A_72, %broadcast_in_dim3A_74 : vector<16xi1>, vector<16xi32>
        %add3A_154 = arith.addi %add3A_145, %select_n3A_153 : vector<16xi32>
        %get3A_155 = arith.index_cast %scan3A_64 : i32 to index
        %get3A_156 = arith.constant 144 : index
        %get3A_157 = tpu.vector_load %arg6[%get3A_155, %get3A_156] {strides = array<i32>} : memref<16x512xf32, #tpu.memory_space<vmem>>, vector<1x16xf32>,
        %get3A_158 = vector.shape_cast %get3A_157 : vector<1x16xf32> to vector<16xf32>
        %gt3A_159 = arith.cmpf ogt, %get3A_158, %get3A_68 : vector<16xf32>
        %select_n3A_160 = arith.select %gt3A_159, %get3A_158, %broadcast_in_dim3A_70 : vector<16xi1>, vector<16xf32>
        %add3A_161 = arith.addf %add3A_152, %select_n3A_160 : vector<16xf32>
        %select_n3A_162 = arith.select %gt3A_159, %broadcast_in_dim3A_72, %broadcast_in_dim3A_74 : vector<16xi1>, vector<16xi32>
        %add3A_163 = arith.addi %add3A_154, %select_n3A_162 : vector<16xi32>
        %get3A_164 = arith.index_cast %scan3A_64 : i32 to index
        %get3A_165 = arith.constant 160 : index
        %get3A_166 = tpu.vector_load %arg6[%get3A_164, %get3A_165] {strides = array<i32>} : memref<16x512xf32, #tpu.memory_space<vmem>>, vector<1x16xf32>,
        %get3A_167 = vector.shape_cast %get3A_166 : vector<1x16xf32> to vector<16xf32>
        %gt3A_168 = arith.cmpf ogt, %get3A_167, %get3A_68 : vector<16xf32>
        %select_n3A_169 = arith.select %gt3A_168, %get3A_167, %broadcast_in_dim3A_70 : vector<16xi1>, vector<16xf32>
        %add3A_170 = arith.addf %add3A_161, %select_n3A_169 : vector<16xf32>
        %select_n3A_171 = arith.select %gt3A_168, %broadcast_in_dim3A_72, %broadcast_in_dim3A_74 : vector<16xi1>, vector<16xi32>
        %add3A_172 = arith.addi %add3A_163, %select_n3A_171 : vector<16xi32>
        %get3A_173 = arith.index_cast %scan3A_64 : i32 to index
        %get3A_174 = arith.constant 176 : index
        %get3A_175 = tpu.vector_load %arg6[%get3A_173, %get3A_174] {strides = array<i32>} : memref<16x512xf32, #tpu.memory_space<vmem>>, vector<1x16xf32>,
        %get3A_176 = vector.shape_cast %get3A_175 : vector<1x16xf32> to vector<16xf32>
        %gt3A_177 = arith.cmpf ogt, %get3A_176, %get3A_68 : vector<16xf32>
        %select_n3A_178 = arith.select %gt3A_177, %get3A_176, %broadcast_in_dim3A_70 : vector<16xi1>, vector<16xf32>
        %add3A_179 = arith.addf %add3A_170, %select_n3A_178 : vector<16xf32>
        %select_n3A_180 = arith.select %gt3A_177, %broadcast_in_dim3A_72, %broadcast_in_dim3A_74 : vector<16xi1>, vector<16xi32>
        %add3A_181 = arith.addi %add3A_172, %select_n3A_180 : vector<16xi32>
        %get3A_182 = arith.index_cast %scan3A_64 : i32 to index
        %get3A_183 = arith.constant 192 : index
        %get3A_184 = tpu.vector_load %arg6[%get3A_182, %get3A_183] {strides = array<i32>} : memref<16x512xf32, #tpu.memory_space<vmem>>, vector<1x16xf32>,
        %get3A_185 = vector.shape_cast %get3A_184 : vector<1x16xf32> to vector<16xf32>
        %gt3A_186 = arith.cmpf ogt, %get3A_185, %get3A_68 : vector<16xf32>
        %select_n3A_187 = arith.select %gt3A_186, %get3A_185, %broadcast_in_dim3A_70 : vector<16xi1>, vector<16xf32>
        %add3A_188 = arith.addf %add3A_179, %select_n3A_187 : vector<16xf32>
        %select_n3A_189 = arith.select %gt3A_186, %broadcast_in_dim3A_72, %broadcast_in_dim3A_74 : vector<16xi1>, vector<16xi32>
        %add3A_190 = arith.addi %add3A_181, %select_n3A_189 : vector<16xi32>
        %get3A_191 = arith.index_cast %scan3A_64 : i32 to index
        %get3A_192 = arith.constant 208 : index
        %get3A_193 = tpu.vector_load %arg6[%get3A_191, %get3A_192] {strides = array<i32>} : memref<16x512xf32, #tpu.memory_space<vmem>>, vector<1x16xf32>,
        %get3A_194 = vector.shape_cast %get3A_193 : vector<1x16xf32> to vector<16xf32>
        %gt3A_195 = arith.cmpf ogt, %get3A_194, %get3A_68 : vector<16xf32>
        %select_n3A_196 = arith.select %gt3A_195, %get3A_194, %broadcast_in_dim3A_70 : vector<16xi1>, vector<16xf32>
        %add3A_197 = arith.addf %add3A_188, %select_n3A_196 : vector<16xf32>
        %select_n3A_198 = arith.select %gt3A_195, %broadcast_in_dim3A_72, %broadcast_in_dim3A_74 : vector<16xi1>, vector<16xi32>
        %add3A_199 = arith.addi %add3A_190, %select_n3A_198 : vector<16xi32>
        %get3A_200 = arith.index_cast %scan3A_64 : i32 to index
        %get3A_201 = arith.constant 224 : index
        %get3A_202 = tpu.vector_load %arg6[%get3A_200, %get3A_201] {strides = array<i32>} : memref<16x512xf32, #tpu.memory_space<vmem>>, vector<1x16xf32>,
        %get3A_203 = vector.shape_cast %get3A_202 : vector<1x16xf32> to vector<16xf32>
        %gt3A_204 = arith.cmpf ogt, %get3A_203, %get3A_68 : vector<16xf32>
        %select_n3A_205 = arith.select %gt3A_204, %get3A_203, %broadcast_in_dim3A_70 : vector<16xi1>, vector<16xf32>
        %add3A_206 = arith.addf %add3A_197, %select_n3A_205 : vector<16xf32>
        %select_n3A_207 = arith.select %gt3A_204, %broadcast_in_dim3A_72, %broadcast_in_dim3A_74 : vector<16xi1>, vector<16xi32>
        %add3A_208 = arith.addi %add3A_199, %select_n3A_207 : vector<16xi32>
        %get3A_209 = arith.index_cast %scan3A_64 : i32 to index
        %get3A_210 = arith.constant 240 : index
        %get3A_211 = tpu.vector_load %arg6[%get3A_209, %get3A_210] {strides = array<i32>} : memref<16x512xf32, #tpu.memory_space<vmem>>, vector<1x16xf32>,
        %get3A_212 = vector.shape_cast %get3A_211 : vector<1x16xf32> to vector<16xf32>
        %gt3A_213 = arith.cmpf ogt, %get3A_212, %get3A_68 : vector<16xf32>
        %select_n3A_214 = arith.select %gt3A_213, %get3A_212, %broadcast_in_dim3A_70 : vector<16xi1>, vector<16xf32>
        %add3A_215 = arith.addf %add3A_206, %select_n3A_214 : vector<16xf32>
        %select_n3A_216 = arith.select %gt3A_213, %broadcast_in_dim3A_72, %broadcast_in_dim3A_74 : vector<16xi1>, vector<16xi32>
        %add3A_217 = arith.addi %add3A_208, %select_n3A_216 : vector<16xi32>
        %get3A_218 = arith.index_cast %scan3A_64 : i32 to index
        %get3A_219 = arith.constant 256 : index
        %get3A_220 = tpu.vector_load %arg6[%get3A_218, %get3A_219] {strides = array<i32>} : memref<16x512xf32, #tpu.memory_space<vmem>>, vector<1x16xf32>,
        %get3A_221 = vector.shape_cast %get3A_220 : vector<1x16xf32> to vector<16xf32>
        %gt3A_222 = arith.cmpf ogt, %get3A_221, %get3A_68 : vector<16xf32>
        %select_n3A_223 = arith.select %gt3A_222, %get3A_221, %broadcast_in_dim3A_70 : vector<16xi1>, vector<16xf32>
        %add3A_224 = arith.addf %add3A_215, %select_n3A_223 : vector<16xf32>
        %select_n3A_225 = arith.select %gt3A_222, %broadcast_in_dim3A_72, %broadcast_in_dim3A_74 : vector<16xi1>, vector<16xi32>
        %add3A_226 = arith.addi %add3A_217, %select_n3A_225 : vector<16xi32>
        %get3A_227 = arith.index_cast %scan3A_64 : i32 to index
        %get3A_228 = arith.constant 272 : index
        %get3A_229 = tpu.vector_load %arg6[%get3A_227, %get3A_228] {strides = array<i32>} : memref<16x512xf32, #tpu.memory_space<vmem>>, vector<1x16xf32>,
        %get3A_230 = vector.shape_cast %get3A_229 : vector<1x16xf32> to vector<16xf32>
        %gt3A_231 = arith.cmpf ogt, %get3A_230, %get3A_68 : vector<16xf32>
        %select_n3A_232 = arith.select %gt3A_231, %get3A_230, %broadcast_in_dim3A_70 : vector<16xi1>, vector<16xf32>
        %add3A_233 = arith.addf %add3A_224, %select_n3A_232 : vector<16xf32>
        %select_n3A_234 = arith.select %gt3A_231, %broadcast_in_dim3A_72, %broadcast_in_dim3A_74 : vector<16xi1>, vector<16xi32>
        %add3A_235 = arith.addi %add3A_226, %select_n3A_234 : vector<16xi32>
        %get3A_236 = arith.index_cast %scan3A_64 : i32 to index
        %get3A_237 = arith.constant 288 : index
        %get3A_238 = tpu.vector_load %arg6[%get3A_236, %get3A_237] {strides = array<i32>} : memref<16x512xf32, #tpu.memory_space<vmem>>, vector<1x16xf32>,
        %get3A_239 = vector.shape_cast %get3A_238 : vector<1x16xf32> to vector<16xf32>
        %gt3A_240 = arith.cmpf ogt, %get3A_239, %get3A_68 : vector<16xf32>
        %select_n3A_241 = arith.select %gt3A_240, %get3A_239, %broadcast_in_dim3A_70 : vector<16xi1>, vector<16xf32>
        %add3A_242 = arith.addf %add3A_233, %select_n3A_241 : vector<16xf32>
        %select_n3A_243 = arith.select %gt3A_240, %broadcast_in_dim3A_72, %broadcast_in_dim3A_74 : vector<16xi1>, vector<16xi32>
        %add3A_244 = arith.addi %add3A_235, %select_n3A_243 : vector<16xi32>
        %get3A_245 = arith.index_cast %scan3A_64 : i32 to index
        %get3A_246 = arith.constant 304 : index
        %get3A_247 = tpu.vector_load %arg6[%get3A_245, %get3A_246] {strides = array<i32>} : memref<16x512xf32, #tpu.memory_space<vmem>>, vector<1x16xf32>,
        %get3A_248 = vector.shape_cast %get3A_247 : vector<1x16xf32> to vector<16xf32>
        %gt3A_249 = arith.cmpf ogt, %get3A_248, %get3A_68 : vector<16xf32>
        %select_n3A_250 = arith.select %gt3A_249, %get3A_248, %broadcast_in_dim3A_70 : vector<16xi1>, vector<16xf32>
        %add3A_251 = arith.addf %add3A_242, %select_n3A_250 : vector<16xf32>
        %select_n3A_252 = arith.select %gt3A_249, %broadcast_in_dim3A_72, %broadcast_in_dim3A_74 : vector<16xi1>, vector<16xi32>
        %add3A_253 = arith.addi %add3A_244, %select_n3A_252 : vector<16xi32>
        %get3A_254 = arith.index_cast %scan3A_64 : i32 to index
        %get3A_255 = arith.constant 320 : index
        %get3A_256 = tpu.vector_load %arg6[%get3A_254, %get3A_255] {strides = array<i32>} : memref<16x512xf32, #tpu.memory_space<vmem>>, vector<1x16xf32>,
        %get3A_257 = vector.shape_cast %get3A_256 : vector<1x16xf32> to vector<16xf32>
        %gt3A_258 = arith.cmpf ogt, %get3A_257, %get3A_68 : vector<16xf32>
        %select_n3A_259 = arith.select %gt3A_258, %get3A_257, %broadcast_in_dim3A_70 : vector<16xi1>, vector<16xf32>
        %add3A_260 = arith.addf %add3A_251, %select_n3A_259 : vector<16xf32>
        %select_n3A_261 = arith.select %gt3A_258, %broadcast_in_dim3A_72, %broadcast_in_dim3A_74 : vector<16xi1>, vector<16xi32>
        %add3A_262 = arith.addi %add3A_253, %select_n3A_261 : vector<16xi32>
        %get3A_263 = arith.index_cast %scan3A_64 : i32 to index
        %get3A_264 = arith.constant 336 : index
        %get3A_265 = tpu.vector_load %arg6[%get3A_263, %get3A_264] {strides = array<i32>} : memref<16x512xf32, #tpu.memory_space<vmem>>, vector<1x16xf32>,
        %get3A_266 = vector.shape_cast %get3A_265 : vector<1x16xf32> to vector<16xf32>
        %gt3A_267 = arith.cmpf ogt, %get3A_266, %get3A_68 : vector<16xf32>
        %select_n3A_268 = arith.select %gt3A_267, %get3A_266, %broadcast_in_dim3A_70 : vector<16xi1>, vector<16xf32>
        %add3A_269 = arith.addf %add3A_260, %select_n3A_268 : vector<16xf32>
        %select_n3A_270 = arith.select %gt3A_267, %broadcast_in_dim3A_72, %broadcast_in_dim3A_74 : vector<16xi1>, vector<16xi32>
        %add3A_271 = arith.addi %add3A_262, %select_n3A_270 : vector<16xi32>
        %get3A_272 = arith.index_cast %scan3A_64 : i32 to index
        %get3A_273 = arith.constant 352 : index
        %get3A_274 = tpu.vector_load %arg6[%get3A_272, %get3A_273] {strides = array<i32>} : memref<16x512xf32, #tpu.memory_space<vmem>>, vector<1x16xf32>,
        %get3A_275 = vector.shape_cast %get3A_274 : vector<1x16xf32> to vector<16xf32>
        %gt3A_276 = arith.cmpf ogt, %get3A_275, %get3A_68 : vector<16xf32>
        %select_n3A_277 = arith.select %gt3A_276, %get3A_275, %broadcast_in_dim3A_70 : vector<16xi1>, vector<16xf32>
        %add3A_278 = arith.addf %add3A_269, %select_n3A_277 : vector<16xf32>
        %select_n3A_279 = arith.select %gt3A_276, %broadcast_in_dim3A_72, %broadcast_in_dim3A_74 : vector<16xi1>, vector<16xi32>
        %add3A_280 = arith.addi %add3A_271, %select_n3A_279 : vector<16xi32>
        %get3A_281 = arith.index_cast %scan3A_64 : i32 to index
        %get3A_282 = arith.constant 368 : index
        %get3A_283 = tpu.vector_load %arg6[%get3A_281, %get3A_282] {strides = array<i32>} : memref<16x512xf32, #tpu.memory_space<vmem>>, vector<1x16xf32>,
        %get3A_284 = vector.shape_cast %get3A_283 : vector<1x16xf32> to vector<16xf32>
        %gt3A_285 = arith.cmpf ogt, %get3A_284, %get3A_68 : vector<16xf32>
        %select_n3A_286 = arith.select %gt3A_285, %get3A_284, %broadcast_in_dim3A_70 : vector<16xi1>, vector<16xf32>
        %add3A_287 = arith.addf %add3A_278, %select_n3A_286 : vector<16xf32>
        %select_n3A_288 = arith.select %gt3A_285, %broadcast_in_dim3A_72, %broadcast_in_dim3A_74 : vector<16xi1>, vector<16xi32>
        %add3A_289 = arith.addi %add3A_280, %select_n3A_288 : vector<16xi32>
        %get3A_290 = arith.index_cast %scan3A_64 : i32 to index
        %get3A_291 = arith.constant 384 : index
        %get3A_292 = tpu.vector_load %arg6[%get3A_290, %get3A_291] {strides = array<i32>} : memref<16x512xf32, #tpu.memory_space<vmem>>, vector<1x16xf32>,
        %get3A_293 = vector.shape_cast %get3A_292 : vector<1x16xf32> to vector<16xf32>
        %gt3A_294 = arith.cmpf ogt, %get3A_293, %get3A_68 : vector<16xf32>
        %select_n3A_295 = arith.select %gt3A_294, %get3A_293, %broadcast_in_dim3A_70 : vector<16xi1>, vector<16xf32>
        %add3A_296 = arith.addf %add3A_287, %select_n3A_295 : vector<16xf32>
        %select_n3A_297 = arith.select %gt3A_294, %broadcast_in_dim3A_72, %broadcast_in_dim3A_74 : vector<16xi1>, vector<16xi32>
        %add3A_298 = arith.addi %add3A_289, %select_n3A_297 : vector<16xi32>
        %get3A_299 = arith.index_cast %scan3A_64 : i32 to index
        %get3A_300 = arith.constant 400 : index
        %get3A_301 = tpu.vector_load %arg6[%get3A_299, %get3A_300] {strides = array<i32>} : memref<16x512xf32, #tpu.memory_space<vmem>>, vector<1x16xf32>,
        %get3A_302 = vector.shape_cast %get3A_301 : vector<1x16xf32> to vector<16xf32>
        %gt3A_303 = arith.cmpf ogt, %get3A_302, %get3A_68 : vector<16xf32>
        %select_n3A_304 = arith.select %gt3A_303, %get3A_302, %broadcast_in_dim3A_70 : vector<16xi1>, vector<16xf32>
        %add3A_305 = arith.addf %add3A_296, %select_n3A_304 : vector<16xf32>
        %select_n3A_306 = arith.select %gt3A_303, %broadcast_in_dim3A_72, %broadcast_in_dim3A_74 : vector<16xi1>, vector<16xi32>
        %add3A_307 = arith.addi %add3A_298, %select_n3A_306 : vector<16xi32>
        %get3A_308 = arith.index_cast %scan3A_64 : i32 to index
        %get3A_309 = arith.constant 416 : index
        %get3A_310 = tpu.vector_load %arg6[%get3A_308, %get3A_309] {strides = array<i32>} : memref<16x512xf32, #tpu.memory_space<vmem>>, vector<1x16xf32>,
        %get3A_311 = vector.shape_cast %get3A_310 : vector<1x16xf32> to vector<16xf32>
        %gt3A_312 = arith.cmpf ogt, %get3A_311, %get3A_68 : vector<16xf32>
        %select_n3A_313 = arith.select %gt3A_312, %get3A_311, %broadcast_in_dim3A_70 : vector<16xi1>, vector<16xf32>
        %add3A_314 = arith.addf %add3A_305, %select_n3A_313 : vector<16xf32>
        %select_n3A_315 = arith.select %gt3A_312, %broadcast_in_dim3A_72, %broadcast_in_dim3A_74 : vector<16xi1>, vector<16xi32>
        %add3A_316 = arith.addi %add3A_307, %select_n3A_315 : vector<16xi32>
        %get3A_317 = arith.index_cast %scan3A_64 : i32 to index
        %get3A_318 = arith.constant 432 : index
        %get3A_319 = tpu.vector_load %arg6[%get3A_317, %get3A_318] {strides = array<i32>} : memref<16x512xf32, #tpu.memory_space<vmem>>, vector<1x16xf32>,
        %get3A_320 = vector.shape_cast %get3A_319 : vector<1x16xf32> to vector<16xf32>
        %gt3A_321 = arith.cmpf ogt, %get3A_320, %get3A_68 : vector<16xf32>
        %select_n3A_322 = arith.select %gt3A_321, %get3A_320, %broadcast_in_dim3A_70 : vector<16xi1>, vector<16xf32>
        %add3A_323 = arith.addf %add3A_314, %select_n3A_322 : vector<16xf32>
        %select_n3A_324 = arith.select %gt3A_321, %broadcast_in_dim3A_72, %broadcast_in_dim3A_74 : vector<16xi1>, vector<16xi32>
        %add3A_325 = arith.addi %add3A_316, %select_n3A_324 : vector<16xi32>
        %get3A_326 = arith.index_cast %scan3A_64 : i32 to index
        %get3A_327 = arith.constant 448 : index
        %get3A_328 = tpu.vector_load %arg6[%get3A_326, %get3A_327] {strides = array<i32>} : memref<16x512xf32, #tpu.memory_space<vmem>>, vector<1x16xf32>,
        %get3A_329 = vector.shape_cast %get3A_328 : vector<1x16xf32> to vector<16xf32>
        %gt3A_330 = arith.cmpf ogt, %get3A_329, %get3A_68 : vector<16xf32>
        %select_n3A_331 = arith.select %gt3A_330, %get3A_329, %broadcast_in_dim3A_70 : vector<16xi1>, vector<16xf32>
        %add3A_332 = arith.addf %add3A_323, %select_n3A_331 : vector<16xf32>
        %select_n3A_333 = arith.select %gt3A_330, %broadcast_in_dim3A_72, %broadcast_in_dim3A_74 : vector<16xi1>, vector<16xi32>
        %add3A_334 = arith.addi %add3A_325, %select_n3A_333 : vector<16xi32>
        %get3A_335 = arith.index_cast %scan3A_64 : i32 to index
        %get3A_336 = arith.constant 464 : index
        %get3A_337 = tpu.vector_load %arg6[%get3A_335, %get3A_336] {strides = array<i32>} : memref<16x512xf32, #tpu.memory_space<vmem>>, vector<1x16xf32>,
        %get3A_338 = vector.shape_cast %get3A_337 : vector<1x16xf32> to vector<16xf32>
        %gt3A_339 = arith.cmpf ogt, %get3A_338, %get3A_68 : vector<16xf32>
        %select_n3A_340 = arith.select %gt3A_339, %get3A_338, %broadcast_in_dim3A_70 : vector<16xi1>, vector<16xf32>
        %add3A_341 = arith.addf %add3A_332, %select_n3A_340 : vector<16xf32>
        %select_n3A_342 = arith.select %gt3A_339, %broadcast_in_dim3A_72, %broadcast_in_dim3A_74 : vector<16xi1>, vector<16xi32>
        %add3A_343 = arith.addi %add3A_334, %select_n3A_342 : vector<16xi32>
        %get3A_344 = arith.index_cast %scan3A_64 : i32 to index
        %get3A_345 = arith.constant 480 : index
        %get3A_346 = tpu.vector_load %arg6[%get3A_344, %get3A_345] {strides = array<i32>} : memref<16x512xf32, #tpu.memory_space<vmem>>, vector<1x16xf32>,
        %get3A_347 = vector.shape_cast %get3A_346 : vector<1x16xf32> to vector<16xf32>
        %gt3A_348 = arith.cmpf ogt, %get3A_347, %get3A_68 : vector<16xf32>
        %select_n3A_349 = arith.select %gt3A_348, %get3A_347, %broadcast_in_dim3A_70 : vector<16xi1>, vector<16xf32>
        %add3A_350 = arith.addf %add3A_341, %select_n3A_349 : vector<16xf32>
        %select_n3A_351 = arith.select %gt3A_348, %broadcast_in_dim3A_72, %broadcast_in_dim3A_74 : vector<16xi1>, vector<16xi32>
        %add3A_352 = arith.addi %add3A_343, %select_n3A_351 : vector<16xi32>
        %get3A_353 = arith.index_cast %scan3A_64 : i32 to index
        %get3A_354 = arith.constant 496 : index
        %get3A_355 = tpu.vector_load %arg6[%get3A_353, %get3A_354] {strides = array<i32>} : memref<16x512xf32, #tpu.memory_space<vmem>>, vector<1x16xf32>,
        %get3A_356 = vector.shape_cast %get3A_355 : vector<1x16xf32> to vector<16xf32>
        %gt3A_357 = arith.cmpf ogt, %get3A_356, %get3A_68 : vector<16xf32>
        %select_n3A_358 = arith.select %gt3A_357, %get3A_356, %broadcast_in_dim3A_70 : vector<16xi1>, vector<16xf32>
        %add3A_359 = arith.addf %add3A_350, %select_n3A_358 : vector<16xf32>
        %select_n3A_360 = arith.select %gt3A_357, %broadcast_in_dim3A_72, %broadcast_in_dim3A_74 : vector<16xi1>, vector<16xi32>
        %add3A_361 = arith.addi %add3A_352, %select_n3A_360 : vector<16xi32>
        scf.yield %add3A_359, %add3A_361 : vector<16xf32>, vector<16xi32>
      }
      %scan3A_63 = arith.constant 16 : i32
      scf.yield %scan3A_62#0, %scan3A_62#1 : vector<16xf32>, vector<16xi32>
    }
    %scan3A_40 = arith.constant 8 : i32
    %swap3A = arith.constant 0 : index
    %swap3A_41 = tpu.vector_load %arg8[%swap3A] {strides = array<i32>} : memref<16xf32, #tpu.memory_space<vmem>>, vector<16xf32>,
    %swap3A_42 = vector.shape_cast %swap3A_41 : vector<16xf32> to vector<16xf32>
    %swap3A_43 = vector.shape_cast %scan3A_39#0 : vector<16xf32> to vector<16xf32>
    tpu.vector_store %arg8[%swap3A], %swap3A_43 {strides = array<i32>} : memref<16xf32, #tpu.memory_space<vmem>>, vector<16xf32>,
    %swap3A_44 = arith.constant 0 : index
    %swap3A_45 = tpu.vector_load %arg9[%swap3A_44] {strides = array<i32>} : memref<16xi32, #tpu.memory_space<vmem>>, vector<16xi32>,
    %swap3A_46 = vector.shape_cast %swap3A_45 : vector<16xi32> to vector<16xi32>
    %swap3A_47 = vector.shape_cast %scan3A_39#1 : vector<16xi32> to vector<16xi32>
    tpu.vector_store %arg9[%swap3A_44], %swap3A_47 {strides = array<i32>} : memref<16xi32, #tpu.memory_space<vmem>>, vector<16xi32>,
    %mul3A_48 = arith.constant 16 : i32
    %mul3A_49 = arith.muli %add3A, %mul3A_48 : i32
    "tpu.region"() ({
      %run_scoped3A = tpu.sem_alloc : memref<!tpu.dma_semaphore, #tpu.memory_space<semaphore_mem>>
      %dma_start3A = tpu.memref_slice %arg4[%mul3A_49] : memref<512xf32, #tpu.memory_space<hbm>> -> memref<16xf32, #tpu.memory_space<hbm>>
      %dma_start3A_52 = tpu.memref_slice %arg4[%mul3A_49] : memref<512xf32, #tpu.memory_space<hbm>> -> memref<16xf32, #tpu.memory_space<hbm>>
      tpu.enqueue_dma source(%arg8 : memref<16xf32, #tpu.memory_space<vmem>>) target(%dma_start3A_52 : memref<16xf32, #tpu.memory_space<hbm>>) target_semaphore(%run_scoped3A : memref<!tpu.dma_semaphore, #tpu.memory_space<semaphore_mem>>)
      %dma_wait3A = tpu.memref_slice %arg4[%mul3A_49] : memref<512xf32, #tpu.memory_space<hbm>> -> memref<16xf32, #tpu.memory_space<hbm>>
      %dma_wait3A_53 = tpu.memref_slice %arg4[%mul3A_49] : memref<512xf32, #tpu.memory_space<hbm>> -> memref<16xf32, #tpu.memory_space<hbm>>
      tpu.wait_dma2 semaphore(%run_scoped3A : memref<!tpu.dma_semaphore, #tpu.memory_space<semaphore_mem>>) src(%arg8 : memref<16xf32, #tpu.memory_space<vmem>>) dst(%dma_wait3A_53 : memref<16xf32, #tpu.memory_space<hbm>>)
      tpu.yield
    }) : () -> ()
    %mul3A_50 = arith.constant 16 : i32
    %mul3A_51 = arith.muli %add3A, %mul3A_50 : i32
    "tpu.region"() ({
      %run_scoped3A = tpu.sem_alloc : memref<!tpu.dma_semaphore, #tpu.memory_space<semaphore_mem>>
      %dma_start3A = tpu.memref_slice %arg5[%mul3A_51] : memref<512xi32, #tpu.memory_space<hbm>> -> memref<16xi32, #tpu.memory_space<hbm>>
      %dma_start3A_52 = tpu.memref_slice %arg5[%mul3A_51] : memref<512xi32, #tpu.memory_space<hbm>> -> memref<16xi32, #tpu.memory_space<hbm>>
      tpu.enqueue_dma source(%arg9 : memref<16xi32, #tpu.memory_space<vmem>>) target(%dma_start3A_52 : memref<16xi32, #tpu.memory_space<hbm>>) target_semaphore(%run_scoped3A : memref<!tpu.dma_semaphore, #tpu.memory_space<semaphore_mem>>)
      %dma_wait3A = tpu.memref_slice %arg5[%mul3A_51] : memref<512xi32, #tpu.memory_space<hbm>> -> memref<16xi32, #tpu.memory_space<hbm>>
      %dma_wait3A_53 = tpu.memref_slice %arg5[%mul3A_51] : memref<512xi32, #tpu.memory_space<hbm>> -> memref<16xi32, #tpu.memory_space<hbm>>
      tpu.wait_dma2 semaphore(%run_scoped3A : memref<!tpu.dma_semaphore, #tpu.memory_space<semaphore_mem>>) src(%arg9 : memref<16xi32, #tpu.memory_space<vmem>>) dst(%dma_wait3A_53 : memref<16xi32, #tpu.memory_space<hbm>>)
      tpu.yield
    }) : () -> ()
    return
  }
}

module attributes {stable_mosaic.version = 14 : i64} {
  func.func @_ce_body(%arg0: i32, %arg1: i32, %arg2: memref<1x19x256x512xf32, #tpu.memory_space<vmem>>, %arg3: memref<1x256x512xi32, #tpu.memory_space<vmem>>, %arg4: memref<1x256x512xf32, #tpu.memory_space<vmem>>, %arg5: memref<1x1xi32, #tpu.memory_space<smem>>) attributes {dimension_semantics = [#tpu.dimension_semantics<arbitrary>, #tpu.dimension_semantics<arbitrary>], iteration_bounds = array<i64: 8, 2>, scalar_prefetch = 0 : i64, scratch_operands = 0 : i64, tpu.core_type = #tpu.core_type<tc>, window_params = [{transform_indices = @transform_0, window_bounds = array<i64: 1, 19, 256, 512>}, {transform_indices = @transform_1, window_bounds = array<i64: 1, 256, 512>}, {transform_indices = @transform_2, window_bounds = array<i64: 1, 256, 512>}, {transform_indices = @transform_3, window_bounds = array<i64: 1, 1>}]} {
    %eq3A = arith.constant 0 : i32
    %eq3A_0 = arith.cmpi eq, %arg0, %eq3A : i32
    %eq3A_1 = arith.constant 0 : i32
    %eq3A_2 = arith.cmpi eq, %arg1, %eq3A_1 : i32
    %and3A = arith.andi %eq3A_0, %eq3A_2 : i1
    %convert_element_type3A = arith.extui %and3A : i1 to i32
    %cond3A = arith.constant 0 : i32
    %cond3A_3 = arith.cmpi ne, %convert_element_type3A, %cond3A : i32
    scf.if %cond3A_3 {
      %swap3A_248 = arith.constant 0 : i32
      %swap3A_249 = arith.constant 0 : index
      %swap3A_250 = arith.constant 0 : index
      %swap3A_251 = memref.load %arg5[%swap3A_249, %swap3A_250] : memref<1x1xi32, #tpu.memory_space<smem>>
      memref.store %swap3A_248, %arg5[%swap3A_249, %swap3A_250] : memref<1x1xi32, #tpu.memory_space<smem>>
    } else {
    }
    %get3A = arith.constant 0 : index
    %get3A_4 = arith.constant 0 : index
    %get3A_5 = arith.constant 0 : index
    %get3A_6 = vector.load %arg3[%get3A, %get3A_4, %get3A_5] : memref<1x256x512xi32, #tpu.memory_space<vmem>>, vector<1x256x512xi32>
    %get3A_7 = vector.shape_cast %get3A_6 : vector<1x256x512xi32> to vector<256x512xi32>
    %get3A_8 = arith.constant 0 : index
    %get3A_9 = arith.constant 0 : index
    %get3A_10 = arith.constant 0 : index
    %get3A_11 = arith.constant 0 : index
    %get3A_12 = vector.load %arg2[%get3A_8, %get3A_9, %get3A_10, %get3A_11] : memref<1x19x256x512xf32, #tpu.memory_space<vmem>>, vector<1x1x256x512xf32>
    %get3A_13 = vector.shape_cast %get3A_12 : vector<1x1x256x512xf32> to vector<256x512xf32>
    %exp3A = math.exp %get3A_13 : vector<256x512xf32>
    %get3A_14 = arith.constant 0 : index
    %get3A_15 = arith.constant 1 : index
    %get3A_16 = arith.constant 0 : index
    %get3A_17 = arith.constant 0 : index
    %get3A_18 = vector.load %arg2[%get3A_14, %get3A_15, %get3A_16, %get3A_17] : memref<1x19x256x512xf32, #tpu.memory_space<vmem>>, vector<1x1x256x512xf32>
    %get3A_19 = vector.shape_cast %get3A_18 : vector<1x1x256x512xf32> to vector<256x512xf32>
    %exp3A_20 = math.exp %get3A_19 : vector<256x512xf32>
    %add3A = arith.addf %exp3A, %exp3A_20 : vector<256x512xf32>
    %eq3A_21 = arith.constant 1 : i32
    %eq3A_22 = vector.broadcast %eq3A_21 : i32 to vector<256x512xi32>
    %eq3A_23 = arith.cmpi eq, %get3A_7, %eq3A_22 : vector<256x512xi32>
    %select_n3A = arith.select %eq3A_23, %get3A_19, %get3A_13 : vector<256x512xi1>, vector<256x512xf32>
    %get3A_24 = arith.constant 0 : index
    %get3A_25 = arith.constant 2 : index
    %get3A_26 = arith.constant 0 : index
    %get3A_27 = arith.constant 0 : index
    %get3A_28 = vector.load %arg2[%get3A_24, %get3A_25, %get3A_26, %get3A_27] : memref<1x19x256x512xf32, #tpu.memory_space<vmem>>, vector<1x1x256x512xf32>
    %get3A_29 = vector.shape_cast %get3A_28 : vector<1x1x256x512xf32> to vector<256x512xf32>
    %exp3A_30 = math.exp %get3A_29 : vector<256x512xf32>
    %add3A_31 = arith.addf %add3A, %exp3A_30 : vector<256x512xf32>
    %eq3A_32 = arith.constant 2 : i32
    %eq3A_33 = vector.broadcast %eq3A_32 : i32 to vector<256x512xi32>
    %eq3A_34 = arith.cmpi eq, %get3A_7, %eq3A_33 : vector<256x512xi32>
    %select_n3A_35 = arith.select %eq3A_34, %get3A_29, %select_n3A : vector<256x512xi1>, vector<256x512xf32>
    %get3A_36 = arith.constant 0 : index
    %get3A_37 = arith.constant 3 : index
    %get3A_38 = arith.constant 0 : index
    %get3A_39 = arith.constant 0 : index
    %get3A_40 = vector.load %arg2[%get3A_36, %get3A_37, %get3A_38, %get3A_39] : memref<1x19x256x512xf32, #tpu.memory_space<vmem>>, vector<1x1x256x512xf32>
    %get3A_41 = vector.shape_cast %get3A_40 : vector<1x1x256x512xf32> to vector<256x512xf32>
    %exp3A_42 = math.exp %get3A_41 : vector<256x512xf32>
    %add3A_43 = arith.addf %add3A_31, %exp3A_42 : vector<256x512xf32>
    %eq3A_44 = arith.constant 3 : i32
    %eq3A_45 = vector.broadcast %eq3A_44 : i32 to vector<256x512xi32>
    %eq3A_46 = arith.cmpi eq, %get3A_7, %eq3A_45 : vector<256x512xi32>
    %select_n3A_47 = arith.select %eq3A_46, %get3A_41, %select_n3A_35 : vector<256x512xi1>, vector<256x512xf32>
    %get3A_48 = arith.constant 0 : index
    %get3A_49 = arith.constant 4 : index
    %get3A_50 = arith.constant 0 : index
    %get3A_51 = arith.constant 0 : index
    %get3A_52 = vector.load %arg2[%get3A_48, %get3A_49, %get3A_50, %get3A_51] : memref<1x19x256x512xf32, #tpu.memory_space<vmem>>, vector<1x1x256x512xf32>
    %get3A_53 = vector.shape_cast %get3A_52 : vector<1x1x256x512xf32> to vector<256x512xf32>
    %exp3A_54 = math.exp %get3A_53 : vector<256x512xf32>
    %add3A_55 = arith.addf %add3A_43, %exp3A_54 : vector<256x512xf32>
    %eq3A_56 = arith.constant 4 : i32
    %eq3A_57 = vector.broadcast %eq3A_56 : i32 to vector<256x512xi32>
    %eq3A_58 = arith.cmpi eq, %get3A_7, %eq3A_57 : vector<256x512xi32>
    %select_n3A_59 = arith.select %eq3A_58, %get3A_53, %select_n3A_47 : vector<256x512xi1>, vector<256x512xf32>
    %get3A_60 = arith.constant 0 : index
    %get3A_61 = arith.constant 5 : index
    %get3A_62 = arith.constant 0 : index
    %get3A_63 = arith.constant 0 : index
    %get3A_64 = vector.load %arg2[%get3A_60, %get3A_61, %get3A_62, %get3A_63] : memref<1x19x256x512xf32, #tpu.memory_space<vmem>>, vector<1x1x256x512xf32>
    %get3A_65 = vector.shape_cast %get3A_64 : vector<1x1x256x512xf32> to vector<256x512xf32>
    %exp3A_66 = math.exp %get3A_65 : vector<256x512xf32>
    %add3A_67 = arith.addf %add3A_55, %exp3A_66 : vector<256x512xf32>
    %eq3A_68 = arith.constant 5 : i32
    %eq3A_69 = vector.broadcast %eq3A_68 : i32 to vector<256x512xi32>
    %eq3A_70 = arith.cmpi eq, %get3A_7, %eq3A_69 : vector<256x512xi32>
    %select_n3A_71 = arith.select %eq3A_70, %get3A_65, %select_n3A_59 : vector<256x512xi1>, vector<256x512xf32>
    %get3A_72 = arith.constant 0 : index
    %get3A_73 = arith.constant 6 : index
    %get3A_74 = arith.constant 0 : index
    %get3A_75 = arith.constant 0 : index
    %get3A_76 = vector.load %arg2[%get3A_72, %get3A_73, %get3A_74, %get3A_75] : memref<1x19x256x512xf32, #tpu.memory_space<vmem>>, vector<1x1x256x512xf32>
    %get3A_77 = vector.shape_cast %get3A_76 : vector<1x1x256x512xf32> to vector<256x512xf32>
    %exp3A_78 = math.exp %get3A_77 : vector<256x512xf32>
    %add3A_79 = arith.addf %add3A_67, %exp3A_78 : vector<256x512xf32>
    %eq3A_80 = arith.constant 6 : i32
    %eq3A_81 = vector.broadcast %eq3A_80 : i32 to vector<256x512xi32>
    %eq3A_82 = arith.cmpi eq, %get3A_7, %eq3A_81 : vector<256x512xi32>
    %select_n3A_83 = arith.select %eq3A_82, %get3A_77, %select_n3A_71 : vector<256x512xi1>, vector<256x512xf32>
    %get3A_84 = arith.constant 0 : index
    %get3A_85 = arith.constant 7 : index
    %get3A_86 = arith.constant 0 : index
    %get3A_87 = arith.constant 0 : index
    %get3A_88 = vector.load %arg2[%get3A_84, %get3A_85, %get3A_86, %get3A_87] : memref<1x19x256x512xf32, #tpu.memory_space<vmem>>, vector<1x1x256x512xf32>
    %get3A_89 = vector.shape_cast %get3A_88 : vector<1x1x256x512xf32> to vector<256x512xf32>
    %exp3A_90 = math.exp %get3A_89 : vector<256x512xf32>
    %add3A_91 = arith.addf %add3A_79, %exp3A_90 : vector<256x512xf32>
    %eq3A_92 = arith.constant 7 : i32
    %eq3A_93 = vector.broadcast %eq3A_92 : i32 to vector<256x512xi32>
    %eq3A_94 = arith.cmpi eq, %get3A_7, %eq3A_93 : vector<256x512xi32>
    %select_n3A_95 = arith.select %eq3A_94, %get3A_89, %select_n3A_83 : vector<256x512xi1>, vector<256x512xf32>
    %get3A_96 = arith.constant 0 : index
    %get3A_97 = arith.constant 8 : index
    %get3A_98 = arith.constant 0 : index
    %get3A_99 = arith.constant 0 : index
    %get3A_100 = vector.load %arg2[%get3A_96, %get3A_97, %get3A_98, %get3A_99] : memref<1x19x256x512xf32, #tpu.memory_space<vmem>>, vector<1x1x256x512xf32>
    %get3A_101 = vector.shape_cast %get3A_100 : vector<1x1x256x512xf32> to vector<256x512xf32>
    %exp3A_102 = math.exp %get3A_101 : vector<256x512xf32>
    %add3A_103 = arith.addf %add3A_91, %exp3A_102 : vector<256x512xf32>
    %eq3A_104 = arith.constant 8 : i32
    %eq3A_105 = vector.broadcast %eq3A_104 : i32 to vector<256x512xi32>
    %eq3A_106 = arith.cmpi eq, %get3A_7, %eq3A_105 : vector<256x512xi32>
    %select_n3A_107 = arith.select %eq3A_106, %get3A_101, %select_n3A_95 : vector<256x512xi1>, vector<256x512xf32>
    %get3A_108 = arith.constant 0 : index
    %get3A_109 = arith.constant 9 : index
    %get3A_110 = arith.constant 0 : index
    %get3A_111 = arith.constant 0 : index
    %get3A_112 = vector.load %arg2[%get3A_108, %get3A_109, %get3A_110, %get3A_111] : memref<1x19x256x512xf32, #tpu.memory_space<vmem>>, vector<1x1x256x512xf32>
    %get3A_113 = vector.shape_cast %get3A_112 : vector<1x1x256x512xf32> to vector<256x512xf32>
    %exp3A_114 = math.exp %get3A_113 : vector<256x512xf32>
    %add3A_115 = arith.addf %add3A_103, %exp3A_114 : vector<256x512xf32>
    %eq3A_116 = arith.constant 9 : i32
    %eq3A_117 = vector.broadcast %eq3A_116 : i32 to vector<256x512xi32>
    %eq3A_118 = arith.cmpi eq, %get3A_7, %eq3A_117 : vector<256x512xi32>
    %select_n3A_119 = arith.select %eq3A_118, %get3A_113, %select_n3A_107 : vector<256x512xi1>, vector<256x512xf32>
    %get3A_120 = arith.constant 0 : index
    %get3A_121 = arith.constant 10 : index
    %get3A_122 = arith.constant 0 : index
    %get3A_123 = arith.constant 0 : index
    %get3A_124 = vector.load %arg2[%get3A_120, %get3A_121, %get3A_122, %get3A_123] : memref<1x19x256x512xf32, #tpu.memory_space<vmem>>, vector<1x1x256x512xf32>
    %get3A_125 = vector.shape_cast %get3A_124 : vector<1x1x256x512xf32> to vector<256x512xf32>
    %exp3A_126 = math.exp %get3A_125 : vector<256x512xf32>
    %add3A_127 = arith.addf %add3A_115, %exp3A_126 : vector<256x512xf32>
    %eq3A_128 = arith.constant 10 : i32
    %eq3A_129 = vector.broadcast %eq3A_128 : i32 to vector<256x512xi32>
    %eq3A_130 = arith.cmpi eq, %get3A_7, %eq3A_129 : vector<256x512xi32>
    %select_n3A_131 = arith.select %eq3A_130, %get3A_125, %select_n3A_119 : vector<256x512xi1>, vector<256x512xf32>
    %get3A_132 = arith.constant 0 : index
    %get3A_133 = arith.constant 11 : index
    %get3A_134 = arith.constant 0 : index
    %get3A_135 = arith.constant 0 : index
    %get3A_136 = vector.load %arg2[%get3A_132, %get3A_133, %get3A_134, %get3A_135] : memref<1x19x256x512xf32, #tpu.memory_space<vmem>>, vector<1x1x256x512xf32>
    %get3A_137 = vector.shape_cast %get3A_136 : vector<1x1x256x512xf32> to vector<256x512xf32>
    %exp3A_138 = math.exp %get3A_137 : vector<256x512xf32>
    %add3A_139 = arith.addf %add3A_127, %exp3A_138 : vector<256x512xf32>
    %eq3A_140 = arith.constant 11 : i32
    %eq3A_141 = vector.broadcast %eq3A_140 : i32 to vector<256x512xi32>
    %eq3A_142 = arith.cmpi eq, %get3A_7, %eq3A_141 : vector<256x512xi32>
    %select_n3A_143 = arith.select %eq3A_142, %get3A_137, %select_n3A_131 : vector<256x512xi1>, vector<256x512xf32>
    %get3A_144 = arith.constant 0 : index
    %get3A_145 = arith.constant 12 : index
    %get3A_146 = arith.constant 0 : index
    %get3A_147 = arith.constant 0 : index
    %get3A_148 = vector.load %arg2[%get3A_144, %get3A_145, %get3A_146, %get3A_147] : memref<1x19x256x512xf32, #tpu.memory_space<vmem>>, vector<1x1x256x512xf32>
    %get3A_149 = vector.shape_cast %get3A_148 : vector<1x1x256x512xf32> to vector<256x512xf32>
    %exp3A_150 = math.exp %get3A_149 : vector<256x512xf32>
    %add3A_151 = arith.addf %add3A_139, %exp3A_150 : vector<256x512xf32>
    %eq3A_152 = arith.constant 12 : i32
    %eq3A_153 = vector.broadcast %eq3A_152 : i32 to vector<256x512xi32>
    %eq3A_154 = arith.cmpi eq, %get3A_7, %eq3A_153 : vector<256x512xi32>
    %select_n3A_155 = arith.select %eq3A_154, %get3A_149, %select_n3A_143 : vector<256x512xi1>, vector<256x512xf32>
    %get3A_156 = arith.constant 0 : index
    %get3A_157 = arith.constant 13 : index
    %get3A_158 = arith.constant 0 : index
    %get3A_159 = arith.constant 0 : index
    %get3A_160 = vector.load %arg2[%get3A_156, %get3A_157, %get3A_158, %get3A_159] : memref<1x19x256x512xf32, #tpu.memory_space<vmem>>, vector<1x1x256x512xf32>
    %get3A_161 = vector.shape_cast %get3A_160 : vector<1x1x256x512xf32> to vector<256x512xf32>
    %exp3A_162 = math.exp %get3A_161 : vector<256x512xf32>
    %add3A_163 = arith.addf %add3A_151, %exp3A_162 : vector<256x512xf32>
    %eq3A_164 = arith.constant 13 : i32
    %eq3A_165 = vector.broadcast %eq3A_164 : i32 to vector<256x512xi32>
    %eq3A_166 = arith.cmpi eq, %get3A_7, %eq3A_165 : vector<256x512xi32>
    %select_n3A_167 = arith.select %eq3A_166, %get3A_161, %select_n3A_155 : vector<256x512xi1>, vector<256x512xf32>
    %get3A_168 = arith.constant 0 : index
    %get3A_169 = arith.constant 14 : index
    %get3A_170 = arith.constant 0 : index
    %get3A_171 = arith.constant 0 : index
    %get3A_172 = vector.load %arg2[%get3A_168, %get3A_169, %get3A_170, %get3A_171] : memref<1x19x256x512xf32, #tpu.memory_space<vmem>>, vector<1x1x256x512xf32>
    %get3A_173 = vector.shape_cast %get3A_172 : vector<1x1x256x512xf32> to vector<256x512xf32>
    %exp3A_174 = math.exp %get3A_173 : vector<256x512xf32>
    %add3A_175 = arith.addf %add3A_163, %exp3A_174 : vector<256x512xf32>
    %eq3A_176 = arith.constant 14 : i32
    %eq3A_177 = vector.broadcast %eq3A_176 : i32 to vector<256x512xi32>
    %eq3A_178 = arith.cmpi eq, %get3A_7, %eq3A_177 : vector<256x512xi32>
    %select_n3A_179 = arith.select %eq3A_178, %get3A_173, %select_n3A_167 : vector<256x512xi1>, vector<256x512xf32>
    %get3A_180 = arith.constant 0 : index
    %get3A_181 = arith.constant 15 : index
    %get3A_182 = arith.constant 0 : index
    %get3A_183 = arith.constant 0 : index
    %get3A_184 = vector.load %arg2[%get3A_180, %get3A_181, %get3A_182, %get3A_183] : memref<1x19x256x512xf32, #tpu.memory_space<vmem>>, vector<1x1x256x512xf32>
    %get3A_185 = vector.shape_cast %get3A_184 : vector<1x1x256x512xf32> to vector<256x512xf32>
    %exp3A_186 = math.exp %get3A_185 : vector<256x512xf32>
    %add3A_187 = arith.addf %add3A_175, %exp3A_186 : vector<256x512xf32>
    %eq3A_188 = arith.constant 15 : i32
    %eq3A_189 = vector.broadcast %eq3A_188 : i32 to vector<256x512xi32>
    %eq3A_190 = arith.cmpi eq, %get3A_7, %eq3A_189 : vector<256x512xi32>
    %select_n3A_191 = arith.select %eq3A_190, %get3A_185, %select_n3A_179 : vector<256x512xi1>, vector<256x512xf32>
    %get3A_192 = arith.constant 0 : index
    %get3A_193 = arith.constant 16 : index
    %get3A_194 = arith.constant 0 : index
    %get3A_195 = arith.constant 0 : index
    %get3A_196 = vector.load %arg2[%get3A_192, %get3A_193, %get3A_194, %get3A_195] : memref<1x19x256x512xf32, #tpu.memory_space<vmem>>, vector<1x1x256x512xf32>
    %get3A_197 = vector.shape_cast %get3A_196 : vector<1x1x256x512xf32> to vector<256x512xf32>
    %exp3A_198 = math.exp %get3A_197 : vector<256x512xf32>
    %add3A_199 = arith.addf %add3A_187, %exp3A_198 : vector<256x512xf32>
    %eq3A_200 = arith.constant 16 : i32
    %eq3A_201 = vector.broadcast %eq3A_200 : i32 to vector<256x512xi32>
    %eq3A_202 = arith.cmpi eq, %get3A_7, %eq3A_201 : vector<256x512xi32>
    %select_n3A_203 = arith.select %eq3A_202, %get3A_197, %select_n3A_191 : vector<256x512xi1>, vector<256x512xf32>
    %get3A_204 = arith.constant 0 : index
    %get3A_205 = arith.constant 17 : index
    %get3A_206 = arith.constant 0 : index
    %get3A_207 = arith.constant 0 : index
    %get3A_208 = vector.load %arg2[%get3A_204, %get3A_205, %get3A_206, %get3A_207] : memref<1x19x256x512xf32, #tpu.memory_space<vmem>>, vector<1x1x256x512xf32>
    %get3A_209 = vector.shape_cast %get3A_208 : vector<1x1x256x512xf32> to vector<256x512xf32>
    %exp3A_210 = math.exp %get3A_209 : vector<256x512xf32>
    %add3A_211 = arith.addf %add3A_199, %exp3A_210 : vector<256x512xf32>
    %eq3A_212 = arith.constant 17 : i32
    %eq3A_213 = vector.broadcast %eq3A_212 : i32 to vector<256x512xi32>
    %eq3A_214 = arith.cmpi eq, %get3A_7, %eq3A_213 : vector<256x512xi32>
    %select_n3A_215 = arith.select %eq3A_214, %get3A_209, %select_n3A_203 : vector<256x512xi1>, vector<256x512xf32>
    %get3A_216 = arith.constant 0 : index
    %get3A_217 = arith.constant 18 : index
    %get3A_218 = arith.constant 0 : index
    %get3A_219 = arith.constant 0 : index
    %get3A_220 = vector.load %arg2[%get3A_216, %get3A_217, %get3A_218, %get3A_219] : memref<1x19x256x512xf32, #tpu.memory_space<vmem>>, vector<1x1x256x512xf32>
    %get3A_221 = vector.shape_cast %get3A_220 : vector<1x1x256x512xf32> to vector<256x512xf32>
    %exp3A_222 = math.exp %get3A_221 : vector<256x512xf32>
    %add3A_223 = arith.addf %add3A_211, %exp3A_222 : vector<256x512xf32>
    %eq3A_224 = arith.constant 18 : i32
    %eq3A_225 = vector.broadcast %eq3A_224 : i32 to vector<256x512xi32>
    %eq3A_226 = arith.cmpi eq, %get3A_7, %eq3A_225 : vector<256x512xi32>
    %select_n3A_227 = arith.select %eq3A_226, %get3A_221, %select_n3A_215 : vector<256x512xi1>, vector<256x512xf32>
    %log3A = math.log %add3A_223 : vector<256x512xf32>
    %ne3A = arith.constant -1 : i32
    %ne3A_228 = vector.broadcast %ne3A : i32 to vector<256x512xi32>
    %ne3A_229 = arith.cmpi ne, %get3A_7, %ne3A_228 : vector<256x512xi32>
    %sub3A = arith.subf %log3A, %select_n3A_227 : vector<256x512xf32>
    %jit3A = arith.constant 0xFF800000 : f32
    %broadcast_in_dim3A = vector.broadcast %jit3A : f32 to vector<256x512xf32>
    %select_n3A_230 = arith.select %ne3A_229, %sub3A, %broadcast_in_dim3A : vector<256x512xi1>, vector<256x512xf32>
    %swap3A = arith.constant 0 : index
    %swap3A_231 = arith.constant 0 : index
    %swap3A_232 = arith.constant 0 : index
    %swap3A_233 = vector.load %arg4[%swap3A, %swap3A_231, %swap3A_232] : memref<1x256x512xf32, #tpu.memory_space<vmem>>, vector<1x256x512xf32>
    %swap3A_234 = vector.shape_cast %swap3A_233 : vector<1x256x512xf32> to vector<256x512xf32>
    %swap3A_235 = vector.shape_cast %select_n3A_230 : vector<256x512xf32> to vector<1x256x512xf32>
    tpu.vector_store %arg4[%swap3A, %swap3A_231, %swap3A_232], %swap3A_235 {strides = array<i32>} : memref<1x256x512xf32, #tpu.memory_space<vmem>>, vector<1x256x512xf32>,
    %get3A_236 = arith.constant 0 : index
    %get3A_237 = arith.constant 0 : index
    %get3A_238 = memref.load %arg5[%get3A_236, %get3A_237] : memref<1x1xi32, #tpu.memory_space<smem>>
    %convert_element_type3A_239 = arith.extui %ne3A_229 : vector<256x512xi1> to vector<256x512xi32>
    %reduce_sum3A = vector.shape_cast %convert_element_type3A_239 : vector<256x512xi32> to vector<1x256x512xi32>
    %reduce_sum3A_240 = arith.constant dense<0> : vector<1xi32>
    %reduce_sum3A_241 = vector.multi_reduction <add>, %reduce_sum3A, %reduce_sum3A_240 [1, 2] : vector<1x256x512xi32> to vector<1xi32>
    %reduce_sum3A_242 = vector.shape_cast %reduce_sum3A_241 : vector<1xi32> to vector<1x1x1xi32>
    %reduce_sum3A_243 = vector.extract %reduce_sum3A_242[0, 0, 0] : i32 from vector<1x1x1xi32>
    %add3A_244 = arith.addi %get3A_238, %reduce_sum3A_243 : i32
    %swap3A_245 = arith.constant 0 : index
    %swap3A_246 = arith.constant 0 : index
    %swap3A_247 = memref.load %arg5[%swap3A_245, %swap3A_246] : memref<1x1xi32, #tpu.memory_space<smem>>
    memref.store %add3A_244, %arg5[%swap3A_245, %swap3A_246] : memref<1x1xi32, #tpu.memory_space<smem>>
    return
  }
  func.func @transform_0(%arg0: i32, %arg1: i32) -> (i32, i32, i32, i32) {
    %c0_i32 = arith.constant 0 : i32
    %c0_i32_0 = arith.constant 0 : i32
    %c0_i32_1 = arith.constant 0 : i32
    return %arg0, %c0_i32, %arg1, %c0_i32_0 : i32, i32, i32, i32
  }
  func.func @transform_1(%arg0: i32, %arg1: i32) -> (i32, i32, i32) {
    %c0_i32 = arith.constant 0 : i32
    %c0_i32_0 = arith.constant 0 : i32
    return %arg0, %arg1, %c0_i32 : i32, i32, i32
  }
  func.func @transform_2(%arg0: i32, %arg1: i32) -> (i32, i32, i32) {
    %c0_i32 = arith.constant 0 : i32
    %c0_i32_0 = arith.constant 0 : i32
    return %arg0, %arg1, %c0_i32 : i32, i32, i32
  }
  func.func @transform_3(%arg0: i32, %arg1: i32) -> (i32, i32) {
    %c0_i32 = arith.constant 0 : i32
    %c0_i32_0 = arith.constant 0 : i32
    %c0_i32_1 = arith.constant 0 : i32
    return %c0_i32, %c0_i32_0 : i32, i32
  }
}

</mosaic_0001>

<sc_bundles>
// kernel: body.5.cloned.1.call-start
scs
__scs_entry_jumppad:
0x0: {  	(pc) =	sbr.rel $0x88, $3  }
0x1: {  	(tag) =	ssettag $0x0;
	lr =	simm.s32 $0x1  }
0x2: {  	[smem:$0x3F9F] =	sst lr;
	_ =	strace $0xD0000000  }
0x3: {  	_ = 	snop  }
0x4: {  	_ = 	snop  }
0x5: {  	_ = 	snop  }
0x6: {  	_ = 	snop  }
0x7: {  	_ = 	snop  }
__scs_overlays_trampoline_lowered:
0x8: {  	[smem:$0x3FAE] =	sst s0  }
0x9: {  	[smem:$0x3FAF] =	sst s1  }
0xa: {  	[smem:$0x3FB0] =	sst s2  }
0xb: {  	[smem:$0x3FB1] =	sst s3  }
0xc: {  	[smem:$0x3FB2] =	sst s4  }
0xd: {  	[smem:$0x3FB3] =	sst s5  }
0xe: {  	[smem:$0x3FB4] =	sst s6  }
0xf: {  	[smem:$0x3FB5] =	sst s7  }
0x10: {  	[smem:$0x3FB6] =	sst s8  }
0x11: {  	[smem:$0x3FB7] =	sst s9;
	s0 =	simm.s32 @!p0 $0x0  }
0x12: {  	s1 =	sld [smem:$0x3F9D];
	s0 =	simm.s32 @p0 $0x1  }
0x13: {  	[smem:$0x3FB8] =	sst s0;
	s0 =	simm.s32 @!p1 $0x0  }
0x14: {  	s2 =	sld [smem:$0x3F9C];
	s0 =	simm.s32 @p1 $0x1  }
0x15: {  	[smem:$0x3FB9] =	sst s0;
	s0 =	simm.s32 @!p2 $0x0  }
0x16: {  	s3 =	sld [smem:$0x3FDB];
	s0 =	simm.s32 @p2 $0x1  }
0x17: {  	s4 =	simm.s32 $0x1BF5;
	[smem:$0x3FBB] =	sst s0  }
0x18: {  	s0 =	sld [smem:$0x3F9E];
	_ =	swait.ge [sflag:s4], $0x0  }
0x19: {  	s7 =	sld [smem:$0x3F9F]  }
0x1a: {  	s8 =	sadd.s32 $0xFFFFE003, lr  }
0x1b: {  	s9 =	sadd.s32 $0xFFFFFEF7, lr;
	s5 =	simm.s32 $0xFFFFFFFF;
	p2 =	slt.u32 s8, $0xFFFFF086  }
0x1c: {  	p1 =	slt.u32 s9, $0xF7A;
	s5 =	simm.s32 @!p2 $0x0  }
0x1d: {  	s5 =	simm.s32 @p1 $0x1;
	p0 =	seq.s32 s7, s2  }
0x1e: {  	s7 =	smul.u32 @!p0 $0xF7A, s2;
	p2 =	seq.s32 @!p0 s5, $0x0  }
0x1f: {  	s9 =	smul.u32 $0xF7A, s1;
	s8 =	simm.s32 @!p0 $0x1BF5;
	p2 =	por !p2, p0  }
0x20: {  	[sflag:s8] =	ssyncset.s32 @!p0 $0xFFFFF086;
	s6 =	sadd.s32 @!p0 s3, s7;
	s7 =	simm.s32 @!p0 $0x108  }
0x21: {  	s3 =	sadd.s32 s3, s9;
	s6 =	sadd.s32 @!p0 $0x88, s6;
	s7 =	simm.s32 @p2 $0x1082  }
0x22: {  	[simem:s7], [sflag:s8] =	dma.local @!p0 [hbm:s6], $0xF7A  }
0x23: {  	s9 =	sor.u32 $0xD0000000, s2;
	s6 =	simm.s32 $0x108;
	_ =	swait.ge @!p0 [sflag:s8], $0x0  }
0x24: {  	s3 =	sadd.s32 $0x88, s3;
	s6 =	simm.s32 @!p1 $0x1082;
	[sflag:s4] =	ssyncset.s32 $0xFFFFF086  }
0x25: {  	[simem:s6], [sflag:s4] =	dma.local [hbm:s3], $0xF7A  }
0x26: {  	[smem:$0x3F9F] =	sst s1;
	(tag) =	ssettag s2;
	_ =	strace s9  }
0x27: {  	s1 =	sld [smem:$0x3FAF]  }
0x28: {  	s2 =	sld [smem:$0x3FB0]  }
0x29: {  	s4 =	sld [smem:$0x3FB2]  }
0x2a: {  	p0 =	seq.s32 s5, $0x0;
	s5 =	sld [smem:$0x3FB3]  }
0x2b: {  	s6 =	sld [smem:$0x3FB4]  }
0x2c: {  	s7 =	sld [smem:$0x3FB5]  }
0x2d: {  	s3 =	simm.s32 $0x108;
	s8 =	sld [smem:$0x3FB6]  }
0x2e: {  	s3 =	simm.s32 @!p0 $0x1082;
	s9 =	sld [smem:$0x3FB7]  }
0x2f: {  	lr =	sadd.s32 s0, s3;
	s0 =	sld [smem:$0x3FAE]  }
0x30: {  	s3 =	sld [smem:$0x3FB1]  }
0x31: {  	[smem:$0x3FBA] =	sst s10  }
0x32: {  	s10 =	sld [smem:$0x3FB8];
	_ =	sdelay $0x3  }
0x33: {  	p0 =	seq.s32 s10, $0x1;
	s10 =	sld [smem:$0x3FBA];
	_ =	sdelay $0x3  }
0x34: {  	[smem:$0x3FBA] =	sst s10  }
0x35: {  	s10 =	sld [smem:$0x3FB9];
	_ =	sdelay $0x3  }
0x36: {  	p1 =	seq.s32 s10, $0x1;
	s10 =	sld [smem:$0x3FBA];
	_ =	sdelay $0x3  }
0x37: {  	[smem:$0x3FBA] =	sst s10  }
0x38: {  	s10 =	sld [smem:$0x3FBB]  }
0x39: {  	_ = 	snop;
	(pc) =	sbr.ind lr, $3  }
0x3a: {  	_ = 	snop  }
0x3b: {  	_ = 	snop  }
0x3c: {  	p2 =	seq.s32 s10, $0x1;
	s10 =	sld [smem:$0x3FBA]  }
0x3d: {  	_ =	shalt  }
0x3e: {  	_ =	shalt  }
0x3f: {  	_ =	shalt  }
0x40: {  	_ =	shalt  }
0x41: {  	_ =	shalt  }
0x42: {  	_ =	shalt  }
0x43: {  	_ =	shalt  }
0x44: {  	_ =	shalt  }
0x45: {  	_ =	shalt  }
0x46: {  	_ =	shalt  }
0x47: {  	_ =	shalt  }
0x48: {  	_ =	shalt  }
0x49: {  	_ =	shalt  }
0x4a: {  	_ =	shalt  }
0x4b: {  	_ =	shalt  }
0x4c: {  	_ =	shalt  }
0x4d: {  	_ =	shalt  }
0x4e: {  	_ =	shalt  }
0x4f: {  	_ =	shalt  }
0x50: {  	_ =	shalt  }
0x51: {  	_ =	shalt  }
0x52: {  	_ =	shalt  }
0x53: {  	_ =	shalt  }
0x54: {  	_ =	shalt  }
0x55: {  	_ =	shalt  }
0x56: {  	_ =	shalt  }
0x57: {  	_ =	shalt  }
0x58: {  	_ =	shalt  }
0x59: {  	_ =	shalt  }
0x5a: {  	_ =	shalt  }
0x5b: {  	_ =	shalt  }
0x5c: {  	_ =	shalt  }
0x5d: {  	_ =	shalt  }
0x5e: {  	_ =	shalt  }
0x5f: {  	_ =	shalt  }
0x60: {  	_ =	shalt  }
0x61: {  	_ =	shalt  }
0x62: {  	_ =	shalt  }
0x63: {  	_ =	shalt  }
0x64: {  	_ =	shalt  }
0x65: {  	_ =	shalt  }
0x66: {  	_ =	shalt  }
0x67: {  	_ =	shalt  }
0x68: {  	_ =	shalt  }
0x69: {  	_ =	shalt  }
0x6a: {  	_ =	shalt  }
0x6b: {  	_ =	shalt  }
0x6c: {  	_ =	shalt  }
0x6d: {  	_ =	shalt  }
0x6e: {  	_ =	shalt  }
0x6f: {  	_ =	shalt  }
0x70: {  	_ =	shalt  }
0x71: {  	_ =	shalt  }
0x72: {  	_ =	shalt  }
0x73: {  	_ =	shalt  }
0x74: {  	_ =	shalt  }
0x75: {  	_ =	shalt  }
0x76: {  	_ =	shalt  }
0x77: {  	_ =	shalt  }
0x78: {  	_ =	shalt  }
0x79: {  	_ =	shalt  }
0x7a: {  	_ =	shalt  }
0x7b: {  	_ =	shalt  }
0x7c: {  	_ =	shalt  }
0x7d: {  	_ =	shalt  }
0x7e: {  	_ =	shalt  }
0x7f: {  	_ =	shalt  }
0x80: {  	_ =	shalt  }
0x81: {  	_ =	shalt  }
0x82: {  	_ =	shalt  }
0x83: {  	_ =	shalt  }
0x84: {  	_ =	shalt  }
0x85: {  	_ =	shalt  }
0x86: {  	_ =	shalt  }
0x87: {  	_ =	shalt  }
.Lfunc_end0:
.L_simem_size_0:
called_computation_lowered:
.L_overlay_start_0:
0x88: {  	s2 =	sld [smem:$0x3FD9]  }
0x89: {  	s3 =	sld [smem:$0x3FFE];
	_ =	sdelay $0x1  }
0x8a: {  	s1 =	srdreg.scid  }
0x8b: {  	s0 =	sand.u32 $0x1, s1  }
0x8c: {  	s16 =	sshll.u32 s0, $0xA;
	s2 =	sadd.s32 s3, s2  }
0x8d: {  	s2 =	sadd.s32 s2, s16  }
0x8e: {  	[smem:$0x3FC6] =	sst s2  }
0x8f: {  	_ = 	snop  }
0x90: {  	(tm) =	ssettm $0x1  }
0x91: {  	s17 =	sld [smem:$0x3FFB];
	_ =	sdelay $0x3  }
0x92: {  	_ =	strace s17  }
0x93: {  	s2 =	sld [smem:$0x3FFC];
	_ =	sdelay $0x3  }
0x94: {  	_ =	strace s2  }
0x95: {  	s2 =	sld [smem:$0x3FFD];
	_ =	sdelay $0x3  }
0x96: {  	_ =	strace s2  }
0x97: {  	_ =	strace $0x8FFFFFFF  }
0x98: {  	s18 =	sld [smem:$0x3FDB];
	_ =	sdelay $0x1  }
0x99: {  	s19 =	simm.s32 $_scs_section_size  }
0x9a: {  	s4 =	simm.s32 $_size__tile_overlayer_lowered;
	s5 =	simm.s32 $_tile_overlayer_lowered  }
0x9b: {  	s22 =	simm.s32 $0x1BFF;
	s21 =	sshll.u32 s5, $0x1;
	s2 =	sadd.s32 s19, s18  }
0x9c: {  	s6 =	simm.s32 $0x0;
	s20 =	sshll.u32 s4, $0x1;
	s4 =	sadd.s32 s21, s2  }
0x9d: {  	[timem:s6], [sflag:s22] =	dma.local [hbm:s4], s20  }
0x9e: {  	_ =	swait.ge [sflag:s22], s20  }
0x9f: {  	s3 =	ssub.s32 $0x0, s20;
	[sflag:s22] =	ssyncset.done $0x0  }
0xa0: {  	[sflag:s22] =	ssyncadd.s32 s3;
	_ =	sdelay $0x1  }
0xa1: {  	s23 =	simm.s32 $0x1B8B  }
0xa2: {  	_ =	swait.ge [sflag:s23], $0x1  }
0xa3: {  	[sflag:s23] =	ssyncset.done $0x0  }
0xa4: {  	s25 =	simm.s32 $0x1B8E;
	s24 =	sld [smem:$0x3FFE];
	[sflag:s23] =	ssyncadd.s32 $0xFFFFFFFF  }
0xa5: {  	s26 =	simm.s32 $execute0_lowered;
	[smem:$0x3FD2] =	sst s25  }
0xa6: {  	s4 =	sshll.u32 s26, $0x1;
	_ =	strace $0x8000004C;
	[dreg:$0x1] =	wrdreg $0xFFFFFFFF  }
0xa7: {  	s28 =	simm.s32 $_size_execute0_lowered;
	s2 =	sadd.s32 s2, s4;
	[dreg:$0x0] =	wrdreg $0x0  }
0xa8: {  	s4 =	sshll.u32 s28, $0x1;
	[dreg:$0x2] =	wrdreg s2  }
0xa9: {  	[dreg:$0x3] =	wrdreg s4  }
0xaa: {  	[dreg:$0x4] =	wrdreg $0xC0  }
0xab: {  	_ =	task [dreg:s6], $0x5FFFF  }
0xac: {  	[dreg:$0x1] =	wrdreg $0xFFFFFFFF  }
0xad: {  	[dreg:$0x0] =	wrdreg $0x60  }
0xae: {  	[dreg:$0x2] =	wrdreg s24  }
0xaf: {  	[dreg:$0x3] =	wrdreg $0x9  }
0xb0: {  	_ =	task.clear_ibuf [dreg:s6], $0x4FFFF;
	_ =	strace $0x9000004C  }
0xb1: {  	s29 =	simm.s32 $0x9;
	_ =	strace $0x8000004E  }
0xb2: {  	_ =	swait.ge [sflag:s29], $0x1  }
0xb3: {  	[sflag:s29] =	ssyncadd.s32 $0xFFFFFFFF  }
0xb4: {  	_ =	strace $0x9000004E  }
0xb5: {  	_ =	sfence  }
0xb6: {  	s30 =	sld [smem:$0x0];
	_ =	sdelay $0x2  }
0xb7: {  	s31 =	sshll.u32 s1, $0xD;
	s1 =	sshrl.u32 s1, $0x2  }
0xb8: {  	s3 =	sand.u32 $0x4000, s31;
	s1 =	sadd.s32 s1, s30  }
0xb9: {  	s0 =	sor.u32 s3, s0;
	s1 =	sshll.u32 s1, $0x11  }
0xba: {  	s0 =	sor.u32 s1, s0  }
0xbb: {  	s0 =	sadd.s32 $0x8F2B, s0  }
0xbc: {  	[sflag:s0] =	ssyncadd.remote.s32 $0x1  }
0xbd: {  	_ =	sfence.sel $0xFFFF  }
0xbe: {  	[dreg:$0x0] =	wrdreg $0xFFFFFFFF;
	(pc) =	sbr.abs _section_cstart, $3  }
0xbf: {  	[dreg:$0x1] =	wrdreg $0xFFFFFFFF  }
0xc0: {  	_ =	task.clear_ibuf [dreg:s6], $0x2FFFF;
	_ =	strace $0x9FFFFFFF  }
0xc1: {  	(tm) =	ssettm $0x7FFFFFFF  }
tec
execute0_lowered:
.L_overlay_start_1:
0x0: {  	(tag) =	ssettag $0x1  }
0x1: {  	s4 =	rddreg [dreg:$0x0]  }
0x2: {  	s0 =	rddreg [dreg:$0x1];
	s2 =	simm.s32 $0x0;
	s1 =	stileid.u32  }
0x3: {  	s5 =	srdreg.scid;
	s10 =	simm.s32 $0x2080;
	s11 =	simm.s32 $0x2100  }
0x4: {  	s12 =	simm.s32 $0x0;
	[smem:$0x7FF] =	sst s2;
	s3 =	sshll.u32 s1, $0xE  }
0x5: {  	s5 =	sand.u32 $0x1, s5;
	s6 =	sshll.u32 s1, $0x1;
	s3 =	sand.u32 $0x38000, s3  }
0x6: {  	_ =	strace $0x8000004D;
	s6 =	sor.u32 s5, s6;
	s5 =	ssub.s32 $0x2, s5  }
0x7: {  	s7 =	sadd.s32 s3, s4;
	s3 =	sadd.s32 $0x41200, s4;
	s8 =	sshll.u32 s6, $0xD  }
0x8: {  	s6 =	sshll.u32 s6, $0x1;
	s9 =	sshrl.u32 s5, $0x1;
	s8 =	sand.u32 $0x6000, s8  }
0x9: {  	s6 =	sadd.s32 s6, s4;
	s9 =	ssub.s32 s5, s9;
	s31 =	sadd.s32 s8, s7  }
0xa: {  	s5 =	sadd.s32 $0x41400, s6;
	s6 =	sadd.s32 $0x41600, s6;
	s7 =	smax.u32 s9, $0x1  }
0xb: {  	v0 =	vimm.s32 $0x0;
	s8 =	simm.s32 $0x2000;
	s9 =	simm.s32 $0x1;
	s4 =	sadd.s32 $0x800, s31  }
.LBB2_1:
0xc: {  	[tilespmem:s8], [sflag:$0x1] =	stream.linear.gather [hbm4b:s3+s2], $0x80, $0x38;
	[tilespmem:$0x2180] =	vst v63  }
0xd: {  	_ =	swait.ge [sflag:s9], $0x80  }
0xe: {  	[sflag:s9] =	ssyncset.done $0x0  }
0xf: {  	v2 =	vimm.f32 $0.0e+00;
	v5 =	vimm.s32 $0x0;
	s13 =	simm.s32 $0x0;
	[sflag:s9] =	ssyncadd.s32 $0xFFFFFF80  }
.LBB2_2:
0x10: {  	s14 =	sshll.u32 s13, $0xA  }
0x11: {  	s15 =	simm.s32 $0x0;
	s14 =	sadd.s32 s14, s4  }
0x12: {  	[tilespmem:s15], [sflag:$0x1] =	stream.linear.gather [hbm4b:s14+s15], $0x2000, $0x38;
	[tilespmem:$0x2180] =	vst v63  }
0x13: {  	_ =	swait.ge [sflag:s9], $0x2000  }
0x14: {  	[sflag:s9] =	ssyncset.done $0x0  }
0x15: {  	s30 =	sand.u32 $0x1000, s15;
	s15 =	sand.u32 $0x380, s15;
	[sflag:s9] =	ssyncadd.s32 $0xFFFFE000  }
0x16: {  	s14 =	sor.u32 s15, s30;
	v1 =	vld [tilespmem:$0x2000]  }
0x17: {  	v3 =	vld [tilespmem:s14+$0x0];
	_ =	sdelay $0x1  }
0x18: {  	v4 =	vld [tilespmem:s14+$0x10];
	_ =	sdelay $0x1  }
0x19: {  	v6 =	vld [tilespmem:s14+$0x20]  }
0x1a: {  	vm0 =	vgt.f32 v3, v1  }
0x1b: {  	v7 =	vld [tilespmem:s14+$0x30];
	v3 =	vnsel vm0, $0x0, v3  }
0x1c: {  	vm1 =	vgt.f32 v4, v1;
	v2 =	vadd.f32 v3, v2  }
0x1d: {  	v3 =	vnsel vm1, $0x0, v4;
	v4 =	vld [tilespmem:s14+$0x40]  }
0x1e: {  	vm3 =	vgt.f32 v6, v1;
	v2 =	vadd.f32 v3, v2  }
0x1f: {  	v3 =	vnsel vm3, $0x0, v6;
	v6 =	vld [tilespmem:s14+$0x50]  }
0x20: {  	vm2 =	vgt.f32 v7, v1;
	v2 =	vadd.f32 v3, v2  }
0x21: {  	v3 =	vnsel vm2, $0x0, v7;
	v7 =	vld [tilespmem:s14+$0x60]  }
0x22: {  	vm4 =	vgt.f32 v4, v1;
	v2 =	vadd.f32 v3, v2  }
0x23: {  	v3 =	vnsel vm4, $0x0, v4;
	v4 =	vld [tilespmem:s14+$0x70]  }
0x24: {  	vm6 =	vgt.f32 v6, v1;
	v2 =	vadd.f32 v3, v2  }
0x25: {  	v3 =	vnsel vm6, $0x0, v6;
	v6 =	vld [tilespmem:s14+$0x400]  }
0x26: {  	vm5 =	vgt.f32 v7, v1;
	v2 =	vadd.f32 v3, v2  }
0x27: {  	v3 =	vnsel vm5, $0x0, v7;
	v7 =	vld [tilespmem:s14+$0x410]  }
0x28: {  	vm7 =	vgt.f32 v4, v1;
	v2 =	vadd.f32 v3, v2  }
0x29: {  	v3 =	vnsel vm7, $0x0, v4;
	v4 =	vld [tilespmem:s14+$0x420]  }
0x2a: {  	vm8 =	vgt.f32 v6, v1;
	v2 =	vadd.f32 v3, v2  }
0x2b: {  	v3 =	vnsel vm8, $0x0, v6;
	v6 =	vld [tilespmem:s14+$0x430]  }
0x2c: {  	vm9 =	vgt.f32 v7, v1;
	v2 =	vadd.f32 v3, v2  }
0x2d: {  	v3 =	vnsel vm9, $0x0, v7;
	v7 =	vld [tilespmem:s14+$0x440]  }
0x2e: {  	vm10 =	vgt.f32 v4, v1;
	v2 =	vadd.f32 v3, v2  }
0x2f: {  	v8 =	vld [tilespmem:s14+$0x450];
	v3 =	vnsel vm10, $0x0, v4  }
0x30: {  	v9 =	vsel vm0, $0x1, v0;
	vm11 =	vgt.f32 v6, v1;
	v2 =	vadd.f32 v3, v2  }
0x31: {  	v10 =	vsel vm1, $0x1, v0;
	v11 =	vsel vm3, $0x1, v0;
	v3 =	vnsel vm11, $0x0, v6;
	v6 =	vld [tilespmem:s14+$0x460]  }
0x32: {  	v18 =	vld [tilespmem:s14+$0x810];
	v5 =	vadd.s32 v9, v5;
	vm0 =	vgt.f32 v7, v1;
	v3 =	vadd.f32 v3, v2  }
0x33: {  	v12 =	vsel vm2, $0x1, v0;
	v5 =	vadd.s32 v10, v5;
	v4 =	vnsel vm0, $0x0, v7;
	v7 =	vld [tilespmem:s14+$0x470]  }
0x34: {  	vm1 =	vgt.f32 v8, v1;
	v5 =	vadd.s32 v11, v5;
	v3 =	vadd.f32 v4, v3  }
0x35: {  	v8 =	vnsel vm1, $0x0, v8;
	v10 =	vsel vm1, $0x1, v0;
	v5 =	vadd.s32 v12, v5  }
0x36: {  	v15 =	vld [tilespmem:s14+$0x800];
	v13 =	vsel vm4, $0x1, v0;
	vm2 =	vgt.f32 v6, v1;
	v3 =	vadd.f32 v8, v3  }
0x37: {  	vm1 =	vgt.f32 v18, v1;
	v5 =	vadd.s32 v13, v5;
	v6 =	vnsel vm2, $0x0, v6  }
0x38: {  	v14 =	vsel vm6, $0x1, v0;
	vm3 =	vgt.f32 v7, v1;
	v6 =	vadd.f32 v6, v3  }
0x39: {  	v18 =	vnsel vm1, $0x0, v18;
	v5 =	vadd.s32 v14, v5;
	v7 =	vnsel vm3, $0x0, v7  }
0x3a: {  	v16 =	vsel vm7, $0x1, v0;
	v8 =	vsel vm5, $0x1, v0;
	v6 =	vadd.f32 v7, v6;
	v7 =	vld [tilespmem:s14+$0x820]  }
0x3b: {  	v17 =	vsel vm8, $0x1, v0;
	vm5 =	vgt.f32 v15, v1;
	v5 =	vadd.s32 v8, v5  }
0x3c: {  	v9 =	vld [tilespmem:s14+$0x830];
	v19 =	vsel vm9, $0x1, v0;
	v15 =	vnsel vm5, $0x0, v15;
	v5 =	vadd.s32 v16, v5  }
0x3d: {  	v20 =	vsel vm10, $0x1, v0;
	v5 =	vadd.s32 v17, v5;
	v6 =	vadd.f32 v15, v6  }
0x3e: {  	v11 =	vld [tilespmem:s14+$0x840];
	v21 =	vsel vm11, $0x1, v0;
	v22 =	vsel vm0, $0x1, v0;
	v5 =	vadd.s32 v19, v5  }
0x3f: {  	v5 =	vadd.s32 v20, v5;
	v6 =	vadd.f32 v18, v6;
	vm4 =	vgt.f32 v7, v1  }
0x40: {  	v53 =	vld [tilespmem:s14+$0x850];
	v54 =	vsel vm5, $0x1, v0;
	v5 =	vadd.s32 v21, v5;
	v7 =	vnsel vm4, $0x0, v7  }
0x41: {  	v63 =	vld [tilespmem:s14+$0xC40];
	vm5 =	vgt.f32 v9, v1;
	v5 =	vadd.s32 v22, v5;
	v6 =	vadd.f32 v7, v6  }
0x42: {  	v55 =	vld [tilespmem:s14+$0x860];
	v51 =	vsel vm2, $0x1, v0;
	v8 =	vnsel vm5, $0x0, v9;
	v5 =	vadd.s32 v10, v5  }
0x43: {  	v61 =	vld [tilespmem:s14+$0xC30];
	v7 =	vsel vm1, $0x1, v0;
	vm1 =	vgt.f32 v11, v1;
	v6 =	vadd.f32 v8, v6  }
0x44: {  	v52 =	vsel vm3, $0x1, v0;
	v9 =	vld [tilespmem:s14+$0x870];
	v5 =	vadd.s32 v51, v5;
	v11 =	vnsel vm1, $0x0, v11  }
0x45: {  	v8 =	vsel vm4, $0x1, v0;
	vm4 =	vgt.f32 v53, v1;
	v6 =	vadd.f32 v11, v6  }
0x46: {  	v56 =	vld [tilespmem:s14+$0xC00];
	vm12 =	vgt.f32 v63, v1;
	v5 =	vadd.s32 v52, v5;
	v57 =	vnsel vm4, $0x0, v53  }
0x47: {  	v2 =	vld [tilespmem:s14+$0xC70];
	v11 =	vsel vm5, $0x1, v0;
	vm5 =	vgt.f32 v55, v1;
	v6 =	vadd.f32 v57, v6  }
0x48: {  	v58 =	vld [tilespmem:s14+$0xC10];
	vm8 =	vgt.f32 v61, v1;
	v5 =	vadd.s32 v54, v5;
	v14 =	vnsel vm5, $0x0, v55  }
0x49: {  	v4 =	vld [tilespmem:s14+$0xC50];
	v59 =	vsel vm1, $0x1, v0;
	vm1 =	vgt.f32 v9, v1;
	v6 =	vadd.f32 v14, v6  }
0x4a: {  	v10 =	vld [tilespmem:s14+$0xC20];
	v5 =	vadd.s32 v7, v5;
	v9 =	vnsel vm1, $0x0, v9;
	v60 =	vsel vm4, $0x1, v0  }
0x4b: {  	vm4 =	vgt.f32 v56, v1;
	v5 =	vadd.s32 v8, v5;
	v6 =	vadd.f32 v9, v6  }
0x4c: {  	vm10 =	vgt.f32 v2, v1;
	v62 =	vnsel vm4, $0x0, v56;
	v5 =	vadd.s32 v11, v5  }
0x4d: {  	v3 =	vld [tilespmem:s14+$0xC60];
	v9 =	vsel vm5, $0x1, v0;
	vm5 =	vgt.f32 v58, v1;
	v6 =	vadd.f32 v62, v6  }
0x4e: {  	vm9 =	vgt.f32 v4, v1;
	v5 =	vadd.s32 v59, v5;
	v8 =	vnsel vm5, $0x0, v58  }
0x4f: {  	vm13 =	vgt.f32 v10, v1;
	v5 =	vadd.s32 v60, v5;
	v6 =	vadd.f32 v8, v6  }
0x50: {  	v7 =	vsel vm1, $0x1, v0;
	v5 =	vadd.s32 v9, v5;
	v8 =	vnsel vm13, $0x0, v10  }
0x51: {  	v11 =	vsel vm4, $0x1, v0;
	v5 =	vadd.s32 v7, v5;
	v8 =	vadd.f32 v8, v6  }
0x52: {  	s31 =	simm.s32 $0x200;
	vm11 =	vgt.f32 v3, v1;
	s14 =	simm.s32 $0x80;
	v9 =	vnsel vm8, $0x0, v61;
	v7 =	vadd.s32 v11, v5  }
0x53: {  	s16 =	sand.u32 $0x1000, s31;
	s15 =	simm.s32 $0x400;
	s17 =	sand.u32 $0x380, s14;
	v5 =	vnsel vm12, $0x0, v63;
	v6 =	vsel vm5, $0x1, v0;
	v8 =	vadd.f32 v9, v8  }
.LBB2_3:
0x54: {  	s16 =	sor.u32 s17, s16  }
0x55: {  	v5 =	vadd.f32 v5, v8;
	v8 =	vld [tilespmem:s16+$0x0]  }
0x56: {  	v56 =	vld [tilespmem:s16+$0x70]  }
0x57: {  	v57 =	vld [tilespmem:s16+$0x400]  }
0x58: {  	v6 =	vadd.s32 v6, v7;
	v7 =	vsel vm13, $0x1, v0;
	v4 =	vnsel vm9, $0x0, v4;
	v15 =	vld [tilespmem:s16+$0x410]  }
0x59: {  	v3 =	vnsel vm11, $0x0, v3;
	v2 =	vnsel vm10, $0x0, v2;
	v10 =	vsel vm10, $0x1, v0;
	v16 =	vld [tilespmem:s16+$0x420]  }
0x5a: {  	v13 =	vimm.s32 $0x0;
	v20 =	vimm.s32 $0x0;
	v21 =	vimm.s32 $0x0;
	v17 =	vld [tilespmem:s16+$0x430]  }
0x5b: {  	v63 =	vimm.s32 $0x0;
	v25 =	vimm.s32 $0x0;
	v22 =	vimm.s32 $0x0;
	v59 =	vld [tilespmem:s16+$0x850]  }
0x5c: {  	v27 =	vimm.s32 $0x0;
	v29 =	vimm.s32 $0x0;
	v23 =	vimm.s32 $0x0;
	v18 =	vld [tilespmem:s16+$0x440]  }
0x5d: {  	v31 =	vimm.s32 $0x0;
	v6 =	vadd.s32 v7, v6;
	v7 =	vsel vm8, $0x1, v0;
	v60 =	vld [tilespmem:s16+$0x840]  }
0x5e: {  	v61 =	vld [tilespmem:s16+$0x830];
	v6 =	vadd.s32 v7, v6;
	v7 =	vsel vm12, $0x1, v0;
	v4 =	vadd.f32 v4, v5  }
0x5f: {  	v32 =	vimm.s32 $0x0;
	v62 =	vld [tilespmem:s16+$0x460];
	v6 =	vadd.s32 v7, v6;
	v7 =	vsel vm9, $0x1, v0  }
0x60: {  	v5 =	vld [tilespmem:s16+$0x10];
	v6 =	vadd.s32 v7, v6;
	v4 =	vadd.f32 v3, v4;
	v3 =	vsel vm11, $0x1, v0  }
0x61: {  	v28 =	vld [tilespmem:s16+$0x810];
	v6 =	vadd.s32 v3, v6;
	vm0 =	vgt.f32 v8, v1;
	vm14 =	vgt.f32 v56, v1  }
0x62: {  	v7 =	vld [tilespmem:s16+$0x20];
	vm13 =	vgt.f32 v57, v1;
	vm12 =	vgt.f32 v15, v1;
	vm7 =	vgt.f32 v16, v1  }
0x63: {  	v9 =	vld [tilespmem:s16+$0xC70];
	vm6 =	vgt.f32 v17, v1;
	vm9 =	vgt.f32 v18, v1;
	v14 =	vadd.f32 v2, v4  }
0x64: {  	vm2 =	vgt.f32 v62, v1;
	vm8 =	vgt.f32 v60, v1;
	v4 =	vnsel vm0, $0x0, v8;
	v8 =	vld [tilespmem:s16+$0x30]  }
0x65: {  	v11 =	vadd.s32 v10, v6;
	vm1 =	vgt.f32 v5, v1;
	v6 =	vadd.f32 v4, v14  }
0x66: {  	vm11 =	vgt.f32 v59, v1;
	vm10 =	vgt.f32 v61, v1;
	v10 =	vld [tilespmem:s16+$0x40];
	v5 =	vnsel vm1, $0x0, v5  }
0x67: {  	vm3 =	vgt.f32 v28, v1;
	vm5 =	vgt.f32 v7, v1;
	v6 =	vadd.f32 v5, v6  }
0x68: {  	v2 =	vmovc v9;
	v9 =	vld [tilespmem:s16+$0x50];
	v15 =	vnsel vm12, $0x0, v15;
	v16 =	vnsel vm7, $0x0, v16;
	v7 =	vnsel vm5, $0x0, v7  }
0x69: {  	v17 =	vnsel vm6, $0x0, v17;
	vm4 =	vgt.f32 v8, v1;
	v7 =	vadd.f32 v7, v6  }
0x6a: {  	v55 =	vld [tilespmem:s16+$0x60];
	v18 =	vnsel vm9, $0x0, v18;
	v5 =	vimm.s32 $0x0;
	v8 =	vnsel vm4, $0x0, v8  }
0x6b: {  	v30 =	vld [tilespmem:s16+$0x800];
	v5 =	vsel vm5, $0xFFFFFFFF, v5;
	vm5 =	vgt.f32 v10, v1;
	v8 =	vadd.f32 v8, v7  }
0x6c: {  	v33 =	vnsel vm2, $0x0, v62;
	v6 =	vimm.s32 $0x0;
	v10 =	vnsel vm5, $0x0, v10  }
0x6d: {  	v6 =	vsel vm4, $0xFFFFFFFF, v6;
	vm4 =	vgt.f32 v9, v1;
	v10 =	vadd.f32 v10, v8  }
0x6e: {  	v12 =	vsel vm1, $0xFFFFFFFF, v13;
	v7 =	vimm.s32 $0x0;
	v9 =	vnsel vm4, $0x0, v9  }
0x6f: {  	v7 =	vsel vm5, $0xFFFFFFFF, v7;
	vm5 =	vgt.f32 v55, v1;
	v10 =	vadd.f32 v9, v10  }
0x70: {  	v19 =	vld [tilespmem:s16+$0x450];
	v35 =	vsel vm0, $0x1, v0;
	vm0 =	vgt.f32 v30, v1;
	[tilespmem:$0x1FF00] =	vst v12;
	v12 =	vnsel vm5, $0x0, v55  }
0x71: {  	v26 =	vld [tilespmem:s16+$0x470];
	v43 =	vsel vm14, $0x1, v0;
	v44 =	vsel vm13, $0x1, v0;
	v12 =	vadd.f32 v12, v10  }
0x72: {  	v46 =	vsel vm12, $0x1, v0;
	v48 =	vsel vm7, $0x1, v0;
	v4 =	vld [tilespmem:s16+$0xC50];
	v13 =	vnsel vm14, $0x0, v56  }
0x73: {  	v3 =	vld [tilespmem:s16+$0xC60];
	v49 =	vsel vm6, $0x1, v0;
	v50 =	vsel vm9, $0x1, v0;
	v12 =	vadd.f32 v13, v12  }
0x74: {  	v54 =	vsel vm2, $0x1, v0;
	v11 =	vadd.s32 v35, v11;
	v14 =	vnsel vm13, $0x0, v57;
	[tilespmem:$0x1FF10] =	vst v5;
	v5 =	vld [tilespmem:s16+$0xC40]  }
0x75: {  	v37 =	vnsel vm0, $0x0, v30;
	[tilespmem:$0x1FF30] =	vst v7;
	v7 =	vld [tilespmem:s16+$0xC20];
	v8 =	vimm.s32 $0x0;
	v12 =	vadd.f32 v14, v12  }
0x76: {  	[tilespmem:$0x1FF20] =	vst v6;
	v6 =	vld [tilespmem:s16+$0xC30];
	v8 =	vsel vm4, $0xFFFFFFFF, v8;
	vm4 =	vgt.f32 v2, v1;
	v9 =	vimm.s32 $0x0  }
0x77: {  	[tilespmem:$0x1FF40] =	vst v8;
	v8 =	vld [tilespmem:s16+$0xC10];
	v9 =	vsel vm5, $0xFFFFFFFF, v9;
	vm5 =	vgt.f32 v4, v1;
	v12 =	vadd.f32 v15, v12  }
0x78: {  	v20 =	vsel vm4, $0xFFFFFFFF, v20;
	vm4 =	vgt.f32 v3, v1;
	[tilespmem:$0x1FF50] =	vst v9;
	v10 =	vld [tilespmem:s16+$0x870];
	v21 =	vsel vm5, $0xFFFFFFFF, v21  }
0x79: {  	v9 =	vld [tilespmem:s16+$0xC00];
	vm5 =	vgt.f32 v5, v1;
	[tilespmem:$0x1FF80] =	vst v21;
	v21 =	vsel vm4, $0xFFFFFFFF, v63;
	v12 =	vadd.f32 v16, v12  }
0x7a: {  	v58 =	vld [tilespmem:s16+$0x860];
	vm1 =	vgt.f32 v26, v1;
	vm4 =	vgt.f32 v7, v1;
	[tilespmem:$0x1FFF0] =	vst v21;
	v21 =	vsel vm5, $0xFFFFFFFF, v25  }
0x7b: {  	v36 =	vld [tilespmem:$0x1FF00];
	v22 =	vsel vm4, $0xFFFFFFFF, v22;
	vm5 =	vgt.f32 v6, v1;
	v12 =	vadd.f32 v17, v12  }
0x7c: {  	[tilespmem:$0x1FF60] =	vst v22;
	v22 =	vsel vm5, $0xFFFFFFFF, v27;
	vm5 =	vgt.f32 v19, v1;
	vm4 =	vgt.f32 v8, v1  }
0x7d: {  	v38 =	vld [tilespmem:$0x1FF10];
	[tilespmem:$0x1FFE0] =	vst v22;
	v22 =	vsel vm4, $0xFFFFFFFF, v29;
	vm4 =	vgt.f32 v10, v1;
	v12 =	vadd.f32 v18, v12  }
0x7e: {  	v39 =	vld [tilespmem:$0x1FF20];
	v19 =	vnsel vm5, $0x0, v19;
	v23 =	vsel vm4, $0xFFFFFFFF, v23;
	vm4 =	vgt.f32 v9, v1  }
0x7f: {  	v40 =	vld [tilespmem:$0x1FF30];
	[tilespmem:$0x1FFA0] =	vst v23;
	v23 =	vsel vm4, $0xFFFFFFFF, v31;
	vm4 =	vgt.f32 v58, v1;
	v12 =	vadd.f32 v19, v12  }
0x80: {  	v24 =	vld [tilespmem:s16+$0x820];
	v57 =	vsel vm0, $0x1, v0;
	vm15 =	vnez.u8 v36;
	v19 =	vsel vm4, $0xFFFFFFFF, v32  }
0x81: {  	v34 =	vnsel vm1, $0x0, v26;
	v41 =	vld [tilespmem:$0x1FF40];
	[tilespmem:$0x1FF90] =	vst v19;
	v19 =	vsel vm15, $0x1, v0;
	v12 =	vadd.f32 v33, v12  }
0x82: {  	v42 =	vld [tilespmem:$0x1FF50];
	v18 =	vnsel vm3, $0x0, v28;
	vm15 =	vnez.u8 v38;
	v11 =	vadd.s32 v19, v11  }
0x83: {  	v19 =	vsel vm15, $0x1, v0;
	vm15 =	vnez.u8 v39;
	v12 =	vadd.f32 v34, v12  }
0x84: {  	v11 =	vadd.s32 v19, v11;
	v19 =	vsel vm15, $0x1, v0;
	vm15 =	vnez.u8 v40  }
0x85: {  	v11 =	vadd.s32 v19, v11;
	v19 =	vsel vm15, $0x1, v0;
	v12 =	vadd.f32 v37, v12  }
0x86: {  	vm4 =	vgt.f32 v24, v1;
	vm15 =	vnez.u8 v41;
	v11 =	vadd.s32 v19, v11  }
0x87: {  	v51 =	vld [tilespmem:$0x1FF80];
	v12 =	vadd.f32 v18, v12;
	v18 =	vsel vm15, $0x1, v0;
	vm15 =	vnez.u8 v42  }
0x88: {  	[tilespmem:$0x1FF70] =	vst v21;
	v45 =	vld [tilespmem:$0x1FF60];
	v17 =	vnsel vm4, $0x0, v24;
	v11 =	vadd.s32 v18, v11;
	v18 =	vsel vm15, $0x1, v0  }
0x89: {  	v55 =	vsel vm1, $0x1, v0;
	v47 =	vld [tilespmem:$0x1FF70];
	v12 =	vadd.f32 v17, v12;
	v11 =	vadd.s32 v18, v11  }
0x8a: {  	v14 =	vnsel vm11, $0x0, v59;
	v16 =	vnsel vm10, $0x0, v61;
	v53 =	vld [tilespmem:$0x1FF90];
	v11 =	vadd.s32 v43, v11  }
0x8b: {  	v52 =	vsel vm5, $0x1, v0;
	[tilespmem:$0x1FFB0] =	vst v23;
	v56 =	vld [tilespmem:$0x1FFA0];
	v12 =	vadd.f32 v16, v12;
	v11 =	vadd.s32 v44, v11  }
0x8c: {  	v15 =	vnsel vm8, $0x0, v60;
	vm9 =	vnez.u8 v51;
	v59 =	vld [tilespmem:$0x1FFB0];
	v11 =	vadd.s32 v46, v11  }
0x8d: {  	vm13 =	vnez.u8 v45;
	v12 =	vadd.f32 v15, v12;
	v11 =	vadd.s32 v48, v11  }
0x8e: {  	[tilespmem:$0x1FFD0] =	vst v22;
	vm12 =	vnez.u8 v47;
	v7 =	vnsel vm13, $0x0, v7;
	v11 =	vadd.s32 v49, v11  }
0x8f: {  	v62 =	vld [tilespmem:$0x1FFD0];
	vm5 =	vnez.u8 v53;
	v12 =	vadd.f32 v14, v12;
	v11 =	vadd.s32 v50, v11  }
0x90: {  	vm2 =	vnez.u8 v56;
	v13 =	vnsel vm5, $0x0, v58;
	v11 =	vadd.s32 v52, v11  }
0x91: {  	vm1 =	vnez.u8 v59;
	v12 =	vadd.f32 v13, v12;
	v11 =	vadd.s32 v54, v11  }
0x92: {  	[tilespmem:$0x1FFC0] =	vst v20;
	v63 =	vld [tilespmem:$0x1FFE0];
	v10 =	vnsel vm2, $0x0, v10;
	v9 =	vnsel vm1, $0x0, v9;
	v11 =	vadd.s32 v55, v11  }
0x93: {  	v61 =	vld [tilespmem:$0x1FFC0];
	v58 =	vsel vm3, $0x1, v0;
	v10 =	vadd.f32 v10, v12;
	v11 =	vadd.s32 v57, v11  }
0x94: {  	v60 =	vsel vm4, $0x1, v0;
	vm4 =	vnez.u8 v62;
	v11 =	vadd.s32 v58, v11  }
0x95: {  	v9 =	vadd.f32 v9, v10;
	v10 =	vadd.s32 v60, v11;
	v11 =	vsel vm10, $0x1, v0  }
0x96: {  	v8 =	vnsel vm4, $0x0, v8;
	v10 =	vadd.s32 v11, v10;
	v11 =	vsel vm8, $0x1, v0  }
0x97: {  	p0 =	sne.s32 s15, $0x1E00;
	v5 =	vnsel vm12, $0x0, v5;
	v8 =	vadd.f32 v8, v9;
	v9 =	vadd.s32 v11, v10;
	v11 =	vld [tilespmem:$0x1FFF0]  }
.Ltmp0:
0x98: {  	vm10 =	vnez.u8 v61;
	vm8 =	vnez.u8 v63;
	v10 =	vsel vm11, $0x1, v0;
	(pc) =	sbr.rel @p0 .LBB2_3-.Ltmp0, $4  }
0x99: {  	v9 =	vadd.s32 v10, v9;
	v10 =	vsel vm5, $0x1, v0;
	v7 =	vadd.f32 v7, v8  }
0x9a: {  	v6 =	vnsel vm8, $0x0, v6;
	v8 =	vadd.s32 v10, v9;
	v9 =	vsel vm2, $0x1, v0  }
0x9b: {  	s14 =	sadd.s32 $0x80, s14;
	v10 =	vsel vm1, $0x1, v0;
	v9 =	vadd.s32 v9, v8;
	v8 =	vadd.f32 v6, v7  }
0x9c: {  	s17 =	sand.u32 $0x380, s14;
	s16 =	sand.u32 $0x1000, s15;
	s15 =	sadd.s32 $0x200, s15;
	v7 =	vadd.s32 v10, v9;
	v6 =	vsel vm4, $0x1, v0;
	vm11 =	vnez.u8 v11  }
0x9d: {  	s14 =	sor.u32 s17, s16;
	v5 =	vadd.f32 v5, v8  }
0x9e: {  	v4 =	vnsel vm9, $0x0, v4;
	v32 =	vld [tilespmem:s14+$0x0]  }
0x9f: {  	v4 =	vadd.f32 v4, v5  }
0xa0: {  	v3 =	vnsel vm11, $0x0, v3;
	v5 =	vld [tilespmem:s14+$0x10]  }
0xa1: {  	v3 =	vadd.f32 v3, v4  }
0xa2: {  	v2 =	vnsel vm10, $0x0, v2;
	v4 =	vld [tilespmem:s14+$0x20]  }
0xa3: {  	vm0 =	vgt.f32 v32, v1;
	v2 =	vadd.f32 v2, v3  }
0xa4: {  	v33 =	vld [tilespmem:s14+$0x30];
	v3 =	vnsel vm0, $0x0, v32  }
0xa5: {  	vm1 =	vgt.f32 v5, v1;
	v2 =	vadd.f32 v3, v2  }
0xa6: {  	v3 =	vnsel vm1, $0x0, v5;
	v5 =	vld [tilespmem:s14+$0x40]  }
0xa7: {  	v34 =	vld [tilespmem:s14+$0x60];
	vm3 =	vgt.f32 v4, v1;
	v2 =	vadd.f32 v3, v2  }
0xa8: {  	v3 =	vnsel vm3, $0x0, v4;
	v4 =	vld [tilespmem:s14+$0x50]  }
0xa9: {  	v35 =	vld [tilespmem:s14+$0x410];
	vm2 =	vgt.f32 v33, v1;
	v2 =	vadd.f32 v3, v2  }
0xaa: {  	v15 =	vld [tilespmem:s14+$0x440];
	v3 =	vnsel vm2, $0x0, v33  }
0xab: {  	v37 =	vld [tilespmem:s14+$0x450];
	vm5 =	vgt.f32 v5, v1;
	v2 =	vadd.f32 v3, v2  }
0xac: {  	v3 =	vnsel vm5, $0x0, v5;
	v5 =	vld [tilespmem:s14+$0x70]  }
0xad: {  	v40 =	vld [tilespmem:s14+$0x470];
	vm4 =	vgt.f32 v4, v1;
	v2 =	vadd.f32 v3, v2  }
0xae: {  	v10 =	vsel vm8, $0x1, v0;
	v3 =	vnsel vm4, $0x0, v4;
	v4 =	vld [tilespmem:s14+$0x400]  }
0xaf: {  	v11 =	vsel vm9, $0x1, v0;
	vm7 =	vgt.f32 v34, v1;
	v2 =	vadd.f32 v3, v2  }
0xb0: {  	v13 =	vsel vm11, $0x1, v0;
	v6 =	vadd.s32 v6, v7;
	v3 =	vnsel vm7, $0x0, v34  }
0xb1: {  	vm9 =	vgt.f32 v35, v1;
	vm6 =	vgt.f32 v5, v1;
	v2 =	vadd.f32 v3, v2  }
0xb2: {  	v9 =	vld [tilespmem:s14+$0x420];
	vm14 =	vgt.f32 v15, v1;
	vm15 =	vgt.f32 v37, v1;
	v5 =	vnsel vm6, $0x0, v5  }
0xb3: {  	vm11 =	vgt.f32 v40, v1;
	vm8 =	vgt.f32 v4, v1;
	v2 =	vadd.f32 v5, v2  }
0xb4: {  	v12 =	vld [tilespmem:s14+$0x430];
	v14 =	vsel vm0, $0x1, v0;
	v8 =	vnsel vm9, $0x0, v35;
	v4 =	vnsel vm8, $0x0, v4  }
0xb5: {  	v18 =	vsel vm7, $0x1, v0;
	v39 =	vnsel vm14, $0x0, v15;
	v2 =	vadd.f32 v4, v2  }
0xb6: {  	v21 =	vsel vm14, $0x1, v0;
	v46 =	vnsel vm11, $0x0, v40;
	v47 =	vsel vm15, $0x1, v0  }
0xb7: {  	v5 =	vsel vm12, $0x1, v0;
	vm12 =	vgt.f32 v9, v1;
	v2 =	vadd.f32 v8, v2  }
0xb8: {  	v49 =	vsel vm11, $0x1, v0;
	v3 =	vsel vm13, $0x1, v0;
	v7 =	vnsel vm12, $0x0, v9  }
0xb9: {  	vm13 =	vgt.f32 v12, v1;
	v3 =	vadd.s32 v3, v6;
	v2 =	vadd.f32 v7, v2  }
0xba: {  	v38 =	vld [tilespmem:s14+$0x460];
	v36 =	vsel vm1, $0x1, v0;
	v6 =	vnsel vm13, $0x0, v12;
	v3 =	vadd.s32 v10, v3  }
0xbb: {  	v44 =	vld [tilespmem:s14+$0x810];
	v16 =	vsel vm3, $0x1, v0;
	v3 =	vadd.s32 v5, v3;
	v2 =	vadd.f32 v6, v2  }
0xbc: {  	v17 =	vsel vm5, $0x1, v0;
	v41 =	vsel vm6, $0x1, v0;
	v3 =	vadd.s32 v11, v3  }
0xbd: {  	v42 =	vld [tilespmem:s14+$0x800];
	v4 =	vsel vm10, $0x1, v0;
	v3 =	vadd.s32 v13, v3;
	v2 =	vadd.f32 v39, v2  }
0xbe: {  	v45 =	vsel vm13, $0x1, v0;
	v5 =	vnsel vm15, $0x0, v37;
	v3 =	vadd.s32 v4, v3  }
0xbf: {  	vm10 =	vgt.f32 v38, v1;
	v3 =	vadd.s32 v14, v3;
	v2 =	vadd.f32 v5, v2  }
0xc0: {  	vm13 =	vgt.f32 v44, v1;
	v43 =	vnsel vm10, $0x0, v38;
	v3 =	vadd.s32 v36, v3  }
0xc1: {  	v4 =	vld [tilespmem:s14+$0x820];
	v7 =	vsel vm2, $0x1, v0;
	v3 =	vadd.s32 v16, v3;
	v2 =	vadd.f32 v43, v2  }
0xc2: {  	v20 =	vsel vm12, $0x1, v0;
	vm12 =	vgt.f32 v42, v1;
	v3 =	vadd.s32 v7, v3  }
0xc3: {  	v22 =	vld [tilespmem:s14+$0x830];
	v6 =	vsel vm4, $0x1, v0;
	v3 =	vadd.s32 v17, v3;
	v2 =	vadd.f32 v46, v2  }
0xc4: {  	v19 =	vsel vm8, $0x1, v0;
	v9 =	vnsel vm12, $0x0, v42;
	v3 =	vadd.s32 v6, v3  }
0xc5: {  	v12 =	vnsel vm13, $0x0, v44;
	v3 =	vadd.s32 v18, v3;
	v2 =	vadd.f32 v9, v2  }
0xc6: {  	v51 =	vld [tilespmem:s14+$0x840];
	v52 =	vsel vm13, $0x1, v0;
	vm14 =	vgt.f32 v4, v1;
	v3 =	vadd.s32 v41, v3  }
0xc7: {  	v5 =	vsel vm9, $0x1, v0;
	v3 =	vadd.s32 v19, v3;
	v2 =	vadd.f32 v12, v2  }
0xc8: {  	vm15 =	vgt.f32 v22, v1;
	v7 =	vld [tilespmem:s14+$0x850];
	v4 =	vnsel vm14, $0x0, v4;
	v3 =	vadd.s32 v5, v3  }
0xc9: {  	v50 =	vsel vm12, $0x1, v0;
	v3 =	vadd.s32 v20, v3;
	v2 =	vadd.f32 v4, v2  }
0xca: {  	v54 =	vsel vm15, $0x1, v0;
	v6 =	vnsel vm15, $0x0, v22;
	v3 =	vadd.s32 v45, v3;
	v4 =	vld [tilespmem:s14+$0x860]  }
0xcb: {  	vm4 =	vgt.f32 v51, v1;
	v3 =	vadd.s32 v21, v3;
	v2 =	vadd.f32 v6, v2  }
0xcc: {  	v48 =	vsel vm10, $0x1, v0;
	v9 =	vnsel vm4, $0x0, v51;
	v3 =	vadd.s32 v47, v3;
	v6 =	vld [tilespmem:s14+$0x870]  }
0xcd: {  	vm5 =	vgt.f32 v7, v1;
	v3 =	vadd.s32 v48, v3;
	v2 =	vadd.f32 v9, v2  }
0xce: {  	v55 =	vsel vm4, $0x1, v0;
	v5 =	vld [tilespmem:s14+$0xC00];
	v7 =	vnsel vm5, $0x0, v7;
	v3 =	vadd.s32 v49, v3  }
0xcf: {  	v3 =	vadd.s32 v50, v3;
	vm6 =	vgt.f32 v4, v1;
	v2 =	vadd.f32 v7, v2  }
0xd0: {  	v53 =	vsel vm14, $0x1, v0;
	v3 =	vadd.s32 v52, v3;
	v7 =	vld [tilespmem:s14+$0xC10];
	v4 =	vnsel vm6, $0x0, v4  }
0xd1: {  	v3 =	vadd.s32 v53, v3;
	vm7 =	vgt.f32 v6, v1;
	v2 =	vadd.f32 v4, v2  }
0xd2: {  	v56 =	vsel vm5, $0x1, v0;
	v3 =	vadd.s32 v54, v3;
	v4 =	vld [tilespmem:s14+$0xC20];
	v6 =	vnsel vm7, $0x0, v6  }
0xd3: {  	vm8 =	vgt.f32 v5, v1;
	v3 =	vadd.s32 v55, v3;
	v2 =	vadd.f32 v6, v2  }
0xd4: {  	v5 =	vnsel vm8, $0x0, v5;
	v59 =	vsel vm8, $0x1, v0;
	v3 =	vadd.s32 v56, v3;
	v6 =	vld [tilespmem:s14+$0xC30]  }
0xd5: {  	v57 =	vsel vm6, $0x1, v0;
	vm9 =	vgt.f32 v7, v1;
	v2 =	vadd.f32 v5, v2  }
0xd6: {  	v3 =	vadd.s32 v57, v3;
	v58 =	vsel vm7, $0x1, v0;
	v5 =	vld [tilespmem:s14+$0xC40];
	v7 =	vnsel vm9, $0x0, v7  }
0xd7: {  	v3 =	vadd.s32 v58, v3;
	vm10 =	vgt.f32 v4, v1;
	v2 =	vadd.f32 v7, v2  }
0xd8: {  	v3 =	vadd.s32 v59, v3;
	v7 =	vld [tilespmem:s14+$0xC50];
	v4 =	vnsel vm10, $0x0, v4  }
0xd9: {  	v60 =	vsel vm9, $0x1, v0;
	vm11 =	vgt.f32 v6, v1;
	v2 =	vadd.f32 v4, v2  }
0xda: {  	v3 =	vadd.s32 v60, v3;
	v4 =	vld [tilespmem:s14+$0xC60];
	v6 =	vnsel vm11, $0x0, v6  }
0xdb: {  	v61 =	vsel vm10, $0x1, v0;
	vm12 =	vgt.f32 v5, v1;
	v2 =	vadd.f32 v6, v2  }
0xdc: {  	v3 =	vadd.s32 v61, v3;
	v6 =	vld [tilespmem:s14+$0xC70];
	v5 =	vnsel vm12, $0x0, v5  }
0xdd: {  	s13 =	sadd.s32 $0x1, s13;
	v62 =	vsel vm11, $0x1, v0;
	vm13 =	vgt.f32 v7, v1;
	v2 =	vadd.f32 v5, v2  }
0xde: {  	p0 =	sne.s32 s13, $0x8;
	v3 =	vadd.s32 v62, v3;
	v63 =	vsel vm12, $0x1, v0;
	v5 =	vnsel vm13, $0x0, v7  }
.Ltmp1:
0xdf: {  	v3 =	vadd.s32 v63, v3;
	vm14 =	vgt.f32 v4, v1;
	v2 =	vadd.f32 v5, v2;
	(pc) =	sbr.rel @p0 .LBB2_2-.Ltmp1, $4  }
0xe0: {  	v7 =	vsel vm13, $0x1, v0;
	v4 =	vnsel vm14, $0x0, v4;
	v5 =	vsel vm14, $0x1, v0  }
0xe1: {  	vm15 =	vgt.f32 v6, v1;
	v1 =	vadd.s32 v7, v3;
	v2 =	vadd.f32 v4, v2  }
0xe2: {  	v3 =	vnsel vm15, $0x0, v6;
	v4 =	vsel vm15, $0x1, v0;
	v1 =	vadd.s32 v5, v1  }
0xe3: {  	v5 =	vadd.s32 v4, v1;
	v2 =	vadd.f32 v3, v2  }
0xe4: {  	[tilespmem:$0x2100] =	vst v5  }
0xe5: {  	[tilespmem:$0x2080] =	vst v2  }
0xe6: {  	[hbm4b:s5+s2] =	stream.linear.scatter [tilespmem:s10], [sflag:$0x1], $0x10, $0x38;
	[tilespmem:$0x2180] =	vst v63  }
0xe7: {  	s12 =	sadd.s32 $0x1, s12;
	_ =	swait.ge [sflag:s9], $0x10  }
0xe8: {  	p0 =	sne.s32 s12, s7;
	[sflag:s9] =	ssyncset.done $0x0  }
.Ltmp2:
0xe9: {  	[sflag:s9] =	ssyncadd.s32 $0xFFFFFFF0;
	(pc) =	sbr.rel @p0 .LBB2_1-.Ltmp2, $4  }
0xea: {  	[hbm4b:s6+s2] =	stream.linear.scatter [tilespmem:s11], [sflag:$0x1], $0x10, $0x38;
	[tilespmem:$0x2180] =	vst v63  }
0xeb: {  	_ =	swait.ge [sflag:s9], $0x10  }
0xec: {  	[sflag:s9] =	ssyncset.done $0x0  }
0xed: {  	[sflag:s9] =	ssyncadd.s32 $0xFFFFFFF0  }
0xee: {  	_ =	sfence.sel $0x180000  }
0xef: {  	[bflag:$0x0] =	sbarrier.arrive $0xFFFF  }
0xf0: {  	p0 =	sne.s32 s1, $0x0;
	_ =	strace $0x9000004D  }
0xf1: {  	s0 =	sadd.s32 @!p0 $0x100000, s0;
	[bflag:$0x2] =	sbarrier.arrive $0xFFFF  }
0xf2: {  	[sflag:s0] =	ssyncadd.tile.s32 @!p0 $0x1;
	_ =	shalt  }
.Lfunc_end2:
_tile_overlayer_lowered:
.L_overlay_start_2:
0xf3: {  	(tag) =	ssettag $0x2  }
0xf4: {  	s0 =	rddreg [dreg:$0x0];
	s2 =	stileid.u32  }
0xf5: {  	s1 =	rddreg [dreg:$0x1];
	p0 =	sne.s32 s2, $0x0  }
0xf6: {  	s3 =	rddreg [dreg:$0x2];
	[bflag:$0x3] =	sbarrier.arrive $0xFFFF;
	s2 =	simm.s32 @!p0 $0x1C01  }
0xf7: {  	[timem:s3], [sflag:s2] =	dma.local @!p0 [hbm:s0], s1  }
0xf8: {  	s0 =	simm.s32 @!p0 $0x1  }
0xf9: {  	_ =	swait.ge @!p0 [sflag:s0], s1  }
0xfa: {  	s1 =	ssub.s32 @!p0 $0x0, s1;
	[sflag:s0] =	ssyncset.done @!p0 $0x0  }
0xfb: {  	[sflag:s0] =	ssyncadd.s32 @!p0 s1  }
0xfc: {  	[bflag:$0x3] =	sbarrier.arrive $0xFFFF  }
0xfd: {  	_ =	shalt  }

// kernel: branch_0_fun.3.cloned.1.call-start
scs
__scs_entry_jumppad:
0x0: {  	(pc) =	sbr.rel $0x88, $3  }
0x1: {  	(tag) =	ssettag $0x0;
	lr =	simm.s32 $0x1  }
0x2: {  	[smem:$0x3F9F] =	sst lr;
	_ =	strace $0xD0000000  }
0x3: {  	_ = 	snop  }
0x4: {  	_ = 	snop  }
0x5: {  	_ = 	snop  }
0x6: {  	_ = 	snop  }
0x7: {  	_ = 	snop  }
__scs_overlays_trampoline_lowered:
0x8: {  	[smem:$0x3FAE] =	sst s0  }
0x9: {  	[smem:$0x3FAF] =	sst s1  }
0xa: {  	[smem:$0x3FB0] =	sst s2  }
0xb: {  	[smem:$0x3FB1] =	sst s3  }
0xc: {  	[smem:$0x3FB2] =	sst s4  }
0xd: {  	[smem:$0x3FB3] =	sst s5  }
0xe: {  	[smem:$0x3FB4] =	sst s6  }
0xf: {  	[smem:$0x3FB5] =	sst s7  }
0x10: {  	[smem:$0x3FB6] =	sst s8  }
0x11: {  	[smem:$0x3FB7] =	sst s9;
	s0 =	simm.s32 @!p0 $0x0  }
0x12: {  	s1 =	sld [smem:$0x3F9D];
	s0 =	simm.s32 @p0 $0x1  }
0x13: {  	[smem:$0x3FB8] =	sst s0;
	s0 =	simm.s32 @!p1 $0x0  }
0x14: {  	s2 =	sld [smem:$0x3F9C];
	s0 =	simm.s32 @p1 $0x1  }
0x15: {  	[smem:$0x3FB9] =	sst s0;
	s0 =	simm.s32 @!p2 $0x0  }
0x16: {  	s3 =	sld [smem:$0x3FDB];
	s0 =	simm.s32 @p2 $0x1  }
0x17: {  	s4 =	simm.s32 $0x1BF5;
	[smem:$0x3FBB] =	sst s0  }
0x18: {  	s0 =	sld [smem:$0x3F9E];
	_ =	swait.ge [sflag:s4], $0x0  }
0x19: {  	s7 =	sld [smem:$0x3F9F]  }
0x1a: {  	s8 =	sadd.s32 $0xFFFFE003, lr  }
0x1b: {  	s9 =	sadd.s32 $0xFFFFFEF7, lr;
	s5 =	simm.s32 $0xFFFFFFFF;
	p2 =	slt.u32 s8, $0xFFFFF086  }
0x1c: {  	p1 =	slt.u32 s9, $0xF7A;
	s5 =	simm.s32 @!p2 $0x0  }
0x1d: {  	s5 =	simm.s32 @p1 $0x1;
	p0 =	seq.s32 s7, s2  }
0x1e: {  	s7 =	smul.u32 @!p0 $0xF7A, s2;
	p2 =	seq.s32 @!p0 s5, $0x0  }
0x1f: {  	s9 =	smul.u32 $0xF7A, s1;
	s8 =	simm.s32 @!p0 $0x1BF5;
	p2 =	por !p2, p0  }
0x20: {  	[sflag:s8] =	ssyncset.s32 @!p0 $0xFFFFF086;
	s6 =	sadd.s32 @!p0 s3, s7;
	s7 =	simm.s32 @!p0 $0x108  }
0x21: {  	s3 =	sadd.s32 s3, s9;
	s6 =	sadd.s32 @!p0 $0x88, s6;
	s7 =	simm.s32 @p2 $0x1082  }
0x22: {  	[simem:s7], [sflag:s8] =	dma.local @!p0 [hbm:s6], $0xF7A  }
0x23: {  	s9 =	sor.u32 $0xD0000000, s2;
	s6 =	simm.s32 $0x108;
	_ =	swait.ge @!p0 [sflag:s8], $0x0  }
0x24: {  	s3 =	sadd.s32 $0x88, s3;
	s6 =	simm.s32 @!p1 $0x1082;
	[sflag:s4] =	ssyncset.s32 $0xFFFFF086  }
0x25: {  	[simem:s6], [sflag:s4] =	dma.local [hbm:s3], $0xF7A  }
0x26: {  	[smem:$0x3F9F] =	sst s1;
	(tag) =	ssettag s2;
	_ =	strace s9  }
0x27: {  	s1 =	sld [smem:$0x3FAF]  }
0x28: {  	s2 =	sld [smem:$0x3FB0]  }
0x29: {  	s4 =	sld [smem:$0x3FB2]  }
0x2a: {  	p0 =	seq.s32 s5, $0x0;
	s5 =	sld [smem:$0x3FB3]  }
0x2b: {  	s6 =	sld [smem:$0x3FB4]  }
0x2c: {  	s7 =	sld [smem:$0x3FB5]  }
0x2d: {  	s3 =	simm.s32 $0x108;
	s8 =	sld [smem:$0x3FB6]  }
0x2e: {  	s3 =	simm.s32 @!p0 $0x1082;
	s9 =	sld [smem:$0x3FB7]  }
0x2f: {  	lr =	sadd.s32 s0, s3;
	s0 =	sld [smem:$0x3FAE]  }
0x30: {  	s3 =	sld [smem:$0x3FB1]  }
0x31: {  	[smem:$0x3FBA] =	sst s10  }
0x32: {  	s10 =	sld [smem:$0x3FB8];
	_ =	sdelay $0x3  }
0x33: {  	p0 =	seq.s32 s10, $0x1;
	s10 =	sld [smem:$0x3FBA];
	_ =	sdelay $0x3  }
0x34: {  	[smem:$0x3FBA] =	sst s10  }
0x35: {  	s10 =	sld [smem:$0x3FB9];
	_ =	sdelay $0x3  }
0x36: {  	p1 =	seq.s32 s10, $0x1;
	s10 =	sld [smem:$0x3FBA];
	_ =	sdelay $0x3  }
0x37: {  	[smem:$0x3FBA] =	sst s10  }
0x38: {  	s10 =	sld [smem:$0x3FBB]  }
0x39: {  	_ = 	snop;
	(pc) =	sbr.ind lr, $3  }
0x3a: {  	_ = 	snop  }
0x3b: {  	_ = 	snop  }
0x3c: {  	p2 =	seq.s32 s10, $0x1;
	s10 =	sld [smem:$0x3FBA]  }
0x3d: {  	_ =	shalt  }
0x3e: {  	_ =	shalt  }
0x3f: {  	_ =	shalt  }
0x40: {  	_ =	shalt  }
0x41: {  	_ =	shalt  }
0x42: {  	_ =	shalt  }
0x43: {  	_ =	shalt  }
0x44: {  	_ =	shalt  }
0x45: {  	_ =	shalt  }
0x46: {  	_ =	shalt  }
0x47: {  	_ =	shalt  }
0x48: {  	_ =	shalt  }
0x49: {  	_ =	shalt  }
0x4a: {  	_ =	shalt  }
0x4b: {  	_ =	shalt  }
0x4c: {  	_ =	shalt  }
0x4d: {  	_ =	shalt  }
0x4e: {  	_ =	shalt  }
0x4f: {  	_ =	shalt  }
0x50: {  	_ =	shalt  }
0x51: {  	_ =	shalt  }
0x52: {  	_ =	shalt  }
0x53: {  	_ =	shalt  }
0x54: {  	_ =	shalt  }
0x55: {  	_ =	shalt  }
0x56: {  	_ =	shalt  }
0x57: {  	_ =	shalt  }
0x58: {  	_ =	shalt  }
0x59: {  	_ =	shalt  }
0x5a: {  	_ =	shalt  }
0x5b: {  	_ =	shalt  }
0x5c: {  	_ =	shalt  }
0x5d: {  	_ =	shalt  }
0x5e: {  	_ =	shalt  }
0x5f: {  	_ =	shalt  }
0x60: {  	_ =	shalt  }
0x61: {  	_ =	shalt  }
0x62: {  	_ =	shalt  }
0x63: {  	_ =	shalt  }
0x64: {  	_ =	shalt  }
0x65: {  	_ =	shalt  }
0x66: {  	_ =	shalt  }
0x67: {  	_ =	shalt  }
0x68: {  	_ =	shalt  }
0x69: {  	_ =	shalt  }
0x6a: {  	_ =	shalt  }
0x6b: {  	_ =	shalt  }
0x6c: {  	_ =	shalt  }
0x6d: {  	_ =	shalt  }
0x6e: {  	_ =	shalt  }
0x6f: {  	_ =	shalt  }
0x70: {  	_ =	shalt  }
0x71: {  	_ =	shalt  }
0x72: {  	_ =	shalt  }
0x73: {  	_ =	shalt  }
0x74: {  	_ =	shalt  }
0x75: {  	_ =	shalt  }
0x76: {  	_ =	shalt  }
0x77: {  	_ =	shalt  }
0x78: {  	_ =	shalt  }
0x79: {  	_ =	shalt  }
0x7a: {  	_ =	shalt  }
0x7b: {  	_ =	shalt  }
0x7c: {  	_ =	shalt  }
0x7d: {  	_ =	shalt  }
0x7e: {  	_ =	shalt  }
0x7f: {  	_ =	shalt  }
0x80: {  	_ =	shalt  }
0x81: {  	_ =	shalt  }
0x82: {  	_ =	shalt  }
0x83: {  	_ =	shalt  }
0x84: {  	_ =	shalt  }
0x85: {  	_ =	shalt  }
0x86: {  	_ =	shalt  }
0x87: {  	_ =	shalt  }
.Lfunc_end0:
.L_simem_size_0:
called_computation.1_lowered:
.L_overlay_start_0:
0x88: {  	s2 =	sld [smem:$0x3FD9]  }
0x89: {  	s3 =	sld [smem:$0x3FFE];
	_ =	sdelay $0x1  }
0x8a: {  	s1 =	srdreg.scid  }
0x8b: {  	s0 =	sand.u32 $0x1, s1  }
0x8c: {  	s17 =	sshll.u32 s0, $0xA;
	s2 =	sadd.s32 s3, s2  }
0x8d: {  	s2 =	sadd.s32 s2, s17  }
0x8e: {  	[smem:$0x3FC6] =	sst s2  }
0x8f: {  	_ = 	snop  }
0x90: {  	s2 =	sld [smem:$0x3FD0];
	(tm) =	ssettm $0x1  }
0x91: {  	s18 =	sld [smem:$0x3FFB];
	_ =	sdelay $0x3  }
0x92: {  	_ =	strace s18  }
0x93: {  	s3 =	sld [smem:$0x3FFC];
	_ =	sdelay $0x3  }
0x94: {  	_ =	strace s3  }
0x95: {  	s3 =	sld [smem:$0x3FFD];
	_ =	sdelay $0x3  }
0x96: {  	_ =	strace s3  }
0x97: {  	_ =	strace $0x8FFFFFFF  }
0x98: {  	s19 =	sld [smem:$0x3FDB];
	_ =	sdelay $0x1  }
0x99: {  	s4 =	simm.s32 $_scs_section_size  }
0x9a: {  	s5 =	simm.s32 $_size__tile_overlayer_lowered;
	s6 =	simm.s32 $_tile_overlayer_lowered  }
0x9b: {  	s22 =	simm.s32 $0x1BFF;
	s21 =	sshll.u32 s6, $0x1;
	s3 =	sadd.s32 s4, s19  }
0x9c: {  	s7 =	simm.s32 $0x0;
	s20 =	sshll.u32 s5, $0x1;
	s5 =	sadd.s32 s21, s3  }
0x9d: {  	[timem:s7], [sflag:s22] =	dma.local [hbm:s5], s20  }
0x9e: {  	_ =	swait.ge [sflag:s22], s20  }
0x9f: {  	s4 =	ssub.s32 $0x0, s20;
	[sflag:s22] =	ssyncset.done $0x0  }
0xa0: {  	[sflag:s22] =	ssyncadd.s32 s4;
	_ =	sdelay $0x1  }
0xa1: {  	s23 =	simm.s32 $0x1B8B  }
0xa2: {  	_ =	swait.ge [sflag:s23], $0x1  }
0xa3: {  	[sflag:s23] =	ssyncset.done $0x0  }
0xa4: {  	s25 =	simm.s32 $0x1B8E;
	s24 =	sld [smem:$0x3FFE];
	[sflag:s23] =	ssyncadd.s32 $0xFFFFFFFF  }
0xa5: {  	s26 =	simm.s32 $execute0_lowered;
	[smem:$0x3FD2] =	sst s25  }
0xa6: {  	s5 =	sshll.u32 s26, $0x1;
	_ =	strace $0x80000046;
	[dreg:$0x1] =	wrdreg $0xFFFFFFFF  }
0xa7: {  	s28 =	simm.s32 $_size_execute0_lowered;
	s3 =	sadd.s32 s3, s5;
	[dreg:$0x0] =	wrdreg $0x0  }
0xa8: {  	s5 =	sshll.u32 s28, $0x1;
	[dreg:$0x2] =	wrdreg s3  }
0xa9: {  	[dreg:$0x3] =	wrdreg s5  }
0xaa: {  	[dreg:$0x4] =	wrdreg $0xC0  }
0xab: {  	_ =	task [dreg:s7], $0x5FFFF  }
0xac: {  	[dreg:$0x1] =	wrdreg $0xFFFFFFFF  }
0xad: {  	[dreg:$0x0] =	wrdreg $0x60  }
0xae: {  	[dreg:$0x2] =	wrdreg s24  }
0xaf: {  	[dreg:$0x3] =	wrdreg s2  }
0xb0: {  	[dreg:$0x4] =	wrdreg $0x9  }
0xb1: {  	_ =	task.clear_ibuf [dreg:s7], $0x5FFFF;
	_ =	strace $0x90000046  }
0xb2: {  	s29 =	simm.s32 $0x9;
	_ =	strace $0x80000048  }
0xb3: {  	_ =	swait.ge [sflag:s29], $0x1  }
0xb4: {  	[sflag:s29] =	ssyncadd.s32 $0xFFFFFFFF  }
0xb5: {  	_ =	strace $0x90000048  }
0xb6: {  	_ =	sfence  }
0xb7: {  	s30 =	sld [smem:$0x0];
	_ =	sdelay $0x2  }
0xb8: {  	s31 =	sshll.u32 s1, $0xD;
	s1 =	sshrl.u32 s1, $0x2  }
0xb9: {  	s3 =	sand.u32 $0x4000, s31;
	s1 =	sadd.s32 s1, s30  }
0xba: {  	s0 =	sor.u32 s3, s0;
	s1 =	sshll.u32 s1, $0x11  }
0xbb: {  	s0 =	sor.u32 s1, s0  }
0xbc: {  	s0 =	sadd.s32 $0x8F2B, s0  }
0xbd: {  	[sflag:s0] =	ssyncadd.remote.s32 $0x1  }
0xbe: {  	_ =	sfence.sel $0xFFFF  }
0xbf: {  	[dreg:$0x0] =	wrdreg $0xFFFFFFFF;
	(pc) =	sbr.abs _section_cstart, $3  }
0xc0: {  	[dreg:$0x1] =	wrdreg $0xFFFFFFFF  }
0xc1: {  	_ =	task.clear_ibuf [dreg:s7], $0x2FFFF;
	_ =	strace $0x9FFFFFFF  }
0xc2: {  	(tm) =	ssettm $0x7FFFFFFF  }
0xc3: {  	_ =	shalt  }
tec
execute0_lowered:
.L_overlay_start_1:
0x0: {  	(tag) =	ssettag $0x1  }
0x1: {  	s4 =	rddreg [dreg:$0x0]  }
0x2: {  	s2 =	rddreg [dreg:$0x1]  }
0x3: {  	s0 =	rddreg [dreg:$0x2];
	s3 =	simm.s32 $0x0  }
0x4: {  	s1 =	stileid.u32;
	s5 =	srdreg.scid;
	s10 =	simm.s32 $0x2080  }
0x5: {  	s11 =	simm.s32 $0x2100;
	s12 =	simm.s32 $0x0;
	[smem:$0x7FF] =	sst s3  }
0x6: {  	s6 =	sshll.u32 s1, $0xE;
	s5 =	sand.u32 $0x1, s5;
	s7 =	sshll.u32 s1, $0x1  }
0x7: {  	_ =	strace $0x80000047;
	s6 =	sand.u32 $0x38000, s6;
	s7 =	sor.u32 s5, s7  }
0x8: {  	s5 =	ssub.s32 $0x2, s5;
	s6 =	sadd.s32 s6, s4;
	s8 =	sshll.u32 s7, $0xD  }
0x9: {  	s7 =	sshll.u32 s7, $0x1;
	s9 =	sshrl.u32 s5, $0x1;
	s8 =	sand.u32 $0x6000, s8  }
0xa: {  	s7 =	sadd.s32 s7, s4;
	s9 =	ssub.s32 s5, s9;
	s31 =	sadd.s32 s8, s6  }
0xb: {  	s5 =	sadd.s32 $0x41200, s7;
	s6 =	sadd.s32 $0x41000, s7;
	s7 =	smax.u32 s9, $0x1  }
0xc: {  	v0 =	vimm.s32 $0x0;
	s8 =	simm.s32 $0x2000;
	s9 =	simm.s32 $0x1;
	s4 =	sadd.s32 $0x800, s31  }
.LBB2_1:
0xd: {  	[tilespmem:s8], [sflag:$0x1] =	stream.linear.gather [hbm4b:s2+s3], $0x80, $0x38;
	[tilespmem:$0x2180] =	vst v63  }
0xe: {  	_ =	swait.ge [sflag:s9], $0x80  }
0xf: {  	[sflag:s9] =	ssyncset.done $0x0  }
0x10: {  	v2 =	vimm.f32 $0.0e+00;
	v5 =	vimm.s32 $0x0;
	s13 =	simm.s32 $0x0;
	[sflag:s9] =	ssyncadd.s32 $0xFFFFFF80  }
.LBB2_2:
0x11: {  	s14 =	sshll.u32 s13, $0xA  }
0x12: {  	s15 =	simm.s32 $0x0;
	s14 =	sadd.s32 s14, s4  }
0x13: {  	[tilespmem:s15], [sflag:$0x1] =	stream.linear.gather [hbm4b:s14+s15], $0x2000, $0x38;
	[tilespmem:$0x2180] =	vst v63  }
0x14: {  	_ =	swait.ge [sflag:s9], $0x2000  }
0x15: {  	[sflag:s9] =	ssyncset.done $0x0  }
0x16: {  	s30 =	sand.u32 $0x1000, s15;
	s15 =	sand.u32 $0x380, s15;
	[sflag:s9] =	ssyncadd.s32 $0xFFFFE000  }
0x17: {  	s14 =	sor.u32 s15, s30;
	v1 =	vld [tilespmem:$0x2000]  }
0x18: {  	v3 =	vld [tilespmem:s14+$0x0];
	_ =	sdelay $0x1  }
0x19: {  	v4 =	vld [tilespmem:s14+$0x10];
	_ =	sdelay $0x1  }
0x1a: {  	v6 =	vld [tilespmem:s14+$0x20]  }
0x1b: {  	vm0 =	vgt.f32 v3, v1  }
0x1c: {  	v7 =	vld [tilespmem:s14+$0x30];
	v3 =	vnsel vm0, $0x0, v3  }
0x1d: {  	vm1 =	vgt.f32 v4, v1;
	v2 =	vadd.f32 v3, v2  }
0x1e: {  	v3 =	vnsel vm1, $0x0, v4;
	v4 =	vld [tilespmem:s14+$0x40]  }
0x1f: {  	vm3 =	vgt.f32 v6, v1;
	v2 =	vadd.f32 v3, v2  }
0x20: {  	v3 =	vnsel vm3, $0x0, v6;
	v6 =	vld [tilespmem:s14+$0x50]  }
0x21: {  	vm2 =	vgt.f32 v7, v1;
	v2 =	vadd.f32 v3, v2  }
0x22: {  	v3 =	vnsel vm2, $0x0, v7;
	v7 =	vld [tilespmem:s14+$0x60]  }
0x23: {  	vm4 =	vgt.f32 v4, v1;
	v2 =	vadd.f32 v3, v2  }
0x24: {  	v3 =	vnsel vm4, $0x0, v4;
	v4 =	vld [tilespmem:s14+$0x70]  }
0x25: {  	vm6 =	vgt.f32 v6, v1;
	v2 =	vadd.f32 v3, v2  }
0x26: {  	v3 =	vnsel vm6, $0x0, v6;
	v6 =	vld [tilespmem:s14+$0x400]  }
0x27: {  	vm5 =	vgt.f32 v7, v1;
	v2 =	vadd.f32 v3, v2  }
0x28: {  	v3 =	vnsel vm5, $0x0, v7;
	v7 =	vld [tilespmem:s14+$0x410]  }
0x29: {  	vm7 =	vgt.f32 v4, v1;
	v2 =	vadd.f32 v3, v2  }
0x2a: {  	v3 =	vnsel vm7, $0x0, v4;
	v4 =	vld [tilespmem:s14+$0x420]  }
0x2b: {  	vm8 =	vgt.f32 v6, v1;
	v2 =	vadd.f32 v3, v2  }
0x2c: {  	v3 =	vnsel vm8, $0x0, v6;
	v6 =	vld [tilespmem:s14+$0x430]  }
0x2d: {  	vm9 =	vgt.f32 v7, v1;
	v2 =	vadd.f32 v3, v2  }
0x2e: {  	v3 =	vnsel vm9, $0x0, v7;
	v7 =	vld [tilespmem:s14+$0x440]  }
0x2f: {  	vm10 =	vgt.f32 v4, v1;
	v2 =	vadd.f32 v3, v2  }
0x30: {  	v8 =	vld [tilespmem:s14+$0x450];
	v3 =	vnsel vm10, $0x0, v4  }
0x31: {  	v9 =	vsel vm0, $0x1, v0;
	vm11 =	vgt.f32 v6, v1;
	v2 =	vadd.f32 v3, v2  }
0x32: {  	v10 =	vsel vm1, $0x1, v0;
	v11 =	vsel vm3, $0x1, v0;
	v3 =	vnsel vm11, $0x0, v6;
	v6 =	vld [tilespmem:s14+$0x460]  }
0x33: {  	v18 =	vld [tilespmem:s14+$0x810];
	v5 =	vadd.s32 v9, v5;
	vm0 =	vgt.f32 v7, v1;
	v3 =	vadd.f32 v3, v2  }
0x34: {  	v12 =	vsel vm2, $0x1, v0;
	v5 =	vadd.s32 v10, v5;
	v4 =	vnsel vm0, $0x0, v7;
	v7 =	vld [tilespmem:s14+$0x470]  }
0x35: {  	vm1 =	vgt.f32 v8, v1;
	v5 =	vadd.s32 v11, v5;
	v3 =	vadd.f32 v4, v3  }
0x36: {  	v8 =	vnsel vm1, $0x0, v8;
	v10 =	vsel vm1, $0x1, v0;
	v5 =	vadd.s32 v12, v5  }
0x37: {  	v15 =	vld [tilespmem:s14+$0x800];
	v13 =	vsel vm4, $0x1, v0;
	vm2 =	vgt.f32 v6, v1;
	v3 =	vadd.f32 v8, v3  }
0x38: {  	vm1 =	vgt.f32 v18, v1;
	v5 =	vadd.s32 v13, v5;
	v6 =	vnsel vm2, $0x0, v6  }
0x39: {  	v14 =	vsel vm6, $0x1, v0;
	vm3 =	vgt.f32 v7, v1;
	v6 =	vadd.f32 v6, v3  }
0x3a: {  	v18 =	vnsel vm1, $0x0, v18;
	v5 =	vadd.s32 v14, v5;
	v7 =	vnsel vm3, $0x0, v7  }
0x3b: {  	v16 =	vsel vm7, $0x1, v0;
	v8 =	vsel vm5, $0x1, v0;
	v6 =	vadd.f32 v7, v6;
	v7 =	vld [tilespmem:s14+$0x820]  }
0x3c: {  	v17 =	vsel vm8, $0x1, v0;
	vm5 =	vgt.f32 v15, v1;
	v5 =	vadd.s32 v8, v5  }
0x3d: {  	v9 =	vld [tilespmem:s14+$0x830];
	v19 =	vsel vm9, $0x1, v0;
	v15 =	vnsel vm5, $0x0, v15;
	v5 =	vadd.s32 v16, v5  }
0x3e: {  	v20 =	vsel vm10, $0x1, v0;
	v5 =	vadd.s32 v17, v5;
	v6 =	vadd.f32 v15, v6  }
0x3f: {  	v11 =	vld [tilespmem:s14+$0x840];
	v21 =	vsel vm11, $0x1, v0;
	v22 =	vsel vm0, $0x1, v0;
	v5 =	vadd.s32 v19, v5  }
0x40: {  	v5 =	vadd.s32 v20, v5;
	v6 =	vadd.f32 v18, v6;
	vm4 =	vgt.f32 v7, v1  }
0x41: {  	v53 =	vld [tilespmem:s14+$0x850];
	v54 =	vsel vm5, $0x1, v0;
	v5 =	vadd.s32 v21, v5;
	v7 =	vnsel vm4, $0x0, v7  }
0x42: {  	v63 =	vld [tilespmem:s14+$0xC40];
	vm5 =	vgt.f32 v9, v1;
	v5 =	vadd.s32 v22, v5;
	v6 =	vadd.f32 v7, v6  }
0x43: {  	v55 =	vld [tilespmem:s14+$0x860];
	v51 =	vsel vm2, $0x1, v0;
	v8 =	vnsel vm5, $0x0, v9;
	v5 =	vadd.s32 v10, v5  }
0x44: {  	v61 =	vld [tilespmem:s14+$0xC30];
	v7 =	vsel vm1, $0x1, v0;
	vm1 =	vgt.f32 v11, v1;
	v6 =	vadd.f32 v8, v6  }
0x45: {  	v52 =	vsel vm3, $0x1, v0;
	v9 =	vld [tilespmem:s14+$0x870];
	v5 =	vadd.s32 v51, v5;
	v11 =	vnsel vm1, $0x0, v11  }
0x46: {  	v8 =	vsel vm4, $0x1, v0;
	vm4 =	vgt.f32 v53, v1;
	v6 =	vadd.f32 v11, v6  }
0x47: {  	v56 =	vld [tilespmem:s14+$0xC00];
	vm12 =	vgt.f32 v63, v1;
	v5 =	vadd.s32 v52, v5;
	v57 =	vnsel vm4, $0x0, v53  }
0x48: {  	v2 =	vld [tilespmem:s14+$0xC70];
	v11 =	vsel vm5, $0x1, v0;
	vm5 =	vgt.f32 v55, v1;
	v6 =	vadd.f32 v57, v6  }
0x49: {  	v58 =	vld [tilespmem:s14+$0xC10];
	vm8 =	vgt.f32 v61, v1;
	v5 =	vadd.s32 v54, v5;
	v14 =	vnsel vm5, $0x0, v55  }
0x4a: {  	v4 =	vld [tilespmem:s14+$0xC50];
	v59 =	vsel vm1, $0x1, v0;
	vm1 =	vgt.f32 v9, v1;
	v6 =	vadd.f32 v14, v6  }
0x4b: {  	v10 =	vld [tilespmem:s14+$0xC20];
	v5 =	vadd.s32 v7, v5;
	v9 =	vnsel vm1, $0x0, v9;
	v60 =	vsel vm4, $0x1, v0  }
0x4c: {  	vm4 =	vgt.f32 v56, v1;
	v5 =	vadd.s32 v8, v5;
	v6 =	vadd.f32 v9, v6  }
0x4d: {  	vm10 =	vgt.f32 v2, v1;
	v62 =	vnsel vm4, $0x0, v56;
	v5 =	vadd.s32 v11, v5  }
0x4e: {  	v3 =	vld [tilespmem:s14+$0xC60];
	v9 =	vsel vm5, $0x1, v0;
	vm5 =	vgt.f32 v58, v1;
	v6 =	vadd.f32 v62, v6  }
0x4f: {  	vm9 =	vgt.f32 v4, v1;
	v5 =	vadd.s32 v59, v5;
	v8 =	vnsel vm5, $0x0, v58  }
0x50: {  	vm13 =	vgt.f32 v10, v1;
	v5 =	vadd.s32 v60, v5;
	v6 =	vadd.f32 v8, v6  }
0x51: {  	v7 =	vsel vm1, $0x1, v0;
	v5 =	vadd.s32 v9, v5;
	v8 =	vnsel vm13, $0x0, v10  }
0x52: {  	v11 =	vsel vm4, $0x1, v0;
	v5 =	vadd.s32 v7, v5;
	v8 =	vadd.f32 v8, v6  }
0x53: {  	s31 =	simm.s32 $0x200;
	vm11 =	vgt.f32 v3, v1;
	s14 =	simm.s32 $0x80;
	v9 =	vnsel vm8, $0x0, v61;
	v7 =	vadd.s32 v11, v5  }
0x54: {  	s16 =	sand.u32 $0x1000, s31;
	s15 =	simm.s32 $0x400;
	s17 =	sand.u32 $0x380, s14;
	v5 =	vnsel vm12, $0x0, v63;
	v6 =	vsel vm5, $0x1, v0;
	v8 =	vadd.f32 v9, v8  }
.LBB2_3:
0x55: {  	s16 =	sor.u32 s17, s16  }
0x56: {  	v5 =	vadd.f32 v5, v8;
	v8 =	vld [tilespmem:s16+$0x0]  }
0x57: {  	v56 =	vld [tilespmem:s16+$0x70]  }
0x58: {  	v57 =	vld [tilespmem:s16+$0x400]  }
0x59: {  	v6 =	vadd.s32 v6, v7;
	v7 =	vsel vm13, $0x1, v0;
	v4 =	vnsel vm9, $0x0, v4;
	v15 =	vld [tilespmem:s16+$0x410]  }
0x5a: {  	v3 =	vnsel vm11, $0x0, v3;
	v2 =	vnsel vm10, $0x0, v2;
	v10 =	vsel vm10, $0x1, v0;
	v16 =	vld [tilespmem:s16+$0x420]  }
0x5b: {  	v13 =	vimm.s32 $0x0;
	v20 =	vimm.s32 $0x0;
	v21 =	vimm.s32 $0x0;
	v17 =	vld [tilespmem:s16+$0x430]  }
0x5c: {  	v63 =	vimm.s32 $0x0;
	v25 =	vimm.s32 $0x0;
	v22 =	vimm.s32 $0x0;
	v59 =	vld [tilespmem:s16+$0x850]  }
0x5d: {  	v27 =	vimm.s32 $0x0;
	v29 =	vimm.s32 $0x0;
	v23 =	vimm.s32 $0x0;
	v18 =	vld [tilespmem:s16+$0x440]  }
0x5e: {  	v31 =	vimm.s32 $0x0;
	v6 =	vadd.s32 v7, v6;
	v7 =	vsel vm8, $0x1, v0;
	v60 =	vld [tilespmem:s16+$0x840]  }
0x5f: {  	v61 =	vld [tilespmem:s16+$0x830];
	v6 =	vadd.s32 v7, v6;
	v7 =	vsel vm12, $0x1, v0;
	v4 =	vadd.f32 v4, v5  }
0x60: {  	v32 =	vimm.s32 $0x0;
	v62 =	vld [tilespmem:s16+$0x460];
	v6 =	vadd.s32 v7, v6;
	v7 =	vsel vm9, $0x1, v0  }
0x61: {  	v5 =	vld [tilespmem:s16+$0x10];
	v6 =	vadd.s32 v7, v6;
	v4 =	vadd.f32 v3, v4;
	v3 =	vsel vm11, $0x1, v0  }
0x62: {  	v28 =	vld [tilespmem:s16+$0x810];
	v6 =	vadd.s32 v3, v6;
	vm0 =	vgt.f32 v8, v1;
	vm14 =	vgt.f32 v56, v1  }
0x63: {  	v7 =	vld [tilespmem:s16+$0x20];
	vm13 =	vgt.f32 v57, v1;
	vm12 =	vgt.f32 v15, v1;
	vm7 =	vgt.f32 v16, v1  }
0x64: {  	v9 =	vld [tilespmem:s16+$0xC70];
	vm6 =	vgt.f32 v17, v1;
	vm9 =	vgt.f32 v18, v1;
	v14 =	vadd.f32 v2, v4  }
0x65: {  	vm2 =	vgt.f32 v62, v1;
	vm8 =	vgt.f32 v60, v1;
	v4 =	vnsel vm0, $0x0, v8;
	v8 =	vld [tilespmem:s16+$0x30]  }
0x66: {  	v11 =	vadd.s32 v10, v6;
	vm1 =	vgt.f32 v5, v1;
	v6 =	vadd.f32 v4, v14  }
0x67: {  	vm11 =	vgt.f32 v59, v1;
	vm10 =	vgt.f32 v61, v1;
	v10 =	vld [tilespmem:s16+$0x40];
	v5 =	vnsel vm1, $0x0, v5  }
0x68: {  	vm3 =	vgt.f32 v28, v1;
	vm5 =	vgt.f32 v7, v1;
	v6 =	vadd.f32 v5, v6  }
0x69: {  	v2 =	vmovc v9;
	v9 =	vld [tilespmem:s16+$0x50];
	v15 =	vnsel vm12, $0x0, v15;
	v16 =	vnsel vm7, $0x0, v16;
	v7 =	vnsel vm5, $0x0, v7  }
0x6a: {  	v17 =	vnsel vm6, $0x0, v17;
	vm4 =	vgt.f32 v8, v1;
	v7 =	vadd.f32 v7, v6  }
0x6b: {  	v55 =	vld [tilespmem:s16+$0x60];
	v18 =	vnsel vm9, $0x0, v18;
	v5 =	vimm.s32 $0x0;
	v8 =	vnsel vm4, $0x0, v8  }
0x6c: {  	v30 =	vld [tilespmem:s16+$0x800];
	v5 =	vsel vm5, $0xFFFFFFFF, v5;
	vm5 =	vgt.f32 v10, v1;
	v8 =	vadd.f32 v8, v7  }
0x6d: {  	v33 =	vnsel vm2, $0x0, v62;
	v6 =	vimm.s32 $0x0;
	v10 =	vnsel vm5, $0x0, v10  }
0x6e: {  	v6 =	vsel vm4, $0xFFFFFFFF, v6;
	vm4 =	vgt.f32 v9, v1;
	v10 =	vadd.f32 v10, v8  }
0x6f: {  	v12 =	vsel vm1, $0xFFFFFFFF, v13;
	v7 =	vimm.s32 $0x0;
	v9 =	vnsel vm4, $0x0, v9  }
0x70: {  	v7 =	vsel vm5, $0xFFFFFFFF, v7;
	vm5 =	vgt.f32 v55, v1;
	v10 =	vadd.f32 v9, v10  }
0x71: {  	v19 =	vld [tilespmem:s16+$0x450];
	v35 =	vsel vm0, $0x1, v0;
	vm0 =	vgt.f32 v30, v1;
	[tilespmem:$0x1FF00] =	vst v12;
	v12 =	vnsel vm5, $0x0, v55  }
0x72: {  	v26 =	vld [tilespmem:s16+$0x470];
	v43 =	vsel vm14, $0x1, v0;
	v44 =	vsel vm13, $0x1, v0;
	v12 =	vadd.f32 v12, v10  }
0x73: {  	v46 =	vsel vm12, $0x1, v0;
	v48 =	vsel vm7, $0x1, v0;
	v4 =	vld [tilespmem:s16+$0xC50];
	v13 =	vnsel vm14, $0x0, v56  }
0x74: {  	v3 =	vld [tilespmem:s16+$0xC60];
	v49 =	vsel vm6, $0x1, v0;
	v50 =	vsel vm9, $0x1, v0;
	v12 =	vadd.f32 v13, v12  }
0x75: {  	v54 =	vsel vm2, $0x1, v0;
	v11 =	vadd.s32 v35, v11;
	v14 =	vnsel vm13, $0x0, v57;
	[tilespmem:$0x1FF10] =	vst v5;
	v5 =	vld [tilespmem:s16+$0xC40]  }
0x76: {  	v37 =	vnsel vm0, $0x0, v30;
	[tilespmem:$0x1FF30] =	vst v7;
	v7 =	vld [tilespmem:s16+$0xC20];
	v8 =	vimm.s32 $0x0;
	v12 =	vadd.f32 v14, v12  }
0x77: {  	[tilespmem:$0x1FF20] =	vst v6;
	v6 =	vld [tilespmem:s16+$0xC30];
	v8 =	vsel vm4, $0xFFFFFFFF, v8;
	vm4 =	vgt.f32 v2, v1;
	v9 =	vimm.s32 $0x0  }
0x78: {  	[tilespmem:$0x1FF40] =	vst v8;
	v8 =	vld [tilespmem:s16+$0xC10];
	v9 =	vsel vm5, $0xFFFFFFFF, v9;
	vm5 =	vgt.f32 v4, v1;
	v12 =	vadd.f32 v15, v12  }
0x79: {  	v20 =	vsel vm4, $0xFFFFFFFF, v20;
	vm4 =	vgt.f32 v3, v1;
	[tilespmem:$0x1FF50] =	vst v9;
	v10 =	vld [tilespmem:s16+$0x870];
	v21 =	vsel vm5, $0xFFFFFFFF, v21  }
0x7a: {  	v9 =	vld [tilespmem:s16+$0xC00];
	vm5 =	vgt.f32 v5, v1;
	[tilespmem:$0x1FF80] =	vst v21;
	v21 =	vsel vm4, $0xFFFFFFFF, v63;
	v12 =	vadd.f32 v16, v12  }
0x7b: {  	v58 =	vld [tilespmem:s16+$0x860];
	vm1 =	vgt.f32 v26, v1;
	vm4 =	vgt.f32 v7, v1;
	[tilespmem:$0x1FFF0] =	vst v21;
	v21 =	vsel vm5, $0xFFFFFFFF, v25  }
0x7c: {  	v36 =	vld [tilespmem:$0x1FF00];
	v22 =	vsel vm4, $0xFFFFFFFF, v22;
	vm5 =	vgt.f32 v6, v1;
	v12 =	vadd.f32 v17, v12  }
0x7d: {  	[tilespmem:$0x1FF60] =	vst v22;
	v22 =	vsel vm5, $0xFFFFFFFF, v27;
	vm5 =	vgt.f32 v19, v1;
	vm4 =	vgt.f32 v8, v1  }
0x7e: {  	v38 =	vld [tilespmem:$0x1FF10];
	[tilespmem:$0x1FFE0] =	vst v22;
	v22 =	vsel vm4, $0xFFFFFFFF, v29;
	vm4 =	vgt.f32 v10, v1;
	v12 =	vadd.f32 v18, v12  }
0x7f: {  	v39 =	vld [tilespmem:$0x1FF20];
	v19 =	vnsel vm5, $0x0, v19;
	v23 =	vsel vm4, $0xFFFFFFFF, v23;
	vm4 =	vgt.f32 v9, v1  }
0x80: {  	v40 =	vld [tilespmem:$0x1FF30];
	[tilespmem:$0x1FFA0] =	vst v23;
	v23 =	vsel vm4, $0xFFFFFFFF, v31;
	vm4 =	vgt.f32 v58, v1;
	v12 =	vadd.f32 v19, v12  }
0x81: {  	v24 =	vld [tilespmem:s16+$0x820];
	v57 =	vsel vm0, $0x1, v0;
	vm15 =	vnez.u8 v36;
	v19 =	vsel vm4, $0xFFFFFFFF, v32  }
0x82: {  	v34 =	vnsel vm1, $0x0, v26;
	v41 =	vld [tilespmem:$0x1FF40];
	[tilespmem:$0x1FF90] =	vst v19;
	v19 =	vsel vm15, $0x1, v0;
	v12 =	vadd.f32 v33, v12  }
0x83: {  	v42 =	vld [tilespmem:$0x1FF50];
	v18 =	vnsel vm3, $0x0, v28;
	vm15 =	vnez.u8 v38;
	v11 =	vadd.s32 v19, v11  }
0x84: {  	v19 =	vsel vm15, $0x1, v0;
	vm15 =	vnez.u8 v39;
	v12 =	vadd.f32 v34, v12  }
0x85: {  	v11 =	vadd.s32 v19, v11;
	v19 =	vsel vm15, $0x1, v0;
	vm15 =	vnez.u8 v40  }
0x86: {  	v11 =	vadd.s32 v19, v11;
	v19 =	vsel vm15, $0x1, v0;
	v12 =	vadd.f32 v37, v12  }
0x87: {  	vm4 =	vgt.f32 v24, v1;
	vm15 =	vnez.u8 v41;
	v11 =	vadd.s32 v19, v11  }
0x88: {  	v51 =	vld [tilespmem:$0x1FF80];
	v12 =	vadd.f32 v18, v12;
	v18 =	vsel vm15, $0x1, v0;
	vm15 =	vnez.u8 v42  }
0x89: {  	[tilespmem:$0x1FF70] =	vst v21;
	v45 =	vld [tilespmem:$0x1FF60];
	v17 =	vnsel vm4, $0x0, v24;
	v11 =	vadd.s32 v18, v11;
	v18 =	vsel vm15, $0x1, v0  }
0x8a: {  	v55 =	vsel vm1, $0x1, v0;
	v47 =	vld [tilespmem:$0x1FF70];
	v12 =	vadd.f32 v17, v12;
	v11 =	vadd.s32 v18, v11  }
0x8b: {  	v14 =	vnsel vm11, $0x0, v59;
	v16 =	vnsel vm10, $0x0, v61;
	v53 =	vld [tilespmem:$0x1FF90];
	v11 =	vadd.s32 v43, v11  }
0x8c: {  	v52 =	vsel vm5, $0x1, v0;
	[tilespmem:$0x1FFB0] =	vst v23;
	v56 =	vld [tilespmem:$0x1FFA0];
	v12 =	vadd.f32 v16, v12;
	v11 =	vadd.s32 v44, v11  }
0x8d: {  	v15 =	vnsel vm8, $0x0, v60;
	vm9 =	vnez.u8 v51;
	v59 =	vld [tilespmem:$0x1FFB0];
	v11 =	vadd.s32 v46, v11  }
0x8e: {  	vm13 =	vnez.u8 v45;
	v12 =	vadd.f32 v15, v12;
	v11 =	vadd.s32 v48, v11  }
0x8f: {  	[tilespmem:$0x1FFD0] =	vst v22;
	vm12 =	vnez.u8 v47;
	v7 =	vnsel vm13, $0x0, v7;
	v11 =	vadd.s32 v49, v11  }
0x90: {  	v62 =	vld [tilespmem:$0x1FFD0];
	vm5 =	vnez.u8 v53;
	v12 =	vadd.f32 v14, v12;
	v11 =	vadd.s32 v50, v11  }
0x91: {  	vm2 =	vnez.u8 v56;
	v13 =	vnsel vm5, $0x0, v58;
	v11 =	vadd.s32 v52, v11  }
0x92: {  	vm1 =	vnez.u8 v59;
	v12 =	vadd.f32 v13, v12;
	v11 =	vadd.s32 v54, v11  }
0x93: {  	[tilespmem:$0x1FFC0] =	vst v20;
	v63 =	vld [tilespmem:$0x1FFE0];
	v10 =	vnsel vm2, $0x0, v10;
	v9 =	vnsel vm1, $0x0, v9;
	v11 =	vadd.s32 v55, v11  }
0x94: {  	v61 =	vld [tilespmem:$0x1FFC0];
	v58 =	vsel vm3, $0x1, v0;
	v10 =	vadd.f32 v10, v12;
	v11 =	vadd.s32 v57, v11  }
0x95: {  	v60 =	vsel vm4, $0x1, v0;
	vm4 =	vnez.u8 v62;
	v11 =	vadd.s32 v58, v11  }
0x96: {  	v9 =	vadd.f32 v9, v10;
	v10 =	vadd.s32 v60, v11;
	v11 =	vsel vm10, $0x1, v0  }
0x97: {  	v8 =	vnsel vm4, $0x0, v8;
	v10 =	vadd.s32 v11, v10;
	v11 =	vsel vm8, $0x1, v0  }
0x98: {  	p0 =	sne.s32 s15, $0x1E00;
	v5 =	vnsel vm12, $0x0, v5;
	v8 =	vadd.f32 v8, v9;
	v9 =	vadd.s32 v11, v10;
	v11 =	vld [tilespmem:$0x1FFF0]  }
.Ltmp0:
0x99: {  	vm10 =	vnez.u8 v61;
	vm8 =	vnez.u8 v63;
	v10 =	vsel vm11, $0x1, v0;
	(pc) =	sbr.rel @p0 .LBB2_3-.Ltmp0, $4  }
0x9a: {  	v9 =	vadd.s32 v10, v9;
	v10 =	vsel vm5, $0x1, v0;
	v7 =	vadd.f32 v7, v8  }
0x9b: {  	v6 =	vnsel vm8, $0x0, v6;
	v8 =	vadd.s32 v10, v9;
	v9 =	vsel vm2, $0x1, v0  }
0x9c: {  	s14 =	sadd.s32 $0x80, s14;
	v10 =	vsel vm1, $0x1, v0;
	v9 =	vadd.s32 v9, v8;
	v8 =	vadd.f32 v6, v7  }
0x9d: {  	s17 =	sand.u32 $0x380, s14;
	s16 =	sand.u32 $0x1000, s15;
	s15 =	sadd.s32 $0x200, s15;
	v7 =	vadd.s32 v10, v9;
	v6 =	vsel vm4, $0x1, v0;
	vm11 =	vnez.u8 v11  }
0x9e: {  	s14 =	sor.u32 s17, s16;
	v5 =	vadd.f32 v5, v8  }
0x9f: {  	v4 =	vnsel vm9, $0x0, v4;
	v32 =	vld [tilespmem:s14+$0x0]  }
0xa0: {  	v4 =	vadd.f32 v4, v5  }
0xa1: {  	v3 =	vnsel vm11, $0x0, v3;
	v5 =	vld [tilespmem:s14+$0x10]  }
0xa2: {  	v3 =	vadd.f32 v3, v4  }
0xa3: {  	v2 =	vnsel vm10, $0x0, v2;
	v4 =	vld [tilespmem:s14+$0x20]  }
0xa4: {  	vm0 =	vgt.f32 v32, v1;
	v2 =	vadd.f32 v2, v3  }
0xa5: {  	v33 =	vld [tilespmem:s14+$0x30];
	v3 =	vnsel vm0, $0x0, v32  }
0xa6: {  	vm1 =	vgt.f32 v5, v1;
	v2 =	vadd.f32 v3, v2  }
0xa7: {  	v3 =	vnsel vm1, $0x0, v5;
	v5 =	vld [tilespmem:s14+$0x40]  }
0xa8: {  	v34 =	vld [tilespmem:s14+$0x60];
	vm3 =	vgt.f32 v4, v1;
	v2 =	vadd.f32 v3, v2  }
0xa9: {  	v3 =	vnsel vm3, $0x0, v4;
	v4 =	vld [tilespmem:s14+$0x50]  }
0xaa: {  	v35 =	vld [tilespmem:s14+$0x410];
	vm2 =	vgt.f32 v33, v1;
	v2 =	vadd.f32 v3, v2  }
0xab: {  	v15 =	vld [tilespmem:s14+$0x440];
	v3 =	vnsel vm2, $0x0, v33  }
0xac: {  	v37 =	vld [tilespmem:s14+$0x450];
	vm5 =	vgt.f32 v5, v1;
	v2 =	vadd.f32 v3, v2  }
0xad: {  	v3 =	vnsel vm5, $0x0, v5;
	v5 =	vld [tilespmem:s14+$0x70]  }
0xae: {  	v40 =	vld [tilespmem:s14+$0x470];
	vm4 =	vgt.f32 v4, v1;
	v2 =	vadd.f32 v3, v2  }
0xaf: {  	v10 =	vsel vm8, $0x1, v0;
	v3 =	vnsel vm4, $0x0, v4;
	v4 =	vld [tilespmem:s14+$0x400]  }
0xb0: {  	v11 =	vsel vm9, $0x1, v0;
	vm7 =	vgt.f32 v34, v1;
	v2 =	vadd.f32 v3, v2  }
0xb1: {  	v13 =	vsel vm11, $0x1, v0;
	v6 =	vadd.s32 v6, v7;
	v3 =	vnsel vm7, $0x0, v34  }
0xb2: {  	vm9 =	vgt.f32 v35, v1;
	vm6 =	vgt.f32 v5, v1;
	v2 =	vadd.f32 v3, v2  }
0xb3: {  	v9 =	vld [tilespmem:s14+$0x420];
	vm14 =	vgt.f32 v15, v1;
	vm15 =	vgt.f32 v37, v1;
	v5 =	vnsel vm6, $0x0, v5  }
0xb4: {  	vm11 =	vgt.f32 v40, v1;
	vm8 =	vgt.f32 v4, v1;
	v2 =	vadd.f32 v5, v2  }
0xb5: {  	v12 =	vld [tilespmem:s14+$0x430];
	v14 =	vsel vm0, $0x1, v0;
	v8 =	vnsel vm9, $0x0, v35;
	v4 =	vnsel vm8, $0x0, v4  }
0xb6: {  	v18 =	vsel vm7, $0x1, v0;
	v39 =	vnsel vm14, $0x0, v15;
	v2 =	vadd.f32 v4, v2  }
0xb7: {  	v21 =	vsel vm14, $0x1, v0;
	v46 =	vnsel vm11, $0x0, v40;
	v47 =	vsel vm15, $0x1, v0  }
0xb8: {  	v5 =	vsel vm12, $0x1, v0;
	vm12 =	vgt.f32 v9, v1;
	v2 =	vadd.f32 v8, v2  }
0xb9: {  	v49 =	vsel vm11, $0x1, v0;
	v3 =	vsel vm13, $0x1, v0;
	v7 =	vnsel vm12, $0x0, v9  }
0xba: {  	vm13 =	vgt.f32 v12, v1;
	v3 =	vadd.s32 v3, v6;
	v2 =	vadd.f32 v7, v2  }
0xbb: {  	v38 =	vld [tilespmem:s14+$0x460];
	v36 =	vsel vm1, $0x1, v0;
	v6 =	vnsel vm13, $0x0, v12;
	v3 =	vadd.s32 v10, v3  }
0xbc: {  	v44 =	vld [tilespmem:s14+$0x810];
	v16 =	vsel vm3, $0x1, v0;
	v3 =	vadd.s32 v5, v3;
	v2 =	vadd.f32 v6, v2  }
0xbd: {  	v17 =	vsel vm5, $0x1, v0;
	v41 =	vsel vm6, $0x1, v0;
	v3 =	vadd.s32 v11, v3  }
0xbe: {  	v42 =	vld [tilespmem:s14+$0x800];
	v4 =	vsel vm10, $0x1, v0;
	v3 =	vadd.s32 v13, v3;
	v2 =	vadd.f32 v39, v2  }
0xbf: {  	v45 =	vsel vm13, $0x1, v0;
	v5 =	vnsel vm15, $0x0, v37;
	v3 =	vadd.s32 v4, v3  }
0xc0: {  	vm10 =	vgt.f32 v38, v1;
	v3 =	vadd.s32 v14, v3;
	v2 =	vadd.f32 v5, v2  }
0xc1: {  	vm13 =	vgt.f32 v44, v1;
	v43 =	vnsel vm10, $0x0, v38;
	v3 =	vadd.s32 v36, v3  }
0xc2: {  	v4 =	vld [tilespmem:s14+$0x820];
	v7 =	vsel vm2, $0x1, v0;
	v3 =	vadd.s32 v16, v3;
	v2 =	vadd.f32 v43, v2  }
0xc3: {  	v20 =	vsel vm12, $0x1, v0;
	vm12 =	vgt.f32 v42, v1;
	v3 =	vadd.s32 v7, v3  }
0xc4: {  	v22 =	vld [tilespmem:s14+$0x830];
	v6 =	vsel vm4, $0x1, v0;
	v3 =	vadd.s32 v17, v3;
	v2 =	vadd.f32 v46, v2  }
0xc5: {  	v19 =	vsel vm8, $0x1, v0;
	v9 =	vnsel vm12, $0x0, v42;
	v3 =	vadd.s32 v6, v3  }
0xc6: {  	v12 =	vnsel vm13, $0x0, v44;
	v3 =	vadd.s32 v18, v3;
	v2 =	vadd.f32 v9, v2  }
0xc7: {  	v51 =	vld [tilespmem:s14+$0x840];
	v52 =	vsel vm13, $0x1, v0;
	vm14 =	vgt.f32 v4, v1;
	v3 =	vadd.s32 v41, v3  }
0xc8: {  	v5 =	vsel vm9, $0x1, v0;
	v3 =	vadd.s32 v19, v3;
	v2 =	vadd.f32 v12, v2  }
0xc9: {  	vm15 =	vgt.f32 v22, v1;
	v7 =	vld [tilespmem:s14+$0x850];
	v4 =	vnsel vm14, $0x0, v4;
	v3 =	vadd.s32 v5, v3  }
0xca: {  	v50 =	vsel vm12, $0x1, v0;
	v3 =	vadd.s32 v20, v3;
	v2 =	vadd.f32 v4, v2  }
0xcb: {  	v54 =	vsel vm15, $0x1, v0;
	v6 =	vnsel vm15, $0x0, v22;
	v3 =	vadd.s32 v45, v3;
	v4 =	vld [tilespmem:s14+$0x860]  }
0xcc: {  	vm4 =	vgt.f32 v51, v1;
	v3 =	vadd.s32 v21, v3;
	v2 =	vadd.f32 v6, v2  }
0xcd: {  	v48 =	vsel vm10, $0x1, v0;
	v9 =	vnsel vm4, $0x0, v51;
	v3 =	vadd.s32 v47, v3;
	v6 =	vld [tilespmem:s14+$0x870]  }
0xce: {  	vm5 =	vgt.f32 v7, v1;
	v3 =	vadd.s32 v48, v3;
	v2 =	vadd.f32 v9, v2  }
0xcf: {  	v55 =	vsel vm4, $0x1, v0;
	v5 =	vld [tilespmem:s14+$0xC00];
	v7 =	vnsel vm5, $0x0, v7;
	v3 =	vadd.s32 v49, v3  }
0xd0: {  	v3 =	vadd.s32 v50, v3;
	vm6 =	vgt.f32 v4, v1;
	v2 =	vadd.f32 v7, v2  }
0xd1: {  	v53 =	vsel vm14, $0x1, v0;
	v3 =	vadd.s32 v52, v3;
	v7 =	vld [tilespmem:s14+$0xC10];
	v4 =	vnsel vm6, $0x0, v4  }
0xd2: {  	v3 =	vadd.s32 v53, v3;
	vm7 =	vgt.f32 v6, v1;
	v2 =	vadd.f32 v4, v2  }
0xd3: {  	v56 =	vsel vm5, $0x1, v0;
	v3 =	vadd.s32 v54, v3;
	v4 =	vld [tilespmem:s14+$0xC20];
	v6 =	vnsel vm7, $0x0, v6  }
0xd4: {  	vm8 =	vgt.f32 v5, v1;
	v3 =	vadd.s32 v55, v3;
	v2 =	vadd.f32 v6, v2  }
0xd5: {  	v5 =	vnsel vm8, $0x0, v5;
	v59 =	vsel vm8, $0x1, v0;
	v3 =	vadd.s32 v56, v3;
	v6 =	vld [tilespmem:s14+$0xC30]  }
0xd6: {  	v57 =	vsel vm6, $0x1, v0;
	vm9 =	vgt.f32 v7, v1;
	v2 =	vadd.f32 v5, v2  }
0xd7: {  	v3 =	vadd.s32 v57, v3;
	v58 =	vsel vm7, $0x1, v0;
	v5 =	vld [tilespmem:s14+$0xC40];
	v7 =	vnsel vm9, $0x0, v7  }
0xd8: {  	v3 =	vadd.s32 v58, v3;
	vm10 =	vgt.f32 v4, v1;
	v2 =	vadd.f32 v7, v2  }
0xd9: {  	v3 =	vadd.s32 v59, v3;
	v7 =	vld [tilespmem:s14+$0xC50];
	v4 =	vnsel vm10, $0x0, v4  }
0xda: {  	v60 =	vsel vm9, $0x1, v0;
	vm11 =	vgt.f32 v6, v1;
	v2 =	vadd.f32 v4, v2  }
0xdb: {  	v3 =	vadd.s32 v60, v3;
	v4 =	vld [tilespmem:s14+$0xC60];
	v6 =	vnsel vm11, $0x0, v6  }
0xdc: {  	v61 =	vsel vm10, $0x1, v0;
	vm12 =	vgt.f32 v5, v1;
	v2 =	vadd.f32 v6, v2  }
0xdd: {  	v3 =	vadd.s32 v61, v3;
	v6 =	vld [tilespmem:s14+$0xC70];
	v5 =	vnsel vm12, $0x0, v5  }
0xde: {  	s13 =	sadd.s32 $0x1, s13;
	v62 =	vsel vm11, $0x1, v0;
	vm13 =	vgt.f32 v7, v1;
	v2 =	vadd.f32 v5, v2  }
0xdf: {  	p0 =	sne.s32 s13, $0x8;
	v3 =	vadd.s32 v62, v3;
	v63 =	vsel vm12, $0x1, v0;
	v5 =	vnsel vm13, $0x0, v7  }
.Ltmp1:
0xe0: {  	v3 =	vadd.s32 v63, v3;
	vm14 =	vgt.f32 v4, v1;
	v2 =	vadd.f32 v5, v2;
	(pc) =	sbr.rel @p0 .LBB2_2-.Ltmp1, $4  }
0xe1: {  	v7 =	vsel vm13, $0x1, v0;
	v4 =	vnsel vm14, $0x0, v4;
	v5 =	vsel vm14, $0x1, v0  }
0xe2: {  	vm15 =	vgt.f32 v6, v1;
	v1 =	vadd.s32 v7, v3;
	v2 =	vadd.f32 v4, v2  }
0xe3: {  	v3 =	vnsel vm15, $0x0, v6;
	v4 =	vsel vm15, $0x1, v0;
	v1 =	vadd.s32 v5, v1  }
0xe4: {  	v5 =	vadd.s32 v4, v1;
	v2 =	vadd.f32 v3, v2  }
0xe5: {  	[tilespmem:$0x2100] =	vst v5  }
0xe6: {  	[tilespmem:$0x2080] =	vst v2  }
0xe7: {  	[hbm4b:s5+s3] =	stream.linear.scatter [tilespmem:s10], [sflag:$0x1], $0x10, $0x38;
	[tilespmem:$0x2180] =	vst v63  }
0xe8: {  	s12 =	sadd.s32 $0x1, s12;
	_ =	swait.ge [sflag:s9], $0x10  }
0xe9: {  	p0 =	sne.s32 s12, s7;
	[sflag:s9] =	ssyncset.done $0x0  }
.Ltmp2:
0xea: {  	[sflag:s9] =	ssyncadd.s32 $0xFFFFFFF0;
	(pc) =	sbr.rel @p0 .LBB2_1-.Ltmp2, $4  }
0xeb: {  	[hbm4b:s6+s3] =	stream.linear.scatter [tilespmem:s11], [sflag:$0x1], $0x10, $0x38;
	[tilespmem:$0x2180] =	vst v63  }
0xec: {  	_ =	swait.ge [sflag:s9], $0x10  }
0xed: {  	[sflag:s9] =	ssyncset.done $0x0  }
0xee: {  	[sflag:s9] =	ssyncadd.s32 $0xFFFFFFF0  }
0xef: {  	_ =	sfence.sel $0x180000  }
0xf0: {  	[bflag:$0x0] =	sbarrier.arrive $0xFFFF  }
0xf1: {  	p0 =	sne.s32 s1, $0x0;
	_ =	strace $0x90000047  }
0xf2: {  	s0 =	sadd.s32 @!p0 $0x100000, s0;
	[bflag:$0x2] =	sbarrier.arrive $0xFFFF  }
0xf3: {  	[sflag:s0] =	ssyncadd.tile.s32 @!p0 $0x1;
	_ =	shalt  }
.Lfunc_end2:
_tile_overlayer_lowered:
.L_overlay_start_2:
0xf4: {  	(tag) =	ssettag $0x2  }
0xf5: {  	s0 =	rddreg [dreg:$0x0];
	s2 =	stileid.u32  }
0xf6: {  	s1 =	rddreg [dreg:$0x1];
	p0 =	sne.s32 s2, $0x0  }
0xf7: {  	s3 =	rddreg [dreg:$0x2];
	[bflag:$0x3] =	sbarrier.arrive $0xFFFF;
	s2 =	simm.s32 @!p0 $0x1C01  }
0xf8: {  	[timem:s3], [sflag:s2] =	dma.local @!p0 [hbm:s0], s1  }
0xf9: {  	s0 =	simm.s32 @!p0 $0x1  }
0xfa: {  	_ =	swait.ge @!p0 [sflag:s0], s1  }
0xfb: {  	s1 =	ssub.s32 @!p0 $0x0, s1;
	[sflag:s0] =	ssyncset.done @!p0 $0x0  }
0xfc: {  	[sflag:s0] =	ssyncadd.s32 @!p0 s1  }
0xfd: {  	[bflag:$0x3] =	sbarrier.arrive $0xFFFF  }
0xfe: {  	_ =	shalt  }

// kernel: kernel.4.cloned.1.call-start
scs
__scs_entry_jumppad:
0x0: {  	(pc) =	sbr.rel $0x88, $3  }
0x1: {  	(tag) =	ssettag $0x0;
	lr =	simm.s32 $0x1  }
0x2: {  	[smem:$0x3F9F] =	sst lr;
	_ =	strace $0xD0000000  }
0x3: {  	_ = 	snop  }
0x4: {  	_ = 	snop  }
0x5: {  	_ = 	snop  }
0x6: {  	_ = 	snop  }
0x7: {  	_ = 	snop  }
__scs_overlays_trampoline_lowered:
0x8: {  	[smem:$0x3FAE] =	sst s0  }
0x9: {  	[smem:$0x3FAF] =	sst s1  }
0xa: {  	[smem:$0x3FB0] =	sst s2  }
0xb: {  	[smem:$0x3FB1] =	sst s3  }
0xc: {  	[smem:$0x3FB2] =	sst s4  }
0xd: {  	[smem:$0x3FB3] =	sst s5  }
0xe: {  	[smem:$0x3FB4] =	sst s6  }
0xf: {  	[smem:$0x3FB5] =	sst s7  }
0x10: {  	[smem:$0x3FB6] =	sst s8  }
0x11: {  	[smem:$0x3FB7] =	sst s9;
	s0 =	simm.s32 @!p0 $0x0  }
0x12: {  	s1 =	sld [smem:$0x3F9D];
	s0 =	simm.s32 @p0 $0x1  }
0x13: {  	[smem:$0x3FB8] =	sst s0;
	s0 =	simm.s32 @!p1 $0x0  }
0x14: {  	s2 =	sld [smem:$0x3F9C];
	s0 =	simm.s32 @p1 $0x1  }
0x15: {  	[smem:$0x3FB9] =	sst s0;
	s0 =	simm.s32 @!p2 $0x0  }
0x16: {  	s3 =	sld [smem:$0x3FDB];
	s0 =	simm.s32 @p2 $0x1  }
0x17: {  	s4 =	simm.s32 $0x1BF5;
	[smem:$0x3FBB] =	sst s0  }
0x18: {  	s0 =	sld [smem:$0x3F9E];
	_ =	swait.ge [sflag:s4], $0x0  }
0x19: {  	s7 =	sld [smem:$0x3F9F]  }
0x1a: {  	s8 =	sadd.s32 $0xFFFFE003, lr  }
0x1b: {  	s9 =	sadd.s32 $0xFFFFFEF7, lr;
	s5 =	simm.s32 $0xFFFFFFFF;
	p2 =	slt.u32 s8, $0xFFFFF086  }
0x1c: {  	p1 =	slt.u32 s9, $0xF7A;
	s5 =	simm.s32 @!p2 $0x0  }
0x1d: {  	s5 =	simm.s32 @p1 $0x1;
	p0 =	seq.s32 s7, s2  }
0x1e: {  	s7 =	smul.u32 @!p0 $0xF7A, s2;
	p2 =	seq.s32 @!p0 s5, $0x0  }
0x1f: {  	s9 =	smul.u32 $0xF7A, s1;
	s8 =	simm.s32 @!p0 $0x1BF5;
	p2 =	por !p2, p0  }
0x20: {  	[sflag:s8] =	ssyncset.s32 @!p0 $0xFFFFF086;
	s6 =	sadd.s32 @!p0 s3, s7;
	s7 =	simm.s32 @!p0 $0x108  }
0x21: {  	s3 =	sadd.s32 s3, s9;
	s6 =	sadd.s32 @!p0 $0x88, s6;
	s7 =	simm.s32 @p2 $0x1082  }
0x22: {  	[simem:s7], [sflag:s8] =	dma.local @!p0 [hbm:s6], $0xF7A  }
0x23: {  	s9 =	sor.u32 $0xD0000000, s2;
	s6 =	simm.s32 $0x108;
	_ =	swait.ge @!p0 [sflag:s8], $0x0  }
0x24: {  	s3 =	sadd.s32 $0x88, s3;
	s6 =	simm.s32 @!p1 $0x1082;
	[sflag:s4] =	ssyncset.s32 $0xFFFFF086  }
0x25: {  	[simem:s6], [sflag:s4] =	dma.local [hbm:s3], $0xF7A  }
0x26: {  	[smem:$0x3F9F] =	sst s1;
	(tag) =	ssettag s2;
	_ =	strace s9  }
0x27: {  	s1 =	sld [smem:$0x3FAF]  }
0x28: {  	s2 =	sld [smem:$0x3FB0]  }
0x29: {  	s4 =	sld [smem:$0x3FB2]  }
0x2a: {  	p0 =	seq.s32 s5, $0x0;
	s5 =	sld [smem:$0x3FB3]  }
0x2b: {  	s6 =	sld [smem:$0x3FB4]  }
0x2c: {  	s7 =	sld [smem:$0x3FB5]  }
0x2d: {  	s3 =	simm.s32 $0x108;
	s8 =	sld [smem:$0x3FB6]  }
0x2e: {  	s3 =	simm.s32 @!p0 $0x1082;
	s9 =	sld [smem:$0x3FB7]  }
0x2f: {  	lr =	sadd.s32 s0, s3;
	s0 =	sld [smem:$0x3FAE]  }
0x30: {  	s3 =	sld [smem:$0x3FB1]  }
0x31: {  	[smem:$0x3FBA] =	sst s10  }
0x32: {  	s10 =	sld [smem:$0x3FB8];
	_ =	sdelay $0x3  }
0x33: {  	p0 =	seq.s32 s10, $0x1;
	s10 =	sld [smem:$0x3FBA];
	_ =	sdelay $0x3  }
0x34: {  	[smem:$0x3FBA] =	sst s10  }
0x35: {  	s10 =	sld [smem:$0x3FB9];
	_ =	sdelay $0x3  }
0x36: {  	p1 =	seq.s32 s10, $0x1;
	s10 =	sld [smem:$0x3FBA];
	_ =	sdelay $0x3  }
0x37: {  	[smem:$0x3FBA] =	sst s10  }
0x38: {  	s10 =	sld [smem:$0x3FBB]  }
0x39: {  	_ = 	snop;
	(pc) =	sbr.ind lr, $3  }
0x3a: {  	_ = 	snop  }
0x3b: {  	_ = 	snop  }
0x3c: {  	p2 =	seq.s32 s10, $0x1;
	s10 =	sld [smem:$0x3FBA]  }
0x3d: {  	_ =	shalt  }
0x3e: {  	_ =	shalt  }
0x3f: {  	_ =	shalt  }
0x40: {  	_ =	shalt  }
0x41: {  	_ =	shalt  }
0x42: {  	_ =	shalt  }
0x43: {  	_ =	shalt  }
0x44: {  	_ =	shalt  }
0x45: {  	_ =	shalt  }
0x46: {  	_ =	shalt  }
0x47: {  	_ =	shalt  }
0x48: {  	_ =	shalt  }
0x49: {  	_ =	shalt  }
0x4a: {  	_ =	shalt  }
0x4b: {  	_ =	shalt  }
0x4c: {  	_ =	shalt  }
0x4d: {  	_ =	shalt  }
0x4e: {  	_ =	shalt  }
0x4f: {  	_ =	shalt  }
0x50: {  	_ =	shalt  }
0x51: {  	_ =	shalt  }
0x52: {  	_ =	shalt  }
0x53: {  	_ =	shalt  }
0x54: {  	_ =	shalt  }
0x55: {  	_ =	shalt  }
0x56: {  	_ =	shalt  }
0x57: {  	_ =	shalt  }
0x58: {  	_ =	shalt  }
0x59: {  	_ =	shalt  }
0x5a: {  	_ =	shalt  }
0x5b: {  	_ =	shalt  }
0x5c: {  	_ =	shalt  }
0x5d: {  	_ =	shalt  }
0x5e: {  	_ =	shalt  }
0x5f: {  	_ =	shalt  }
0x60: {  	_ =	shalt  }
0x61: {  	_ =	shalt  }
0x62: {  	_ =	shalt  }
0x63: {  	_ =	shalt  }
0x64: {  	_ =	shalt  }
0x65: {  	_ =	shalt  }
0x66: {  	_ =	shalt  }
0x67: {  	_ =	shalt  }
0x68: {  	_ =	shalt  }
0x69: {  	_ =	shalt  }
0x6a: {  	_ =	shalt  }
0x6b: {  	_ =	shalt  }
0x6c: {  	_ =	shalt  }
0x6d: {  	_ =	shalt  }
0x6e: {  	_ =	shalt  }
0x6f: {  	_ =	shalt  }
0x70: {  	_ =	shalt  }
0x71: {  	_ =	shalt  }
0x72: {  	_ =	shalt  }
0x73: {  	_ =	shalt  }
0x74: {  	_ =	shalt  }
0x75: {  	_ =	shalt  }
0x76: {  	_ =	shalt  }
0x77: {  	_ =	shalt  }
0x78: {  	_ =	shalt  }
0x79: {  	_ =	shalt  }
0x7a: {  	_ =	shalt  }
0x7b: {  	_ =	shalt  }
0x7c: {  	_ =	shalt  }
0x7d: {  	_ =	shalt  }
0x7e: {  	_ =	shalt  }
0x7f: {  	_ =	shalt  }
0x80: {  	_ =	shalt  }
0x81: {  	_ =	shalt  }
0x82: {  	_ =	shalt  }
0x83: {  	_ =	shalt  }
0x84: {  	_ =	shalt  }
0x85: {  	_ =	shalt  }
0x86: {  	_ =	shalt  }
0x87: {  	_ =	shalt  }
.Lfunc_end0:
.L_simem_size_0:
called_computation.2_lowered:
.L_overlay_start_0:
0x88: {  	s2 =	sld [smem:$0x3FD9]  }
0x89: {  	s3 =	sld [smem:$0x3FFE];
	_ =	sdelay $0x1  }
0x8a: {  	s1 =	srdreg.scid  }
0x8b: {  	s0 =	sand.u32 $0x1, s1  }
0x8c: {  	s16 =	sshll.u32 s0, $0xA;
	s2 =	sadd.s32 s3, s2  }
0x8d: {  	s2 =	sadd.s32 s2, s16  }
0x8e: {  	[smem:$0x3FC6] =	sst s2  }
0x8f: {  	_ = 	snop  }
0x90: {  	(tm) =	ssettm $0x1  }
0x91: {  	s17 =	sld [smem:$0x3FFB];
	_ =	sdelay $0x3  }
0x92: {  	_ =	strace s17  }
0x93: {  	s2 =	sld [smem:$0x3FFC];
	_ =	sdelay $0x3  }
0x94: {  	_ =	strace s2  }
0x95: {  	s2 =	sld [smem:$0x3FFD];
	_ =	sdelay $0x3  }
0x96: {  	_ =	strace s2  }
0x97: {  	_ =	strace $0x8FFFFFFF  }
0x98: {  	s18 =	sld [smem:$0x3FDB];
	_ =	sdelay $0x1  }
0x99: {  	s19 =	simm.s32 $_scs_section_size  }
0x9a: {  	s4 =	simm.s32 $_size__tile_overlayer_lowered;
	s5 =	simm.s32 $_tile_overlayer_lowered  }
0x9b: {  	s22 =	simm.s32 $0x1BFF;
	s21 =	sshll.u32 s5, $0x1;
	s2 =	sadd.s32 s19, s18  }
0x9c: {  	s6 =	simm.s32 $0x0;
	s20 =	sshll.u32 s4, $0x1;
	s4 =	sadd.s32 s21, s2  }
0x9d: {  	[timem:s6], [sflag:s22] =	dma.local [hbm:s4], s20  }
0x9e: {  	_ =	swait.ge [sflag:s22], s20  }
0x9f: {  	s3 =	ssub.s32 $0x0, s20;
	[sflag:s22] =	ssyncset.done $0x0  }
0xa0: {  	[sflag:s22] =	ssyncadd.s32 s3;
	_ =	sdelay $0x1  }
0xa1: {  	s23 =	simm.s32 $0x1B8B  }
0xa2: {  	_ =	swait.ge [sflag:s23], $0x1  }
0xa3: {  	[sflag:s23] =	ssyncset.done $0x0  }
0xa4: {  	s25 =	simm.s32 $0x1B8E;
	s24 =	sld [smem:$0x3FFE];
	[sflag:s23] =	ssyncadd.s32 $0xFFFFFFFF  }
0xa5: {  	s26 =	simm.s32 $execute0_lowered;
	[smem:$0x3FD2] =	sst s25  }
0xa6: {  	s4 =	sshll.u32 s26, $0x1;
	_ =	strace $0x80000049;
	[dreg:$0x1] =	wrdreg $0xFFFFFFFF  }
0xa7: {  	s28 =	simm.s32 $_size_execute0_lowered;
	s2 =	sadd.s32 s2, s4;
	[dreg:$0x0] =	wrdreg $0x0  }
0xa8: {  	s4 =	sshll.u32 s28, $0x1;
	[dreg:$0x2] =	wrdreg s2  }
0xa9: {  	[dreg:$0x3] =	wrdreg s4  }
0xaa: {  	[dreg:$0x4] =	wrdreg $0xC0  }
0xab: {  	_ =	task [dreg:s6], $0x5FFFF  }
0xac: {  	[dreg:$0x1] =	wrdreg $0xFFFFFFFF  }
0xad: {  	[dreg:$0x0] =	wrdreg $0x60  }
0xae: {  	[dreg:$0x2] =	wrdreg s24  }
0xaf: {  	[dreg:$0x3] =	wrdreg $0x9  }
0xb0: {  	_ =	task.clear_ibuf [dreg:s6], $0x4FFFF;
	_ =	strace $0x90000049  }
0xb1: {  	s29 =	simm.s32 $0x9;
	_ =	strace $0x8000004B  }
0xb2: {  	_ =	swait.ge [sflag:s29], $0x1  }
0xb3: {  	[sflag:s29] =	ssyncadd.s32 $0xFFFFFFFF  }
0xb4: {  	_ =	strace $0x9000004B  }
0xb5: {  	_ =	sfence  }
0xb6: {  	s30 =	sld [smem:$0x0];
	_ =	sdelay $0x2  }
0xb7: {  	s31 =	sshll.u32 s1, $0xD;
	s1 =	sshrl.u32 s1, $0x2  }
0xb8: {  	s3 =	sand.u32 $0x4000, s31;
	s1 =	sadd.s32 s1, s30  }
0xb9: {  	s0 =	sor.u32 s3, s0;
	s1 =	sshll.u32 s1, $0x11  }
0xba: {  	s0 =	sor.u32 s1, s0  }
0xbb: {  	s0 =	sadd.s32 $0x8F2B, s0  }
0xbc: {  	[sflag:s0] =	ssyncadd.remote.s32 $0x1  }
0xbd: {  	_ =	sfence.sel $0xFFFF  }
0xbe: {  	[dreg:$0x0] =	wrdreg $0xFFFFFFFF;
	(pc) =	sbr.abs _section_cstart, $3  }
0xbf: {  	[dreg:$0x1] =	wrdreg $0xFFFFFFFF  }
0xc0: {  	_ =	task.clear_ibuf [dreg:s6], $0x2FFFF;
	_ =	strace $0x9FFFFFFF  }
0xc1: {  	(tm) =	ssettm $0x7FFFFFFF  }
tec
execute0_lowered:
.L_overlay_start_1:
0x0: {  	(tag) =	ssettag $0x1  }
0x1: {  	s4 =	rddreg [dreg:$0x0]  }
0x2: {  	s0 =	rddreg [dreg:$0x1];
	s2 =	simm.s32 $0x0;
	s1 =	stileid.u32  }
0x3: {  	s5 =	srdreg.scid;
	s10 =	simm.s32 $0x2080;
	s11 =	simm.s32 $0x2100  }
0x4: {  	s12 =	simm.s32 $0x0;
	[smem:$0x7FF] =	sst s2;
	s3 =	sshll.u32 s1, $0xE  }
0x5: {  	s5 =	sand.u32 $0x1, s5;
	s6 =	sshll.u32 s1, $0x1;
	s3 =	sand.u32 $0x38000, s3  }
0x6: {  	_ =	strace $0x8000004A;
	s6 =	sor.u32 s5, s6;
	s5 =	ssub.s32 $0x2, s5  }
0x7: {  	s7 =	sadd.s32 s3, s4;
	s3 =	sadd.s32 $0x40800, s4;
	s8 =	sshll.u32 s6, $0xD  }
0x8: {  	s6 =	sshll.u32 s6, $0x1;
	s9 =	sshrl.u32 s5, $0x1;
	s8 =	sand.u32 $0x6000, s8  }
0x9: {  	s6 =	sadd.s32 s6, s4;
	s9 =	ssub.s32 s5, s9;
	s31 =	sadd.s32 s8, s7  }
0xa: {  	s5 =	sadd.s32 $0x40C00, s6;
	s6 =	sadd.s32 $0x40A00, s6;
	s7 =	smax.u32 s9, $0x1  }
0xb: {  	v0 =	vimm.s32 $0x0;
	s8 =	simm.s32 $0x2000;
	s9 =	simm.s32 $0x1;
	s4 =	sadd.s32 $0x800, s31  }
.LBB2_1:
0xc: {  	[tilespmem:s8], [sflag:$0x1] =	stream.linear.gather [hbm4b:s3+s2], $0x80, $0x38;
	[tilespmem:$0x2180] =	vst v63  }
0xd: {  	_ =	swait.ge [sflag:s9], $0x80  }
0xe: {  	[sflag:s9] =	ssyncset.done $0x0  }
0xf: {  	v2 =	vimm.f32 $0.0e+00;
	v5 =	vimm.s32 $0x0;
	s13 =	simm.s32 $0x0;
	[sflag:s9] =	ssyncadd.s32 $0xFFFFFF80  }
.LBB2_2:
0x10: {  	s14 =	sshll.u32 s13, $0xA  }
0x11: {  	s15 =	simm.s32 $0x0;
	s14 =	sadd.s32 s14, s4  }
0x12: {  	[tilespmem:s15], [sflag:$0x1] =	stream.linear.gather [hbm4b:s14+s15], $0x2000, $0x38;
	[tilespmem:$0x2180] =	vst v63  }
0x13: {  	_ =	swait.ge [sflag:s9], $0x2000  }
0x14: {  	[sflag:s9] =	ssyncset.done $0x0  }
0x15: {  	s30 =	sand.u32 $0x1000, s15;
	s15 =	sand.u32 $0x380, s15;
	[sflag:s9] =	ssyncadd.s32 $0xFFFFE000  }
0x16: {  	s14 =	sor.u32 s15, s30;
	v1 =	vld [tilespmem:$0x2000]  }
0x17: {  	v3 =	vld [tilespmem:s14+$0x0];
	_ =	sdelay $0x1  }
0x18: {  	v4 =	vld [tilespmem:s14+$0x10];
	_ =	sdelay $0x1  }
0x19: {  	v6 =	vld [tilespmem:s14+$0x20]  }
0x1a: {  	vm0 =	vgt.f32 v3, v1  }
0x1b: {  	v7 =	vld [tilespmem:s14+$0x30];
	v3 =	vnsel vm0, $0x0, v3  }
0x1c: {  	vm1 =	vgt.f32 v4, v1;
	v2 =	vadd.f32 v3, v2  }
0x1d: {  	v3 =	vnsel vm1, $0x0, v4;
	v4 =	vld [tilespmem:s14+$0x40]  }
0x1e: {  	vm3 =	vgt.f32 v6, v1;
	v2 =	vadd.f32 v3, v2  }
0x1f: {  	v3 =	vnsel vm3, $0x0, v6;
	v6 =	vld [tilespmem:s14+$0x50]  }
0x20: {  	vm2 =	vgt.f32 v7, v1;
	v2 =	vadd.f32 v3, v2  }
0x21: {  	v3 =	vnsel vm2, $0x0, v7;
	v7 =	vld [tilespmem:s14+$0x60]  }
0x22: {  	vm4 =	vgt.f32 v4, v1;
	v2 =	vadd.f32 v3, v2  }
0x23: {  	v3 =	vnsel vm4, $0x0, v4;
	v4 =	vld [tilespmem:s14+$0x70]  }
0x24: {  	vm6 =	vgt.f32 v6, v1;
	v2 =	vadd.f32 v3, v2  }
0x25: {  	v3 =	vnsel vm6, $0x0, v6;
	v6 =	vld [tilespmem:s14+$0x400]  }
0x26: {  	vm5 =	vgt.f32 v7, v1;
	v2 =	vadd.f32 v3, v2  }
0x27: {  	v3 =	vnsel vm5, $0x0, v7;
	v7 =	vld [tilespmem:s14+$0x410]  }
0x28: {  	vm7 =	vgt.f32 v4, v1;
	v2 =	vadd.f32 v3, v2  }
0x29: {  	v3 =	vnsel vm7, $0x0, v4;
	v4 =	vld [tilespmem:s14+$0x420]  }
0x2a: {  	vm8 =	vgt.f32 v6, v1;
	v2 =	vadd.f32 v3, v2  }
0x2b: {  	v3 =	vnsel vm8, $0x0, v6;
	v6 =	vld [tilespmem:s14+$0x430]  }
0x2c: {  	vm9 =	vgt.f32 v7, v1;
	v2 =	vadd.f32 v3, v2  }
0x2d: {  	v3 =	vnsel vm9, $0x0, v7;
	v7 =	vld [tilespmem:s14+$0x440]  }
0x2e: {  	vm10 =	vgt.f32 v4, v1;
	v2 =	vadd.f32 v3, v2  }
0x2f: {  	v8 =	vld [tilespmem:s14+$0x450];
	v3 =	vnsel vm10, $0x0, v4  }
0x30: {  	v9 =	vsel vm0, $0x1, v0;
	vm11 =	vgt.f32 v6, v1;
	v2 =	vadd.f32 v3, v2  }
0x31: {  	v10 =	vsel vm1, $0x1, v0;
	v11 =	vsel vm3, $0x1, v0;
	v3 =	vnsel vm11, $0x0, v6;
	v6 =	vld [tilespmem:s14+$0x460]  }
0x32: {  	v18 =	vld [tilespmem:s14+$0x810];
	v5 =	vadd.s32 v9, v5;
	vm0 =	vgt.f32 v7, v1;
	v3 =	vadd.f32 v3, v2  }
0x33: {  	v12 =	vsel vm2, $0x1, v0;
	v5 =	vadd.s32 v10, v5;
	v4 =	vnsel vm0, $0x0, v7;
	v7 =	vld [tilespmem:s14+$0x470]  }
0x34: {  	vm1 =	vgt.f32 v8, v1;
	v5 =	vadd.s32 v11, v5;
	v3 =	vadd.f32 v4, v3  }
0x35: {  	v8 =	vnsel vm1, $0x0, v8;
	v10 =	vsel vm1, $0x1, v0;
	v5 =	vadd.s32 v12, v5  }
0x36: {  	v15 =	vld [tilespmem:s14+$0x800];
	v13 =	vsel vm4, $0x1, v0;
	vm2 =	vgt.f32 v6, v1;
	v3 =	vadd.f32 v8, v3  }
0x37: {  	vm1 =	vgt.f32 v18, v1;
	v5 =	vadd.s32 v13, v5;
	v6 =	vnsel vm2, $0x0, v6  }
0x38: {  	v14 =	vsel vm6, $0x1, v0;
	vm3 =	vgt.f32 v7, v1;
	v6 =	vadd.f32 v6, v3  }
0x39: {  	v18 =	vnsel vm1, $0x0, v18;
	v5 =	vadd.s32 v14, v5;
	v7 =	vnsel vm3, $0x0, v7  }
0x3a: {  	v16 =	vsel vm7, $0x1, v0;
	v8 =	vsel vm5, $0x1, v0;
	v6 =	vadd.f32 v7, v6;
	v7 =	vld [tilespmem:s14+$0x820]  }
0x3b: {  	v17 =	vsel vm8, $0x1, v0;
	vm5 =	vgt.f32 v15, v1;
	v5 =	vadd.s32 v8, v5  }
0x3c: {  	v9 =	vld [tilespmem:s14+$0x830];
	v19 =	vsel vm9, $0x1, v0;
	v15 =	vnsel vm5, $0x0, v15;
	v5 =	vadd.s32 v16, v5  }
0x3d: {  	v20 =	vsel vm10, $0x1, v0;
	v5 =	vadd.s32 v17, v5;
	v6 =	vadd.f32 v15, v6  }
0x3e: {  	v11 =	vld [tilespmem:s14+$0x840];
	v21 =	vsel vm11, $0x1, v0;
	v22 =	vsel vm0, $0x1, v0;
	v5 =	vadd.s32 v19, v5  }
0x3f: {  	v5 =	vadd.s32 v20, v5;
	v6 =	vadd.f32 v18, v6;
	vm4 =	vgt.f32 v7, v1  }
0x40: {  	v53 =	vld [tilespmem:s14+$0x850];
	v54 =	vsel vm5, $0x1, v0;
	v5 =	vadd.s32 v21, v5;
	v7 =	vnsel vm4, $0x0, v7  }
0x41: {  	v63 =	vld [tilespmem:s14+$0xC40];
	vm5 =	vgt.f32 v9, v1;
	v5 =	vadd.s32 v22, v5;
	v6 =	vadd.f32 v7, v6  }
0x42: {  	v55 =	vld [tilespmem:s14+$0x860];
	v51 =	vsel vm2, $0x1, v0;
	v8 =	vnsel vm5, $0x0, v9;
	v5 =	vadd.s32 v10, v5  }
0x43: {  	v61 =	vld [tilespmem:s14+$0xC30];
	v7 =	vsel vm1, $0x1, v0;
	vm1 =	vgt.f32 v11, v1;
	v6 =	vadd.f32 v8, v6  }
0x44: {  	v52 =	vsel vm3, $0x1, v0;
	v9 =	vld [tilespmem:s14+$0x870];
	v5 =	vadd.s32 v51, v5;
	v11 =	vnsel vm1, $0x0, v11  }
0x45: {  	v8 =	vsel vm4, $0x1, v0;
	vm4 =	vgt.f32 v53, v1;
	v6 =	vadd.f32 v11, v6  }
0x46: {  	v56 =	vld [tilespmem:s14+$0xC00];
	vm12 =	vgt.f32 v63, v1;
	v5 =	vadd.s32 v52, v5;
	v57 =	vnsel vm4, $0x0, v53  }
0x47: {  	v2 =	vld [tilespmem:s14+$0xC70];
	v11 =	vsel vm5, $0x1, v0;
	vm5 =	vgt.f32 v55, v1;
	v6 =	vadd.f32 v57, v6  }
0x48: {  	v58 =	vld [tilespmem:s14+$0xC10];
	vm8 =	vgt.f32 v61, v1;
	v5 =	vadd.s32 v54, v5;
	v14 =	vnsel vm5, $0x0, v55  }
0x49: {  	v4 =	vld [tilespmem:s14+$0xC50];
	v59 =	vsel vm1, $0x1, v0;
	vm1 =	vgt.f32 v9, v1;
	v6 =	vadd.f32 v14, v6  }
0x4a: {  	v10 =	vld [tilespmem:s14+$0xC20];
	v5 =	vadd.s32 v7, v5;
	v9 =	vnsel vm1, $0x0, v9;
	v60 =	vsel vm4, $0x1, v0  }
0x4b: {  	vm4 =	vgt.f32 v56, v1;
	v5 =	vadd.s32 v8, v5;
	v6 =	vadd.f32 v9, v6  }
0x4c: {  	vm10 =	vgt.f32 v2, v1;
	v62 =	vnsel vm4, $0x0, v56;
	v5 =	vadd.s32 v11, v5  }
0x4d: {  	v3 =	vld [tilespmem:s14+$0xC60];
	v9 =	vsel vm5, $0x1, v0;
	vm5 =	vgt.f32 v58, v1;
	v6 =	vadd.f32 v62, v6  }
0x4e: {  	vm9 =	vgt.f32 v4, v1;
	v5 =	vadd.s32 v59, v5;
	v8 =	vnsel vm5, $0x0, v58  }
0x4f: {  	vm13 =	vgt.f32 v10, v1;
	v5 =	vadd.s32 v60, v5;
	v6 =	vadd.f32 v8, v6  }
0x50: {  	v7 =	vsel vm1, $0x1, v0;
	v5 =	vadd.s32 v9, v5;
	v8 =	vnsel vm13, $0x0, v10  }
0x51: {  	v11 =	vsel vm4, $0x1, v0;
	v5 =	vadd.s32 v7, v5;
	v8 =	vadd.f32 v8, v6  }
0x52: {  	s31 =	simm.s32 $0x200;
	vm11 =	vgt.f32 v3, v1;
	s14 =	simm.s32 $0x80;
	v9 =	vnsel vm8, $0x0, v61;
	v7 =	vadd.s32 v11, v5  }
0x53: {  	s16 =	sand.u32 $0x1000, s31;
	s15 =	simm.s32 $0x400;
	s17 =	sand.u32 $0x380, s14;
	v5 =	vnsel vm12, $0x0, v63;
	v6 =	vsel vm5, $0x1, v0;
	v8 =	vadd.f32 v9, v8  }
.LBB2_3:
0x54: {  	s16 =	sor.u32 s17, s16  }
0x55: {  	v5 =	vadd.f32 v5, v8;
	v8 =	vld [tilespmem:s16+$0x0]  }
0x56: {  	v56 =	vld [tilespmem:s16+$0x70]  }
0x57: {  	v57 =	vld [tilespmem:s16+$0x400]  }
0x58: {  	v6 =	vadd.s32 v6, v7;
	v7 =	vsel vm13, $0x1, v0;
	v4 =	vnsel vm9, $0x0, v4;
	v15 =	vld [tilespmem:s16+$0x410]  }
0x59: {  	v3 =	vnsel vm11, $0x0, v3;
	v2 =	vnsel vm10, $0x0, v2;
	v10 =	vsel vm10, $0x1, v0;
	v16 =	vld [tilespmem:s16+$0x420]  }
0x5a: {  	v13 =	vimm.s32 $0x0;
	v20 =	vimm.s32 $0x0;
	v21 =	vimm.s32 $0x0;
	v17 =	vld [tilespmem:s16+$0x430]  }
0x5b: {  	v63 =	vimm.s32 $0x0;
	v25 =	vimm.s32 $0x0;
	v22 =	vimm.s32 $0x0;
	v59 =	vld [tilespmem:s16+$0x850]  }
0x5c: {  	v27 =	vimm.s32 $0x0;
	v29 =	vimm.s32 $0x0;
	v23 =	vimm.s32 $0x0;
	v18 =	vld [tilespmem:s16+$0x440]  }
0x5d: {  	v31 =	vimm.s32 $0x0;
	v6 =	vadd.s32 v7, v6;
	v7 =	vsel vm8, $0x1, v0;
	v60 =	vld [tilespmem:s16+$0x840]  }
0x5e: {  	v61 =	vld [tilespmem:s16+$0x830];
	v6 =	vadd.s32 v7, v6;
	v7 =	vsel vm12, $0x1, v0;
	v4 =	vadd.f32 v4, v5  }
0x5f: {  	v32 =	vimm.s32 $0x0;
	v62 =	vld [tilespmem:s16+$0x460];
	v6 =	vadd.s32 v7, v6;
	v7 =	vsel vm9, $0x1, v0  }
0x60: {  	v5 =	vld [tilespmem:s16+$0x10];
	v6 =	vadd.s32 v7, v6;
	v4 =	vadd.f32 v3, v4;
	v3 =	vsel vm11, $0x1, v0  }
0x61: {  	v28 =	vld [tilespmem:s16+$0x810];
	v6 =	vadd.s32 v3, v6;
	vm0 =	vgt.f32 v8, v1;
	vm14 =	vgt.f32 v56, v1  }
0x62: {  	v7 =	vld [tilespmem:s16+$0x20];
	vm13 =	vgt.f32 v57, v1;
	vm12 =	vgt.f32 v15, v1;
	vm7 =	vgt.f32 v16, v1  }
0x63: {  	v9 =	vld [tilespmem:s16+$0xC70];
	vm6 =	vgt.f32 v17, v1;
	vm9 =	vgt.f32 v18, v1;
	v14 =	vadd.f32 v2, v4  }
0x64: {  	vm2 =	vgt.f32 v62, v1;
	vm8 =	vgt.f32 v60, v1;
	v4 =	vnsel vm0, $0x0, v8;
	v8 =	vld [tilespmem:s16+$0x30]  }
0x65: {  	v11 =	vadd.s32 v10, v6;
	vm1 =	vgt.f32 v5, v1;
	v6 =	vadd.f32 v4, v14  }
0x66: {  	vm11 =	vgt.f32 v59, v1;
	vm10 =	vgt.f32 v61, v1;
	v10 =	vld [tilespmem:s16+$0x40];
	v5 =	vnsel vm1, $0x0, v5  }
0x67: {  	vm3 =	vgt.f32 v28, v1;
	vm5 =	vgt.f32 v7, v1;
	v6 =	vadd.f32 v5, v6  }
0x68: {  	v2 =	vmovc v9;
	v9 =	vld [tilespmem:s16+$0x50];
	v15 =	vnsel vm12, $0x0, v15;
	v16 =	vnsel vm7, $0x0, v16;
	v7 =	vnsel vm5, $0x0, v7  }
0x69: {  	v17 =	vnsel vm6, $0x0, v17;
	vm4 =	vgt.f32 v8, v1;
	v7 =	vadd.f32 v7, v6  }
0x6a: {  	v55 =	vld [tilespmem:s16+$0x60];
	v18 =	vnsel vm9, $0x0, v18;
	v5 =	vimm.s32 $0x0;
	v8 =	vnsel vm4, $0x0, v8  }
0x6b: {  	v30 =	vld [tilespmem:s16+$0x800];
	v5 =	vsel vm5, $0xFFFFFFFF, v5;
	vm5 =	vgt.f32 v10, v1;
	v8 =	vadd.f32 v8, v7  }
0x6c: {  	v33 =	vnsel vm2, $0x0, v62;
	v6 =	vimm.s32 $0x0;
	v10 =	vnsel vm5, $0x0, v10  }
0x6d: {  	v6 =	vsel vm4, $0xFFFFFFFF, v6;
	vm4 =	vgt.f32 v9, v1;
	v10 =	vadd.f32 v10, v8  }
0x6e: {  	v12 =	vsel vm1, $0xFFFFFFFF, v13;
	v7 =	vimm.s32 $0x0;
	v9 =	vnsel vm4, $0x0, v9  }
0x6f: {  	v7 =	vsel vm5, $0xFFFFFFFF, v7;
	vm5 =	vgt.f32 v55, v1;
	v10 =	vadd.f32 v9, v10  }
0x70: {  	v19 =	vld [tilespmem:s16+$0x450];
	v35 =	vsel vm0, $0x1, v0;
	vm0 =	vgt.f32 v30, v1;
	[tilespmem:$0x1FF00] =	vst v12;
	v12 =	vnsel vm5, $0x0, v55  }
0x71: {  	v26 =	vld [tilespmem:s16+$0x470];
	v43 =	vsel vm14, $0x1, v0;
	v44 =	vsel vm13, $0x1, v0;
	v12 =	vadd.f32 v12, v10  }
0x72: {  	v46 =	vsel vm12, $0x1, v0;
	v48 =	vsel vm7, $0x1, v0;
	v4 =	vld [tilespmem:s16+$0xC50];
	v13 =	vnsel vm14, $0x0, v56  }
0x73: {  	v3 =	vld [tilespmem:s16+$0xC60];
	v49 =	vsel vm6, $0x1, v0;
	v50 =	vsel vm9, $0x1, v0;
	v12 =	vadd.f32 v13, v12  }
0x74: {  	v54 =	vsel vm2, $0x1, v0;
	v11 =	vadd.s32 v35, v11;
	v14 =	vnsel vm13, $0x0, v57;
	[tilespmem:$0x1FF10] =	vst v5;
	v5 =	vld [tilespmem:s16+$0xC40]  }
0x75: {  	v37 =	vnsel vm0, $0x0, v30;
	[tilespmem:$0x1FF30] =	vst v7;
	v7 =	vld [tilespmem:s16+$0xC20];
	v8 =	vimm.s32 $0x0;
	v12 =	vadd.f32 v14, v12  }
0x76: {  	[tilespmem:$0x1FF20] =	vst v6;
	v6 =	vld [tilespmem:s16+$0xC30];
	v8 =	vsel vm4, $0xFFFFFFFF, v8;
	vm4 =	vgt.f32 v2, v1;
	v9 =	vimm.s32 $0x0  }
0x77: {  	[tilespmem:$0x1FF40] =	vst v8;
	v8 =	vld [tilespmem:s16+$0xC10];
	v9 =	vsel vm5, $0xFFFFFFFF, v9;
	vm5 =	vgt.f32 v4, v1;
	v12 =	vadd.f32 v15, v12  }
0x78: {  	v20 =	vsel vm4, $0xFFFFFFFF, v20;
	vm4 =	vgt.f32 v3, v1;
	[tilespmem:$0x1FF50] =	vst v9;
	v10 =	vld [tilespmem:s16+$0x870];
	v21 =	vsel vm5, $0xFFFFFFFF, v21  }
0x79: {  	v9 =	vld [tilespmem:s16+$0xC00];
	vm5 =	vgt.f32 v5, v1;
	[tilespmem:$0x1FF80] =	vst v21;
	v21 =	vsel vm4, $0xFFFFFFFF, v63;
	v12 =	vadd.f32 v16, v12  }
0x7a: {  	v58 =	vld [tilespmem:s16+$0x860];
	vm1 =	vgt.f32 v26, v1;
	vm4 =	vgt.f32 v7, v1;
	[tilespmem:$0x1FFF0] =	vst v21;
	v21 =	vsel vm5, $0xFFFFFFFF, v25  }
0x7b: {  	v36 =	vld [tilespmem:$0x1FF00];
	v22 =	vsel vm4, $0xFFFFFFFF, v22;
	vm5 =	vgt.f32 v6, v1;
	v12 =	vadd.f32 v17, v12  }
0x7c: {  	[tilespmem:$0x1FF60] =	vst v22;
	v22 =	vsel vm5, $0xFFFFFFFF, v27;
	vm5 =	vgt.f32 v19, v1;
	vm4 =	vgt.f32 v8, v1  }
0x7d: {  	v38 =	vld [tilespmem:$0x1FF10];
	[tilespmem:$0x1FFE0] =	vst v22;
	v22 =	vsel vm4, $0xFFFFFFFF, v29;
	vm4 =	vgt.f32 v10, v1;
	v12 =	vadd.f32 v18, v12  }
0x7e: {  	v39 =	vld [tilespmem:$0x1FF20];
	v19 =	vnsel vm5, $0x0, v19;
	v23 =	vsel vm4, $0xFFFFFFFF, v23;
	vm4 =	vgt.f32 v9, v1  }
0x7f: {  	v40 =	vld [tilespmem:$0x1FF30];
	[tilespmem:$0x1FFA0] =	vst v23;
	v23 =	vsel vm4, $0xFFFFFFFF, v31;
	vm4 =	vgt.f32 v58, v1;
	v12 =	vadd.f32 v19, v12  }
0x80: {  	v24 =	vld [tilespmem:s16+$0x820];
	v57 =	vsel vm0, $0x1, v0;
	vm15 =	vnez.u8 v36;
	v19 =	vsel vm4, $0xFFFFFFFF, v32  }
0x81: {  	v34 =	vnsel vm1, $0x0, v26;
	v41 =	vld [tilespmem:$0x1FF40];
	[tilespmem:$0x1FF90] =	vst v19;
	v19 =	vsel vm15, $0x1, v0;
	v12 =	vadd.f32 v33, v12  }
0x82: {  	v42 =	vld [tilespmem:$0x1FF50];
	v18 =	vnsel vm3, $0x0, v28;
	vm15 =	vnez.u8 v38;
	v11 =	vadd.s32 v19, v11  }
0x83: {  	v19 =	vsel vm15, $0x1, v0;
	vm15 =	vnez.u8 v39;
	v12 =	vadd.f32 v34, v12  }
0x84: {  	v11 =	vadd.s32 v19, v11;
	v19 =	vsel vm15, $0x1, v0;
	vm15 =	vnez.u8 v40  }
0x85: {  	v11 =	vadd.s32 v19, v11;
	v19 =	vsel vm15, $0x1, v0;
	v12 =	vadd.f32 v37, v12  }
0x86: {  	vm4 =	vgt.f32 v24, v1;
	vm15 =	vnez.u8 v41;
	v11 =	vadd.s32 v19, v11  }
0x87: {  	v51 =	vld [tilespmem:$0x1FF80];
	v12 =	vadd.f32 v18, v12;
	v18 =	vsel vm15, $0x1, v0;
	vm15 =	vnez.u8 v42  }
0x88: {  	[tilespmem:$0x1FF70] =	vst v21;
	v45 =	vld [tilespmem:$0x1FF60];
	v17 =	vnsel vm4, $0x0, v24;
	v11 =	vadd.s32 v18, v11;
	v18 =	vsel vm15, $0x1, v0  }
0x89: {  	v55 =	vsel vm1, $0x1, v0;
	v47 =	vld [tilespmem:$0x1FF70];
	v12 =	vadd.f32 v17, v12;
	v11 =	vadd.s32 v18, v11  }
0x8a: {  	v14 =	vnsel vm11, $0x0, v59;
	v16 =	vnsel vm10, $0x0, v61;
	v53 =	vld [tilespmem:$0x1FF90];
	v11 =	vadd.s32 v43, v11  }
0x8b: {  	v52 =	vsel vm5, $0x1, v0;
	[tilespmem:$0x1FFB0] =	vst v23;
	v56 =	vld [tilespmem:$0x1FFA0];
	v12 =	vadd.f32 v16, v12;
	v11 =	vadd.s32 v44, v11  }
0x8c: {  	v15 =	vnsel vm8, $0x0, v60;
	vm9 =	vnez.u8 v51;
	v59 =	vld [tilespmem:$0x1FFB0];
	v11 =	vadd.s32 v46, v11  }
0x8d: {  	vm13 =	vnez.u8 v45;
	v12 =	vadd.f32 v15, v12;
	v11 =	vadd.s32 v48, v11  }
0x8e: {  	[tilespmem:$0x1FFD0] =	vst v22;
	vm12 =	vnez.u8 v47;
	v7 =	vnsel vm13, $0x0, v7;
	v11 =	vadd.s32 v49, v11  }
0x8f: {  	v62 =	vld [tilespmem:$0x1FFD0];
	vm5 =	vnez.u8 v53;
	v12 =	vadd.f32 v14, v12;
	v11 =	vadd.s32 v50, v11  }
0x90: {  	vm2 =	vnez.u8 v56;
	v13 =	vnsel vm5, $0x0, v58;
	v11 =	vadd.s32 v52, v11  }
0x91: {  	vm1 =	vnez.u8 v59;
	v12 =	vadd.f32 v13, v12;
	v11 =	vadd.s32 v54, v11  }
0x92: {  	[tilespmem:$0x1FFC0] =	vst v20;
	v63 =	vld [tilespmem:$0x1FFE0];
	v10 =	vnsel vm2, $0x0, v10;
	v9 =	vnsel vm1, $0x0, v9;
	v11 =	vadd.s32 v55, v11  }
0x93: {  	v61 =	vld [tilespmem:$0x1FFC0];
	v58 =	vsel vm3, $0x1, v0;
	v10 =	vadd.f32 v10, v12;
	v11 =	vadd.s32 v57, v11  }
0x94: {  	v60 =	vsel vm4, $0x1, v0;
	vm4 =	vnez.u8 v62;
	v11 =	vadd.s32 v58, v11  }
0x95: {  	v9 =	vadd.f32 v9, v10;
	v10 =	vadd.s32 v60, v11;
	v11 =	vsel vm10, $0x1, v0  }
0x96: {  	v8 =	vnsel vm4, $0x0, v8;
	v10 =	vadd.s32 v11, v10;
	v11 =	vsel vm8, $0x1, v0  }
0x97: {  	p0 =	sne.s32 s15, $0x1E00;
	v5 =	vnsel vm12, $0x0, v5;
	v8 =	vadd.f32 v8, v9;
	v9 =	vadd.s32 v11, v10;
	v11 =	vld [tilespmem:$0x1FFF0]  }
.Ltmp0:
0x98: {  	vm10 =	vnez.u8 v61;
	vm8 =	vnez.u8 v63;
	v10 =	vsel vm11, $0x1, v0;
	(pc) =	sbr.rel @p0 .LBB2_3-.Ltmp0, $4  }
0x99: {  	v9 =	vadd.s32 v10, v9;
	v10 =	vsel vm5, $0x1, v0;
	v7 =	vadd.f32 v7, v8  }
0x9a: {  	v6 =	vnsel vm8, $0x0, v6;
	v8 =	vadd.s32 v10, v9;
	v9 =	vsel vm2, $0x1, v0  }
0x9b: {  	s14 =	sadd.s32 $0x80, s14;
	v10 =	vsel vm1, $0x1, v0;
	v9 =	vadd.s32 v9, v8;
	v8 =	vadd.f32 v6, v7  }
0x9c: {  	s17 =	sand.u32 $0x380, s14;
	s16 =	sand.u32 $0x1000, s15;
	s15 =	sadd.s32 $0x200, s15;
	v7 =	vadd.s32 v10, v9;
	v6 =	vsel vm4, $0x1, v0;
	vm11 =	vnez.u8 v11  }
0x9d: {  	s14 =	sor.u32 s17, s16;
	v5 =	vadd.f32 v5, v8  }
0x9e: {  	v4 =	vnsel vm9, $0x0, v4;
	v32 =	vld [tilespmem:s14+$0x0]  }
0x9f: {  	v4 =	vadd.f32 v4, v5  }
0xa0: {  	v3 =	vnsel vm11, $0x0, v3;
	v5 =	vld [tilespmem:s14+$0x10]  }
0xa1: {  	v3 =	vadd.f32 v3, v4  }
0xa2: {  	v2 =	vnsel vm10, $0x0, v2;
	v4 =	vld [tilespmem:s14+$0x20]  }
0xa3: {  	vm0 =	vgt.f32 v32, v1;
	v2 =	vadd.f32 v2, v3  }
0xa4: {  	v33 =	vld [tilespmem:s14+$0x30];
	v3 =	vnsel vm0, $0x0, v32  }
0xa5: {  	vm1 =	vgt.f32 v5, v1;
	v2 =	vadd.f32 v3, v2  }
0xa6: {  	v3 =	vnsel vm1, $0x0, v5;
	v5 =	vld [tilespmem:s14+$0x40]  }
0xa7: {  	v34 =	vld [tilespmem:s14+$0x60];
	vm3 =	vgt.f32 v4, v1;
	v2 =	vadd.f32 v3, v2  }
0xa8: {  	v3 =	vnsel vm3, $0x0, v4;
	v4 =	vld [tilespmem:s14+$0x50]  }
0xa9: {  	v35 =	vld [tilespmem:s14+$0x410];
	vm2 =	vgt.f32 v33, v1;
	v2 =	vadd.f32 v3, v2  }
0xaa: {  	v15 =	vld [tilespmem:s14+$0x440];
	v3 =	vnsel vm2, $0x0, v33  }
0xab: {  	v37 =	vld [tilespmem:s14+$0x450];
	vm5 =	vgt.f32 v5, v1;
	v2 =	vadd.f32 v3, v2  }
0xac: {  	v3 =	vnsel vm5, $0x0, v5;
	v5 =	vld [tilespmem:s14+$0x70]  }
0xad: {  	v40 =	vld [tilespmem:s14+$0x470];
	vm4 =	vgt.f32 v4, v1;
	v2 =	vadd.f32 v3, v2  }
0xae: {  	v10 =	vsel vm8, $0x1, v0;
	v3 =	vnsel vm4, $0x0, v4;
	v4 =	vld [tilespmem:s14+$0x400]  }
0xaf: {  	v11 =	vsel vm9, $0x1, v0;
	vm7 =	vgt.f32 v34, v1;
	v2 =	vadd.f32 v3, v2  }
0xb0: {  	v13 =	vsel vm11, $0x1, v0;
	v6 =	vadd.s32 v6, v7;
	v3 =	vnsel vm7, $0x0, v34  }
0xb1: {  	vm9 =	vgt.f32 v35, v1;
	vm6 =	vgt.f32 v5, v1;
	v2 =	vadd.f32 v3, v2  }
0xb2: {  	v9 =	vld [tilespmem:s14+$0x420];
	vm14 =	vgt.f32 v15, v1;
	vm15 =	vgt.f32 v37, v1;
	v5 =	vnsel vm6, $0x0, v5  }
0xb3: {  	vm11 =	vgt.f32 v40, v1;
	vm8 =	vgt.f32 v4, v1;
	v2 =	vadd.f32 v5, v2  }
0xb4: {  	v12 =	vld [tilespmem:s14+$0x430];
	v14 =	vsel vm0, $0x1, v0;
	v8 =	vnsel vm9, $0x0, v35;
	v4 =	vnsel vm8, $0x0, v4  }
0xb5: {  	v18 =	vsel vm7, $0x1, v0;
	v39 =	vnsel vm14, $0x0, v15;
	v2 =	vadd.f32 v4, v2  }
0xb6: {  	v21 =	vsel vm14, $0x1, v0;
	v46 =	vnsel vm11, $0x0, v40;
	v47 =	vsel vm15, $0x1, v0  }
0xb7: {  	v5 =	vsel vm12, $0x1, v0;
	vm12 =	vgt.f32 v9, v1;
	v2 =	vadd.f32 v8, v2  }
0xb8: {  	v49 =	vsel vm11, $0x1, v0;
	v3 =	vsel vm13, $0x1, v0;
	v7 =	vnsel vm12, $0x0, v9  }
0xb9: {  	vm13 =	vgt.f32 v12, v1;
	v3 =	vadd.s32 v3, v6;
	v2 =	vadd.f32 v7, v2  }
0xba: {  	v38 =	vld [tilespmem:s14+$0x460];
	v36 =	vsel vm1, $0x1, v0;
	v6 =	vnsel vm13, $0x0, v12;
	v3 =	vadd.s32 v10, v3  }
0xbb: {  	v44 =	vld [tilespmem:s14+$0x810];
	v16 =	vsel vm3, $0x1, v0;
	v3 =	vadd.s32 v5, v3;
	v2 =	vadd.f32 v6, v2  }
0xbc: {  	v17 =	vsel vm5, $0x1, v0;
	v41 =	vsel vm6, $0x1, v0;
	v3 =	vadd.s32 v11, v3  }
0xbd: {  	v42 =	vld [tilespmem:s14+$0x800];
	v4 =	vsel vm10, $0x1, v0;
	v3 =	vadd.s32 v13, v3;
	v2 =	vadd.f32 v39, v2  }
0xbe: {  	v45 =	vsel vm13, $0x1, v0;
	v5 =	vnsel vm15, $0x0, v37;
	v3 =	vadd.s32 v4, v3  }
0xbf: {  	vm10 =	vgt.f32 v38, v1;
	v3 =	vadd.s32 v14, v3;
	v2 =	vadd.f32 v5, v2  }
0xc0: {  	vm13 =	vgt.f32 v44, v1;
	v43 =	vnsel vm10, $0x0, v38;
	v3 =	vadd.s32 v36, v3  }
0xc1: {  	v4 =	vld [tilespmem:s14+$0x820];
	v7 =	vsel vm2, $0x1, v0;
	v3 =	vadd.s32 v16, v3;
	v2 =	vadd.f32 v43, v2  }
0xc2: {  	v20 =	vsel vm12, $0x1, v0;
	vm12 =	vgt.f32 v42, v1;
	v3 =	vadd.s32 v7, v3  }
0xc3: {  	v22 =	vld [tilespmem:s14+$0x830];
	v6 =	vsel vm4, $0x1, v0;
	v3 =	vadd.s32 v17, v3;
	v2 =	vadd.f32 v46, v2  }
0xc4: {  	v19 =	vsel vm8, $0x1, v0;
	v9 =	vnsel vm12, $0x0, v42;
	v3 =	vadd.s32 v6, v3  }
0xc5: {  	v12 =	vnsel vm13, $0x0, v44;
	v3 =	vadd.s32 v18, v3;
	v2 =	vadd.f32 v9, v2  }
0xc6: {  	v51 =	vld [tilespmem:s14+$0x840];
	v52 =	vsel vm13, $0x1, v0;
	vm14 =	vgt.f32 v4, v1;
	v3 =	vadd.s32 v41, v3  }
0xc7: {  	v5 =	vsel vm9, $0x1, v0;
	v3 =	vadd.s32 v19, v3;
	v2 =	vadd.f32 v12, v2  }
0xc8: {  	vm15 =	vgt.f32 v22, v1;
	v7 =	vld [tilespmem:s14+$0x850];
	v4 =	vnsel vm14, $0x0, v4;
	v3 =	vadd.s32 v5, v3  }
0xc9: {  	v50 =	vsel vm12, $0x1, v0;
	v3 =	vadd.s32 v20, v3;
	v2 =	vadd.f32 v4, v2  }
0xca: {  	v54 =	vsel vm15, $0x1, v0;
	v6 =	vnsel vm15, $0x0, v22;
	v3 =	vadd.s32 v45, v3;
	v4 =	vld [tilespmem:s14+$0x860]  }
0xcb: {  	vm4 =	vgt.f32 v51, v1;
	v3 =	vadd.s32 v21, v3;
	v2 =	vadd.f32 v6, v2  }
0xcc: {  	v48 =	vsel vm10, $0x1, v0;
	v9 =	vnsel vm4, $0x0, v51;
	v3 =	vadd.s32 v47, v3;
	v6 =	vld [tilespmem:s14+$0x870]  }
0xcd: {  	vm5 =	vgt.f32 v7, v1;
	v3 =	vadd.s32 v48, v3;
	v2 =	vadd.f32 v9, v2  }
0xce: {  	v55 =	vsel vm4, $0x1, v0;
	v5 =	vld [tilespmem:s14+$0xC00];
	v7 =	vnsel vm5, $0x0, v7;
	v3 =	vadd.s32 v49, v3  }
0xcf: {  	v3 =	vadd.s32 v50, v3;
	vm6 =	vgt.f32 v4, v1;
	v2 =	vadd.f32 v7, v2  }
0xd0: {  	v53 =	vsel vm14, $0x1, v0;
	v3 =	vadd.s32 v52, v3;
	v7 =	vld [tilespmem:s14+$0xC10];
	v4 =	vnsel vm6, $0x0, v4  }
0xd1: {  	v3 =	vadd.s32 v53, v3;
	vm7 =	vgt.f32 v6, v1;
	v2 =	vadd.f32 v4, v2  }
0xd2: {  	v56 =	vsel vm5, $0x1, v0;
	v3 =	vadd.s32 v54, v3;
	v4 =	vld [tilespmem:s14+$0xC20];
	v6 =	vnsel vm7, $0x0, v6  }
0xd3: {  	vm8 =	vgt.f32 v5, v1;
	v3 =	vadd.s32 v55, v3;
	v2 =	vadd.f32 v6, v2  }
0xd4: {  	v5 =	vnsel vm8, $0x0, v5;
	v59 =	vsel vm8, $0x1, v0;
	v3 =	vadd.s32 v56, v3;
	v6 =	vld [tilespmem:s14+$0xC30]  }
0xd5: {  	v57 =	vsel vm6, $0x1, v0;
	vm9 =	vgt.f32 v7, v1;
	v2 =	vadd.f32 v5, v2  }
0xd6: {  	v3 =	vadd.s32 v57, v3;
	v58 =	vsel vm7, $0x1, v0;
	v5 =	vld [tilespmem:s14+$0xC40];
	v7 =	vnsel vm9, $0x0, v7  }
0xd7: {  	v3 =	vadd.s32 v58, v3;
	vm10 =	vgt.f32 v4, v1;
	v2 =	vadd.f32 v7, v2  }
0xd8: {  	v3 =	vadd.s32 v59, v3;
	v7 =	vld [tilespmem:s14+$0xC50];
	v4 =	vnsel vm10, $0x0, v4  }
0xd9: {  	v60 =	vsel vm9, $0x1, v0;
	vm11 =	vgt.f32 v6, v1;
	v2 =	vadd.f32 v4, v2  }
0xda: {  	v3 =	vadd.s32 v60, v3;
	v4 =	vld [tilespmem:s14+$0xC60];
	v6 =	vnsel vm11, $0x0, v6  }
0xdb: {  	v61 =	vsel vm10, $0x1, v0;
	vm12 =	vgt.f32 v5, v1;
	v2 =	vadd.f32 v6, v2  }
0xdc: {  	v3 =	vadd.s32 v61, v3;
	v6 =	vld [tilespmem:s14+$0xC70];
	v5 =	vnsel vm12, $0x0, v5  }
0xdd: {  	s13 =	sadd.s32 $0x1, s13;
	v62 =	vsel vm11, $0x1, v0;
	vm13 =	vgt.f32 v7, v1;
	v2 =	vadd.f32 v5, v2  }
0xde: {  	p0 =	sne.s32 s13, $0x8;
	v3 =	vadd.s32 v62, v3;
	v63 =	vsel vm12, $0x1, v0;
	v5 =	vnsel vm13, $0x0, v7  }
.Ltmp1:
0xdf: {  	v3 =	vadd.s32 v63, v3;
	vm14 =	vgt.f32 v4, v1;
	v2 =	vadd.f32 v5, v2;
	(pc) =	sbr.rel @p0 .LBB2_2-.Ltmp1, $4  }
0xe0: {  	v7 =	vsel vm13, $0x1, v0;
	v4 =	vnsel vm14, $0x0, v4;
	v5 =	vsel vm14, $0x1, v0  }
0xe1: {  	vm15 =	vgt.f32 v6, v1;
	v1 =	vadd.s32 v7, v3;
	v2 =	vadd.f32 v4, v2  }
0xe2: {  	v3 =	vnsel vm15, $0x0, v6;
	v4 =	vsel vm15, $0x1, v0;
	v1 =	vadd.s32 v5, v1  }
0xe3: {  	v5 =	vadd.s32 v4, v1;
	v2 =	vadd.f32 v3, v2  }
0xe4: {  	[tilespmem:$0x2100] =	vst v5  }
0xe5: {  	[tilespmem:$0x2080] =	vst v2  }
0xe6: {  	[hbm4b:s5+s2] =	stream.linear.scatter [tilespmem:s10], [sflag:$0x1], $0x10, $0x38;
	[tilespmem:$0x2180] =	vst v63  }
0xe7: {  	s12 =	sadd.s32 $0x1, s12;
	_ =	swait.ge [sflag:s9], $0x10  }
0xe8: {  	p0 =	sne.s32 s12, s7;
	[sflag:s9] =	ssyncset.done $0x0  }
.Ltmp2:
0xe9: {  	[sflag:s9] =	ssyncadd.s32 $0xFFFFFFF0;
	(pc) =	sbr.rel @p0 .LBB2_1-.Ltmp2, $4  }
0xea: {  	[hbm4b:s6+s2] =	stream.linear.scatter [tilespmem:s11], [sflag:$0x1], $0x10, $0x38;
	[tilespmem:$0x2180] =	vst v63  }
0xeb: {  	_ =	swait.ge [sflag:s9], $0x10  }
0xec: {  	[sflag:s9] =	ssyncset.done $0x0  }
0xed: {  	[sflag:s9] =	ssyncadd.s32 $0xFFFFFFF0  }
0xee: {  	_ =	sfence.sel $0x180000  }
0xef: {  	[bflag:$0x0] =	sbarrier.arrive $0xFFFF  }
0xf0: {  	p0 =	sne.s32 s1, $0x0;
	_ =	strace $0x9000004A  }
0xf1: {  	s0 =	sadd.s32 @!p0 $0x100000, s0;
	[bflag:$0x2] =	sbarrier.arrive $0xFFFF  }
0xf2: {  	[sflag:s0] =	ssyncadd.tile.s32 @!p0 $0x1;
	_ =	shalt  }
.Lfunc_end2:
_tile_overlayer_lowered:
.L_overlay_start_2:
0xf3: {  	(tag) =	ssettag $0x2  }
0xf4: {  	s0 =	rddreg [dreg:$0x0];
	s2 =	stileid.u32  }
0xf5: {  	s1 =	rddreg [dreg:$0x1];
	p0 =	sne.s32 s2, $0x0  }
0xf6: {  	s3 =	rddreg [dreg:$0x2];
	[bflag:$0x3] =	sbarrier.arrive $0xFFFF;
	s2 =	simm.s32 @!p0 $0x1C01  }
0xf7: {  	[timem:s3], [sflag:s2] =	dma.local @!p0 [hbm:s0], s1  }
0xf8: {  	s0 =	simm.s32 @!p0 $0x1  }
0xf9: {  	_ =	swait.ge @!p0 [sflag:s0], s1  }
0xfa: {  	s1 =	ssub.s32 @!p0 $0x0, s1;
	[sflag:s0] =	ssyncset.done @!p0 $0x0  }
0xfb: {  	[sflag:s0] =	ssyncadd.s32 @!p0 s1  }
0xfc: {  	[bflag:$0x3] =	sbarrier.arrive $0xFFFF  }
0xfd: {  	_ =	shalt  }

</sc_bundles>
